<compile_context>
chip_gen: v7x
topology: tpu7x:2x2x1
jax: 0.10.2.dev20260603
libtpu: 0.0.44.dev20260713+nightly
codegen_flags: <defaults>
</compile_context>

<pallas_src>
import functools

import jax
import jax.numpy as jnp
from jax import lax
from jax.experimental import pallas as pl
from jax.experimental.pallas import tpu as pltpu
from jax.experimental.pallas import tpu_sc as plsc

N_TOPICS = 100000
N_CLASSES = 128
BATCH = 16384

NC, NS, L = 2, 16, 16
NW = NC * NS
BPW = BATCH // NW
CH = 128
CHS = (64, 64, 128, 128, 64, 64)
OFFS = (0, 64, 128, 256, 384, 448)
NCH = len(CHS)
NB = 3
AHEAD = 2
CREG = N_CLASSES // L

_mesh = plsc.VectorSubcoreMesh(core_axis_name="c", subcore_axis_name="s")


@functools.partial(
    pl.kernel,
    out_type=jax.ShapeDtypeStruct((BATCH, N_CLASSES), jnp.float32),
    mesh=_mesh,
    scratch_types=[
        pltpu.VMEM((BPW,), jnp.int32),
        pltpu.VMEM((BPW,), jnp.float32),
        pltpu.VMEM((NB, CH, N_CLASSES), jnp.float32),
        pltpu.VMEM((NB, CH, N_CLASSES), jnp.float32),
        pltpu.SemaphoreType.DMA,
        pltpu.SemaphoreType.DMA,
        [pltpu.SemaphoreType.DMA] * NB,
        [pltpu.SemaphoreType.DMA] * NB,
        [pltpu.SemaphoreType.DMA] * NB,
    ],
)
def _calibrate(logits_hbm, topics_hbm, loga_hbm, b_hbm, out_hbm,
               idx_all, loga_all, x_v, b_v, sem_t, sem_l, sem_x, sem_b, sem_o):
    wid = lax.axis_index("s") * NC + lax.axis_index("c")
    base = wid * BPW

    cp_t = pltpu.async_copy(topics_hbm.at[pl.ds(base, BPW)], idx_all, sem_t)

    outs = [None] * NB

    def issue_x(ch):
        k = ch % NB
        if outs[k] is not None:
            outs[k].wait()
            outs[k] = None
        n = CHS[ch]
        return pltpu.async_copy(logits_hbm.at[pl.ds(base + OFFS[ch], n)],
                                x_v.at[k].at[pl.ds(0, n)], sem_x[k])

    def issue_b(ch):
        k = ch % NB
        n = CHS[ch]
        return pltpu.async_copy(b_hbm.at[idx_all.at[pl.ds(OFFS[ch], n)]],
                                b_v.at[k].at[pl.ds(0, n)], sem_b[k])

    def issue(ch):
        return issue_x(ch), issue_b(ch)

    early_x = [issue_x(ch) for ch in range(min(AHEAD, NCH))]
    cp_t.wait()
    cp_l = pltpu.async_copy(loga_hbm.at[idx_all], loga_all, sem_l)
    pending = {}
    for ch in range(min(AHEAD, NCH)):
        pending[ch] = (early_x[ch], issue_b(ch))
    cp_l.wait()
    for ch in range(NCH):
        if ch + AHEAD < NCH:
            pending[ch + AHEAD] = issue(ch + AHEAD)
        k = ch % NB
        cpx, cpb = pending.pop(ch)
        cpx.wait()
        cpb.wait()

        def pair_body(i, carry):
            r0 = i * 2
            g = (r0 // L) * L
            sv = jnp.exp(loga_all[pl.ds(OFFS[ch] + g, L)])
            for j in range(2):
                r = r0 + j
                iv = jnp.broadcast_to(r - g, (L,))
                s = lax.gather(
                    sv, iv[:, None],
                    dimension_numbers=lax.GatherDimensionNumbers(
                        offset_dims=(), collapsed_slice_dims=(0,),
                        start_index_map=(0,)),
                    slice_sizes=(1,),
                    mode=lax.GatherScatterMode.PROMISE_IN_BOUNDS)
                for c in range(CREG):
                    sl = (k, r, pl.ds(c * L, L))
                    plsc.addupdate(b_v.at[sl], x_v[sl] * s)
            return carry

        lax.fori_loop(0, CHS[ch] // 2, pair_body, 0)
        outs[k] = pltpu.async_copy(b_v.at[k].at[pl.ds(0, CHS[ch])],
                                   out_hbm.at[pl.ds(base + OFFS[ch], CHS[ch])],
                                   sem_o[k])
    for cp in outs:
        if cp is not None:
            cp.wait()


def kernel(logits, topics, loga, b):
    if topics.dtype != jnp.int32:
        topics = topics.astype(jnp.int32)
    return _calibrate(logits, topics, loga, b)

# --- scband reference (transcript-rebuilt; emitter-appended) ---
"""Pipeline reference for scband-torch-calibrator-45586782880350 (READ-ONLY COPY).

The authoritative reference and input builder live on the scoring server;
editing this copy changes nothing except your own understanding.
"""

import jax, jax.numpy as jnp
import numpy as np

N_TOPICS = 100000
N_CLASSES = 128
BATCH = 16384

def setup_inputs(seed: int = 0) -> dict:
    key = jax.random.key(seed)
    k1, k2, k3, k4 = jax.random.split(key, 4)
    logits = jax.random.normal(k1, (BATCH, N_CLASSES), dtype=jnp.float32)
    topics = jax.random.randint(k2, (BATCH,), 0, N_TOPICS, dtype=jnp.int64 if jax.config.jax_enable_x64 else jnp.int32)
    # learned parameters: share_a=False -> loga per-topic; share_b=False -> b per-topic per-class
    loga = jax.random.normal(k3, (N_TOPICS,), dtype=jnp.float32) * 0.01
    b = jax.random.normal(k4, (N_TOPICS, N_CLASSES), dtype=jnp.float32) * 0.01
    return {"logits": logits, "topics": topics, "loga": loga, "b": b}

def reference(logits, topics, loga, b):
    # share_a=False: scales = exp(loga)[topics].unsqueeze(1)
    scales = jnp.take(jnp.exp(loga), topics, axis=0)[:, None]
    # share_b=False: b_per = b[topics]
    b_per = jnp.take(b, topics, axis=0)
    # shift_then_scale=False: logits * scales + b_per
    return logits * scales + b_per

if __name__ == "__main__":
    import jax
    _d = setup_inputs()
    print(jax.jit(kernel)(*tuple(_d.values())))

</pallas_src>

<mosaic_0001>
#map = affine_map<(d0, d1) -> (0, 0)>
#map1 = affine_map<(d0, d1) -> (0)>
module attributes {stable_mosaic.version = 14 : i64} {
  func.func @_calibrate(%arg0: i32, %arg1: i32, %arg2: memref<16384x128xf32, #tpu.memory_space<hbm>>, %arg3: memref<16384xi32, #tpu.memory_space<hbm>>, %arg4: memref<100000xf32, #tpu.memory_space<hbm>>, %arg5: memref<100000x128xf32, #tpu.memory_space<hbm>>, %arg6: memref<16384x128xf32, #tpu.memory_space<hbm>>, %arg7: memref<512xi32, #tpu.memory_space<vmem>>, %arg8: memref<512xf32, #tpu.memory_space<vmem>>, %arg9: memref<3x128x128xf32, #tpu.memory_space<vmem>>, %arg10: memref<3x128x128xf32, #tpu.memory_space<vmem>>, %arg11: memref<!tpu.dma_semaphore, #tpu.memory_space<semaphore_mem>>, %arg12: memref<!tpu.dma_semaphore, #tpu.memory_space<semaphore_mem>>, %arg13: memref<!tpu.dma_semaphore, #tpu.memory_space<semaphore_mem>>, %arg14: memref<!tpu.dma_semaphore, #tpu.memory_space<semaphore_mem>>, %arg15: memref<!tpu.dma_semaphore, #tpu.memory_space<semaphore_mem>>, %arg16: memref<!tpu.dma_semaphore, #tpu.memory_space<semaphore_mem>>, %arg17: memref<!tpu.dma_semaphore, #tpu.memory_space<semaphore_mem>>, %arg18: memref<!tpu.dma_semaphore, #tpu.memory_space<semaphore_mem>>, %arg19: memref<!tpu.dma_semaphore, #tpu.memory_space<semaphore_mem>>, %arg20: memref<!tpu.dma_semaphore, #tpu.memory_space<semaphore_mem>>, %arg21: memref<!tpu.dma_semaphore, #tpu.memory_space<semaphore_mem>>) attributes {dimension_semantics = [#tpu.dimension_semantics<core_parallel>, #tpu.dimension_semantics<subcore_parallel>], iteration_bounds = array<i64: 2, 16>, scalar_prefetch = 0 : i64, scratch_operands = 15 : i64, tpu.core_type = #tpu.core_type<sc_vector_subcore>, window_params = [{transform_indices = #map}, {transform_indices = #map1}, {transform_indices = #map1}, {transform_indices = #map}, {transform_indices = #map}]} {
    %mul3A = arith.constant 2 : i32
    %mul3A_0 = arith.muli %arg1, %mul3A : i32
    %add3A = arith.addi %mul3A_0, %arg0 : i32
    %mul3A_1 = arith.constant 512 : i32
    %mul3A_2 = arith.muli %add3A, %mul3A_1 : i32
    %dma_start3A = tpu.memref_slice %arg3[%mul3A_2] : memref<16384xi32, #tpu.memory_space<hbm>> -> memref<512xi32, #tpu.memory_space<hbm>>
    %dma_start3A_3 = tpu.memref_slice %arg3[%mul3A_2] : memref<16384xi32, #tpu.memory_space<hbm>> -> memref<512xi32, #tpu.memory_space<hbm>>
    tpu.enqueue_dma source(%dma_start3A_3 : memref<512xi32, #tpu.memory_space<hbm>>) target(%arg7 : memref<512xi32, #tpu.memory_space<vmem>>) target_semaphore(%arg11 : memref<!tpu.dma_semaphore, #tpu.memory_space<semaphore_mem>>)
    %add3A_4 = arith.constant 0 : i32
    %add3A_5 = arith.addi %mul3A_2, %add3A_4 : i32
    %dma_start3A_6 = arith.constant 0 : i32
    %dma_start3A_7 = arith.constant 0 : i32
    %dma_start3A_8 = arith.constant 0 : i32
    %dma_start3A_9 = tpu.memref_slice %arg9[%dma_start3A_6, %dma_start3A_7, %dma_start3A_8] : memref<3x128x128xf32, #tpu.memory_space<vmem>> -> memref<1x128x128xf32, #tpu.memory_space<vmem>>
    %dma_start3A_10 = tpu.memref_squeeze %dma_start3A_9 : memref<1x128x128xf32, #tpu.memory_space<vmem>> -> memref<128x128xf32, #tpu.memory_space<vmem>>
    %dma_start3A_11 = arith.constant 0 : i32
    %dma_start3A_12 = arith.constant 0 : i32
    %dma_start3A_13 = tpu.memref_slice %dma_start3A_10[%dma_start3A_11, %dma_start3A_12] : memref<128x128xf32, #tpu.memory_space<vmem>> -> memref<64x128xf32, #tpu.memory_space<vmem>>
    %dma_start3A_14 = arith.constant 0 : i32
    %dma_start3A_15 = tpu.memref_slice %arg2[%add3A_5, %dma_start3A_14] : memref<16384x128xf32, #tpu.memory_space<hbm>> -> memref<64x128xf32, #tpu.memory_space<hbm>>
    %dma_start3A_16 = arith.constant 0 : i32
    %dma_start3A_17 = arith.constant 0 : i32
    %dma_start3A_18 = tpu.memref_slice %arg9[%dma_start3A_6, %dma_start3A_16, %dma_start3A_17] : memref<3x128x128xf32, #tpu.memory_space<vmem>> -> memref<1x128x128xf32, #tpu.memory_space<vmem>>
    %dma_start3A_19 = tpu.memref_squeeze %dma_start3A_18 : memref<1x128x128xf32, #tpu.memory_space<vmem>> -> memref<128x128xf32, #tpu.memory_space<vmem>>
    %dma_start3A_20 = arith.constant 0 : i32
    %dma_start3A_21 = arith.constant 0 : i32
    %dma_start3A_22 = tpu.memref_slice %dma_start3A_19[%dma_start3A_20, %dma_start3A_21] : memref<128x128xf32, #tpu.memory_space<vmem>> -> memref<64x128xf32, #tpu.memory_space<vmem>>
    %dma_start3A_23 = arith.constant 0 : i32
    %dma_start3A_24 = tpu.memref_slice %arg2[%add3A_5, %dma_start3A_23] : memref<16384x128xf32, #tpu.memory_space<hbm>> -> memref<64x128xf32, #tpu.memory_space<hbm>>
    tpu.enqueue_dma source(%dma_start3A_24 : memref<64x128xf32, #tpu.memory_space<hbm>>) target(%dma_start3A_22 : memref<64x128xf32, #tpu.memory_space<vmem>>) target_semaphore(%arg13 : memref<!tpu.dma_semaphore, #tpu.memory_space<semaphore_mem>>)
    %add3A_25 = arith.constant 64 : i32
    %add3A_26 = arith.addi %mul3A_2, %add3A_25 : i32
    %dma_start3A_27 = arith.constant 1 : i32
    %dma_start3A_28 = arith.constant 0 : i32
    %dma_start3A_29 = arith.constant 0 : i32
    %dma_start3A_30 = tpu.memref_slice %arg9[%dma_start3A_27, %dma_start3A_28, %dma_start3A_29] : memref<3x128x128xf32, #tpu.memory_space<vmem>> -> memref<1x128x128xf32, #tpu.memory_space<vmem>>
    %dma_start3A_31 = tpu.memref_squeeze %dma_start3A_30 : memref<1x128x128xf32, #tpu.memory_space<vmem>> -> memref<128x128xf32, #tpu.memory_space<vmem>>
    %dma_start3A_32 = arith.constant 0 : i32
    %dma_start3A_33 = arith.constant 0 : i32
    %dma_start3A_34 = tpu.memref_slice %dma_start3A_31[%dma_start3A_32, %dma_start3A_33] : memref<128x128xf32, #tpu.memory_space<vmem>> -> memref<64x128xf32, #tpu.memory_space<vmem>>
    %dma_start3A_35 = arith.constant 0 : i32
    %dma_start3A_36 = tpu.memref_slice %arg2[%add3A_26, %dma_start3A_35] : memref<16384x128xf32, #tpu.memory_space<hbm>> -> memref<64x128xf32, #tpu.memory_space<hbm>>
    %dma_start3A_37 = arith.constant 0 : i32
    %dma_start3A_38 = arith.constant 0 : i32
    %dma_start3A_39 = tpu.memref_slice %arg9[%dma_start3A_27, %dma_start3A_37, %dma_start3A_38] : memref<3x128x128xf32, #tpu.memory_space<vmem>> -> memref<1x128x128xf32, #tpu.memory_space<vmem>>
    %dma_start3A_40 = tpu.memref_squeeze %dma_start3A_39 : memref<1x128x128xf32, #tpu.memory_space<vmem>> -> memref<128x128xf32, #tpu.memory_space<vmem>>
    %dma_start3A_41 = arith.constant 0 : i32
    %dma_start3A_42 = arith.constant 0 : i32
    %dma_start3A_43 = tpu.memref_slice %dma_start3A_40[%dma_start3A_41, %dma_start3A_42] : memref<128x128xf32, #tpu.memory_space<vmem>> -> memref<64x128xf32, #tpu.memory_space<vmem>>
    %dma_start3A_44 = arith.constant 0 : i32
    %dma_start3A_45 = tpu.memref_slice %arg2[%add3A_26, %dma_start3A_44] : memref<16384x128xf32, #tpu.memory_space<hbm>> -> memref<64x128xf32, #tpu.memory_space<hbm>>
    tpu.enqueue_dma source(%dma_start3A_45 : memref<64x128xf32, #tpu.memory_space<hbm>>) target(%dma_start3A_43 : memref<64x128xf32, #tpu.memory_space<vmem>>) target_semaphore(%arg14 : memref<!tpu.dma_semaphore, #tpu.memory_space<semaphore_mem>>)
    %dma_wait3A = tpu.memref_slice %arg3[%mul3A_2] : memref<16384xi32, #tpu.memory_space<hbm>> -> memref<512xi32, #tpu.memory_space<hbm>>
    %dma_wait3A_46 = tpu.memref_slice %arg3[%mul3A_2] : memref<16384xi32, #tpu.memory_space<hbm>> -> memref<512xi32, #tpu.memory_space<hbm>>
    tpu.wait_dma2 semaphore(%arg11 : memref<!tpu.dma_semaphore, #tpu.memory_space<semaphore_mem>>) src(%dma_wait3A_46 : memref<512xi32, #tpu.memory_space<hbm>>) dst(%arg7 : memref<512xi32, #tpu.memory_space<vmem>>)
    %dma_start3A_47 = arith.constant 0 : i32
    %dma_start3A_48 = tpu.memref_slice %arg4[%dma_start3A_47] : memref<100000xf32, #tpu.memory_space<hbm>> -> memref<100000xf32, #tpu.memory_space<hbm>>
    tpu.enqueue_indirect_dma source(%dma_start3A_48 : memref<100000xf32, #tpu.memory_space<hbm>>) target(%arg8 : memref<512xf32, #tpu.memory_space<vmem>>) offsets(%arg7 : memref<512xi32, #tpu.memory_space<vmem>>) semaphore(%arg12 : memref<!tpu.dma_semaphore, #tpu.memory_space<semaphore_mem>>)
    %dma_start3A_49 = arith.constant 0 : i32
    %dma_start3A_50 = arith.constant 0 : i32
    %dma_start3A_51 = arith.constant 0 : i32
    %dma_start3A_52 = tpu.memref_slice %arg10[%dma_start3A_49, %dma_start3A_50, %dma_start3A_51] : memref<3x128x128xf32, #tpu.memory_space<vmem>> -> memref<1x128x128xf32, #tpu.memory_space<vmem>>
    %dma_start3A_53 = tpu.memref_squeeze %dma_start3A_52 : memref<1x128x128xf32, #tpu.memory_space<vmem>> -> memref<128x128xf32, #tpu.memory_space<vmem>>
    %dma_start3A_54 = arith.constant 0 : i32
    %dma_start3A_55 = arith.constant 0 : i32
    %dma_start3A_56 = tpu.memref_slice %dma_start3A_53[%dma_start3A_54, %dma_start3A_55] : memref<128x128xf32, #tpu.memory_space<vmem>> -> memref<64x128xf32, #tpu.memory_space<vmem>>
    %dma_start3A_57 = arith.constant 0 : i32
    %dma_start3A_58 = tpu.memref_slice %arg7[%dma_start3A_57] : memref<512xi32, #tpu.memory_space<vmem>> -> memref<64xi32, #tpu.memory_space<vmem>>
    %dma_start3A_59 = arith.constant 0 : i32
    %dma_start3A_60 = arith.constant 0 : i32
    %dma_start3A_61 = tpu.memref_slice %arg5[%dma_start3A_59, %dma_start3A_60] : memref<100000x128xf32, #tpu.memory_space<hbm>> -> memref<100000x128xf32, #tpu.memory_space<hbm>>
    tpu.enqueue_indirect_dma source(%dma_start3A_61 : memref<100000x128xf32, #tpu.memory_space<hbm>>) target(%dma_start3A_56 : memref<64x128xf32, #tpu.memory_space<vmem>>) offsets(%dma_start3A_58 : memref<64xi32, #tpu.memory_space<vmem>>) semaphore(%arg16 : memref<!tpu.dma_semaphore, #tpu.memory_space<semaphore_mem>>)
    %dma_start3A_62 = arith.constant 1 : i32
    %dma_start3A_63 = arith.constant 0 : i32
    %dma_start3A_64 = arith.constant 0 : i32
    %dma_start3A_65 = tpu.memref_slice %arg10[%dma_start3A_62, %dma_start3A_63, %dma_start3A_64] : memref<3x128x128xf32, #tpu.memory_space<vmem>> -> memref<1x128x128xf32, #tpu.memory_space<vmem>>
    %dma_start3A_66 = tpu.memref_squeeze %dma_start3A_65 : memref<1x128x128xf32, #tpu.memory_space<vmem>> -> memref<128x128xf32, #tpu.memory_space<vmem>>
    %dma_start3A_67 = arith.constant 0 : i32
    %dma_start3A_68 = arith.constant 0 : i32
    %dma_start3A_69 = tpu.memref_slice %dma_start3A_66[%dma_start3A_67, %dma_start3A_68] : memref<128x128xf32, #tpu.memory_space<vmem>> -> memref<64x128xf32, #tpu.memory_space<vmem>>
    %dma_start3A_70 = arith.constant 64 : i32
    %dma_start3A_71 = tpu.memref_slice %arg7[%dma_start3A_70] : memref<512xi32, #tpu.memory_space<vmem>> -> memref<64xi32, #tpu.memory_space<vmem>>
    %dma_start3A_72 = arith.constant 0 : i32
    %dma_start3A_73 = arith.constant 0 : i32
    %dma_start3A_74 = tpu.memref_slice %arg5[%dma_start3A_72, %dma_start3A_73] : memref<100000x128xf32, #tpu.memory_space<hbm>> -> memref<100000x128xf32, #tpu.memory_space<hbm>>
    tpu.enqueue_indirect_dma source(%dma_start3A_74 : memref<100000x128xf32, #tpu.memory_space<hbm>>) target(%dma_start3A_69 : memref<64x128xf32, #tpu.memory_space<vmem>>) offsets(%dma_start3A_71 : memref<64xi32, #tpu.memory_space<vmem>>) semaphore(%arg17 : memref<!tpu.dma_semaphore, #tpu.memory_space<semaphore_mem>>)
    %dma_wait3A_75 = arith.constant 0 : i32
    %dma_wait3A_76 = tpu.memref_slice %arg4[%dma_wait3A_75] : memref<100000xf32, #tpu.memory_space<hbm>> -> memref<100000xf32, #tpu.memory_space<hbm>>
    tpu.wait_indirect_dma semaphore(%arg12 : memref<!tpu.dma_semaphore, #tpu.memory_space<semaphore_mem>>) src(%dma_wait3A_76 : memref<100000xf32, #tpu.memory_space<hbm>>) dst(%arg8 : memref<512xf32, #tpu.memory_space<vmem>>)
    %add3A_77 = arith.constant 128 : i32
    %add3A_78 = arith.addi %mul3A_2, %add3A_77 : i32
    %dma_start3A_79 = arith.constant 2 : i32
    %dma_start3A_80 = arith.constant 0 : i32
    %dma_start3A_81 = arith.constant 0 : i32
    %dma_start3A_82 = tpu.memref_slice %arg9[%dma_start3A_79, %dma_start3A_80, %dma_start3A_81] : memref<3x128x128xf32, #tpu.memory_space<vmem>> -> memref<1x128x128xf32, #tpu.memory_space<vmem>>
    %dma_start3A_83 = tpu.memref_squeeze %dma_start3A_82 : memref<1x128x128xf32, #tpu.memory_space<vmem>> -> memref<128x128xf32, #tpu.memory_space<vmem>>
    %dma_start3A_84 = arith.constant 0 : i32
    %dma_start3A_85 = arith.constant 0 : i32
    %dma_start3A_86 = tpu.memref_slice %dma_start3A_83[%dma_start3A_84, %dma_start3A_85] : memref<128x128xf32, #tpu.memory_space<vmem>> -> memref<128x128xf32, #tpu.memory_space<vmem>>
    %dma_start3A_87 = arith.constant 0 : i32
    %dma_start3A_88 = tpu.memref_slice %arg2[%add3A_78, %dma_start3A_87] : memref<16384x128xf32, #tpu.memory_space<hbm>> -> memref<128x128xf32, #tpu.memory_space<hbm>>
    %dma_start3A_89 = arith.constant 0 : i32
    %dma_start3A_90 = arith.constant 0 : i32
    %dma_start3A_91 = tpu.memref_slice %arg9[%dma_start3A_79, %dma_start3A_89, %dma_start3A_90] : memref<3x128x128xf32, #tpu.memory_space<vmem>> -> memref<1x128x128xf32, #tpu.memory_space<vmem>>
    %dma_start3A_92 = tpu.memref_squeeze %dma_start3A_91 : memref<1x128x128xf32, #tpu.memory_space<vmem>> -> memref<128x128xf32, #tpu.memory_space<vmem>>
    %dma_start3A_93 = arith.constant 0 : i32
    %dma_start3A_94 = arith.constant 0 : i32
    %dma_start3A_95 = tpu.memref_slice %dma_start3A_92[%dma_start3A_93, %dma_start3A_94] : memref<128x128xf32, #tpu.memory_space<vmem>> -> memref<128x128xf32, #tpu.memory_space<vmem>>
    %dma_start3A_96 = arith.constant 0 : i32
    %dma_start3A_97 = tpu.memref_slice %arg2[%add3A_78, %dma_start3A_96] : memref<16384x128xf32, #tpu.memory_space<hbm>> -> memref<128x128xf32, #tpu.memory_space<hbm>>
    tpu.enqueue_dma source(%dma_start3A_97 : memref<128x128xf32, #tpu.memory_space<hbm>>) target(%dma_start3A_95 : memref<128x128xf32, #tpu.memory_space<vmem>>) target_semaphore(%arg15 : memref<!tpu.dma_semaphore, #tpu.memory_space<semaphore_mem>>)
    %dma_start3A_98 = arith.constant 2 : i32
    %dma_start3A_99 = arith.constant 0 : i32
    %dma_start3A_100 = arith.constant 0 : i32
    %dma_start3A_101 = tpu.memref_slice %arg10[%dma_start3A_98, %dma_start3A_99, %dma_start3A_100] : memref<3x128x128xf32, #tpu.memory_space<vmem>> -> memref<1x128x128xf32, #tpu.memory_space<vmem>>
    %dma_start3A_102 = tpu.memref_squeeze %dma_start3A_101 : memref<1x128x128xf32, #tpu.memory_space<vmem>> -> memref<128x128xf32, #tpu.memory_space<vmem>>
    %dma_start3A_103 = arith.constant 0 : i32
    %dma_start3A_104 = arith.constant 0 : i32
    %dma_start3A_105 = tpu.memref_slice %dma_start3A_102[%dma_start3A_103, %dma_start3A_104] : memref<128x128xf32, #tpu.memory_space<vmem>> -> memref<128x128xf32, #tpu.memory_space<vmem>>
    %dma_start3A_106 = arith.constant 128 : i32
    %dma_start3A_107 = tpu.memref_slice %arg7[%dma_start3A_106] : memref<512xi32, #tpu.memory_space<vmem>> -> memref<128xi32, #tpu.memory_space<vmem>>
    %dma_start3A_108 = arith.constant 0 : i32
    %dma_start3A_109 = arith.constant 0 : i32
    %dma_start3A_110 = tpu.memref_slice %arg5[%dma_start3A_108, %dma_start3A_109] : memref<100000x128xf32, #tpu.memory_space<hbm>> -> memref<100000x128xf32, #tpu.memory_space<hbm>>
    tpu.enqueue_indirect_dma source(%dma_start3A_110 : memref<100000x128xf32, #tpu.memory_space<hbm>>) target(%dma_start3A_105 : memref<128x128xf32, #tpu.memory_space<vmem>>) offsets(%dma_start3A_107 : memref<128xi32, #tpu.memory_space<vmem>>) semaphore(%arg18 : memref<!tpu.dma_semaphore, #tpu.memory_space<semaphore_mem>>)
    %dma_wait3A_111 = arith.constant 0 : i32
    %dma_wait3A_112 = arith.constant 0 : i32
    %dma_wait3A_113 = arith.constant 0 : i32
    %dma_wait3A_114 = tpu.memref_slice %arg9[%dma_wait3A_111, %dma_wait3A_112, %dma_wait3A_113] : memref<3x128x128xf32, #tpu.memory_space<vmem>> -> memref<1x128x128xf32, #tpu.memory_space<vmem>>
    %dma_wait3A_115 = tpu.memref_squeeze %dma_wait3A_114 : memref<1x128x128xf32, #tpu.memory_space<vmem>> -> memref<128x128xf32, #tpu.memory_space<vmem>>
    %dma_wait3A_116 = arith.constant 0 : i32
    %dma_wait3A_117 = arith.constant 0 : i32
    %dma_wait3A_118 = tpu.memref_slice %dma_wait3A_115[%dma_wait3A_116, %dma_wait3A_117] : memref<128x128xf32, #tpu.memory_space<vmem>> -> memref<64x128xf32, #tpu.memory_space<vmem>>
    %dma_wait3A_119 = arith.constant 0 : i32
    %dma_wait3A_120 = tpu.memref_slice %arg2[%add3A_5, %dma_wait3A_119] : memref<16384x128xf32, #tpu.memory_space<hbm>> -> memref<64x128xf32, #tpu.memory_space<hbm>>
    %dma_wait3A_121 = arith.constant 0 : i32
    %dma_wait3A_122 = arith.constant 0 : i32
    %dma_wait3A_123 = tpu.memref_slice %arg9[%dma_wait3A_111, %dma_wait3A_121, %dma_wait3A_122] : memref<3x128x128xf32, #tpu.memory_space<vmem>> -> memref<1x128x128xf32, #tpu.memory_space<vmem>>
    %dma_wait3A_124 = tpu.memref_squeeze %dma_wait3A_123 : memref<1x128x128xf32, #tpu.memory_space<vmem>> -> memref<128x128xf32, #tpu.memory_space<vmem>>
    %dma_wait3A_125 = arith.constant 0 : i32
    %dma_wait3A_126 = arith.constant 0 : i32
    %dma_wait3A_127 = tpu.memref_slice %dma_wait3A_124[%dma_wait3A_125, %dma_wait3A_126] : memref<128x128xf32, #tpu.memory_space<vmem>> -> memref<64x128xf32, #tpu.memory_space<vmem>>
    %dma_wait3A_128 = arith.constant 0 : i32
    %dma_wait3A_129 = tpu.memref_slice %arg2[%add3A_5, %dma_wait3A_128] : memref<16384x128xf32, #tpu.memory_space<hbm>> -> memref<64x128xf32, #tpu.memory_space<hbm>>
    tpu.wait_dma2 semaphore(%arg13 : memref<!tpu.dma_semaphore, #tpu.memory_space<semaphore_mem>>) src(%dma_wait3A_129 : memref<64x128xf32, #tpu.memory_space<hbm>>) dst(%dma_wait3A_127 : memref<64x128xf32, #tpu.memory_space<vmem>>)
    %dma_wait3A_130 = arith.constant 0 : i32
    %dma_wait3A_131 = arith.constant 0 : i32
    %dma_wait3A_132 = arith.constant 0 : i32
    %dma_wait3A_133 = tpu.memref_slice %arg10[%dma_wait3A_130, %dma_wait3A_131, %dma_wait3A_132] : memref<3x128x128xf32, #tpu.memory_space<vmem>> -> memref<1x128x128xf32, #tpu.memory_space<vmem>>
    %dma_wait3A_134 = tpu.memref_squeeze %dma_wait3A_133 : memref<1x128x128xf32, #tpu.memory_space<vmem>> -> memref<128x128xf32, #tpu.memory_space<vmem>>
    %dma_wait3A_135 = arith.constant 0 : i32
    %dma_wait3A_136 = arith.constant 0 : i32
    %dma_wait3A_137 = tpu.memref_slice %dma_wait3A_134[%dma_wait3A_135, %dma_wait3A_136] : memref<128x128xf32, #tpu.memory_space<vmem>> -> memref<64x128xf32, #tpu.memory_space<vmem>>
    %dma_wait3A_138 = arith.constant 0 : i32
    %dma_wait3A_139 = tpu.memref_slice %arg7[%dma_wait3A_138] : memref<512xi32, #tpu.memory_space<vmem>> -> memref<64xi32, #tpu.memory_space<vmem>>
    %dma_wait3A_140 = arith.constant 0 : i32
    %dma_wait3A_141 = arith.constant 0 : i32
    %dma_wait3A_142 = tpu.memref_slice %arg5[%dma_wait3A_140, %dma_wait3A_141] : memref<100000x128xf32, #tpu.memory_space<hbm>> -> memref<100000x128xf32, #tpu.memory_space<hbm>>
    tpu.wait_indirect_dma semaphore(%arg16 : memref<!tpu.dma_semaphore, #tpu.memory_space<semaphore_mem>>) src(%dma_wait3A_142 : memref<100000x128xf32, #tpu.memory_space<hbm>>) dst(%dma_wait3A_137 : memref<64x128xf32, #tpu.memory_space<vmem>>)
    %scan3A = arith.constant 0 : i32
    %scan3A_143 = arith.constant 0 : i32
    %scan3A_144 = arith.constant 32 : i32
    %scan3A_145 = arith.addi %scan3A_143, %scan3A_144 : i32
    %scan3A_146 = arith.constant 1 : i32
    scf.for %scan3A_680 = %scan3A_143 to %scan3A_145 step %scan3A_146  : i32 {
      %mul3A_681 = arith.constant 2 : i32
      %mul3A_682 = arith.muli %scan3A_680, %mul3A_681 : i32
      %jit3A = arith.constant 16 : i32
      %div3A = arith.divsi %mul3A_682, %jit3A : i32
      %sign3A = arith.constant 0 : i32
      %sign3A_683 = arith.cmpi sgt, %mul3A_682, %sign3A : i32
      %sign3A_684 = arith.extui %sign3A_683 : i1 to i32
      %sign3A_685 = arith.constant 0 : i32
      %sign3A_686 = arith.cmpi slt, %mul3A_682, %sign3A_685 : i32
      %sign3A_687 = arith.extui %sign3A_686 : i1 to i32
      %sign3A_688 = arith.subi %sign3A_684, %sign3A_687 : i32
      %sign3A_689 = arith.constant 0 : i32
      %sign3A_690 = arith.cmpi sgt, %jit3A, %sign3A_689 : i32
      %sign3A_691 = arith.extui %sign3A_690 : i1 to i32
      %sign3A_692 = arith.constant 0 : i32
      %sign3A_693 = arith.cmpi slt, %jit3A, %sign3A_692 : i32
      %sign3A_694 = arith.extui %sign3A_693 : i1 to i32
      %sign3A_695 = arith.subi %sign3A_691, %sign3A_694 : i32
      %ne3A = arith.cmpi ne, %sign3A_688, %sign3A_695 : i32
      %rem3A = arith.remsi %mul3A_682, %jit3A : i32
      %ne3A_696 = arith.constant 0 : i32
      %ne3A_697 = arith.cmpi ne, %rem3A, %ne3A_696 : i32
      %and3A = arith.andi %ne3A, %ne3A_697 : i1
      %sub3A = arith.constant 1 : i32
      %sub3A_698 = arith.subi %div3A, %sub3A : i32
      %select_n3A = arith.select %and3A, %sub3A_698, %div3A : i32
      %mul3A_699 = arith.constant 16 : i32
      %mul3A_700 = arith.muli %select_n3A, %mul3A_699 : i32
      %add3A_701 = arith.constant 0 : i32
      %add3A_702 = arith.addi %add3A_701, %mul3A_700 : i32
      %get3A = arith.index_cast %add3A_702 : i32 to index
      %get3A_703 = tpu.vector_load %arg8[%get3A] {strides = array<i32>} : memref<512xf32, #tpu.memory_space<vmem>>, vector<16xf32>,
      %get3A_704 = vector.shape_cast %get3A_703 : vector<16xf32> to vector<16xf32>
      %exp3A = math.exp %get3A_704 : vector<16xf32>
      %add3A_705 = arith.constant 0 : i32
      %add3A_706 = arith.addi %mul3A_682, %add3A_705 : i32
      %sub3A_707 = arith.subi %add3A_706, %mul3A_700 : i32
      %broadcast_in_dim3A = vector.broadcast %sub3A_707 : i32 to vector<16xi32>
      %broadcast_in_dim3A_708 = vector.shape_cast %broadcast_in_dim3A : vector<16xi32> to vector<16x1xi32>
      %gather3A = vector.shape_cast %broadcast_in_dim3A_708 : vector<16x1xi32> to vector<16xi32>
      %gather3A_709 = tpu.dynamic_gather %exp3A[%gather3A] in [0] : vector<16xf32>, vector<16xi32> -> vector<16xf32>
      %get3A_710 = arith.constant 0 : i32
      %get3A_711 = arith.index_cast %get3A_710 : i32 to index
      %get3A_712 = arith.index_cast %add3A_706 : i32 to index
      %get3A_713 = arith.constant 0 : index
      %get3A_714 = tpu.vector_load %arg9[%get3A_711, %get3A_712, %get3A_713] {strides = array<i32>} : memref<3x128x128xf32, #tpu.memory_space<vmem>>, vector<1x1x16xf32>,
      %get3A_715 = vector.shape_cast %get3A_714 : vector<1x1x16xf32> to vector<16xf32>
      %mul3A_716 = arith.mulf %get3A_715, %gather3A_709 : vector<16xf32>
      %swap3A = arith.constant 0 : i32
      %swap3A_717 = arith.index_cast %swap3A : i32 to index
      %swap3A_718 = arith.index_cast %add3A_706 : i32 to index
      %swap3A_719 = arith.constant 0 : index
      %swap3A_720 = tpu.vector_load %arg10[%swap3A_717, %swap3A_718, %swap3A_719] {strides = array<i32>} : memref<3x128x128xf32, #tpu.memory_space<vmem>>, vector<1x1x16xf32>,
      %swap3A_721 = vector.shape_cast %swap3A_720 : vector<1x1x16xf32> to vector<16xf32>
      %swap3A_722 = vector.shape_cast %mul3A_716 : vector<16xf32> to vector<1x1x16xf32>
      tpu.vector_store %arg10[%swap3A_717, %swap3A_718, %swap3A_719], %swap3A_722 {add = true, strides = array<i32>} : memref<3x128x128xf32, #tpu.memory_space<vmem>>, vector<1x1x16xf32>,
      %get3A_723 = arith.constant 0 : i32
      %get3A_724 = arith.index_cast %get3A_723 : i32 to index
      %get3A_725 = arith.index_cast %add3A_706 : i32 to index
      %get3A_726 = arith.constant 16 : index
      %get3A_727 = tpu.vector_load %arg9[%get3A_724, %get3A_725, %get3A_726] {strides = array<i32>} : memref<3x128x128xf32, #tpu.memory_space<vmem>>, vector<1x1x16xf32>,
      %get3A_728 = vector.shape_cast %get3A_727 : vector<1x1x16xf32> to vector<16xf32>
      %mul3A_729 = arith.mulf %get3A_728, %gather3A_709 : vector<16xf32>
      %swap3A_730 = arith.constant 0 : i32
      %swap3A_731 = arith.index_cast %swap3A_730 : i32 to index
      %swap3A_732 = arith.index_cast %add3A_706 : i32 to index
      %swap3A_733 = arith.constant 16 : index
      %swap3A_734 = tpu.vector_load %arg10[%swap3A_731, %swap3A_732, %swap3A_733] {strides = array<i32>} : memref<3x128x128xf32, #tpu.memory_space<vmem>>, vector<1x1x16xf32>,
      %swap3A_735 = vector.shape_cast %swap3A_734 : vector<1x1x16xf32> to vector<16xf32>
      %swap3A_736 = vector.shape_cast %mul3A_729 : vector<16xf32> to vector<1x1x16xf32>
      tpu.vector_store %arg10[%swap3A_731, %swap3A_732, %swap3A_733], %swap3A_736 {add = true, strides = array<i32>} : memref<3x128x128xf32, #tpu.memory_space<vmem>>, vector<1x1x16xf32>,
      %get3A_737 = arith.constant 0 : i32
      %get3A_738 = arith.index_cast %get3A_737 : i32 to index
      %get3A_739 = arith.index_cast %add3A_706 : i32 to index
      %get3A_740 = arith.constant 32 : index
      %get3A_741 = tpu.vector_load %arg9[%get3A_738, %get3A_739, %get3A_740] {strides = array<i32>} : memref<3x128x128xf32, #tpu.memory_space<vmem>>, vector<1x1x16xf32>,
      %get3A_742 = vector.shape_cast %get3A_741 : vector<1x1x16xf32> to vector<16xf32>
      %mul3A_743 = arith.mulf %get3A_742, %gather3A_709 : vector<16xf32>
      %swap3A_744 = arith.constant 0 : i32
      %swap3A_745 = arith.index_cast %swap3A_744 : i32 to index
      %swap3A_746 = arith.index_cast %add3A_706 : i32 to index
      %swap3A_747 = arith.constant 32 : index
      %swap3A_748 = tpu.vector_load %arg10[%swap3A_745, %swap3A_746, %swap3A_747] {strides = array<i32>} : memref<3x128x128xf32, #tpu.memory_space<vmem>>, vector<1x1x16xf32>,
      %swap3A_749 = vector.shape_cast %swap3A_748 : vector<1x1x16xf32> to vector<16xf32>
      %swap3A_750 = vector.shape_cast %mul3A_743 : vector<16xf32> to vector<1x1x16xf32>
      tpu.vector_store %arg10[%swap3A_745, %swap3A_746, %swap3A_747], %swap3A_750 {add = true, strides = array<i32>} : memref<3x128x128xf32, #tpu.memory_space<vmem>>, vector<1x1x16xf32>,
      %get3A_751 = arith.constant 0 : i32
      %get3A_752 = arith.index_cast %get3A_751 : i32 to index
      %get3A_753 = arith.index_cast %add3A_706 : i32 to index
      %get3A_754 = arith.constant 48 : index
      %get3A_755 = tpu.vector_load %arg9[%get3A_752, %get3A_753, %get3A_754] {strides = array<i32>} : memref<3x128x128xf32, #tpu.memory_space<vmem>>, vector<1x1x16xf32>,
      %get3A_756 = vector.shape_cast %get3A_755 : vector<1x1x16xf32> to vector<16xf32>
      %mul3A_757 = arith.mulf %get3A_756, %gather3A_709 : vector<16xf32>
      %swap3A_758 = arith.constant 0 : i32
      %swap3A_759 = arith.index_cast %swap3A_758 : i32 to index
      %swap3A_760 = arith.index_cast %add3A_706 : i32 to index
      %swap3A_761 = arith.constant 48 : index
      %swap3A_762 = tpu.vector_load %arg10[%swap3A_759, %swap3A_760, %swap3A_761] {strides = array<i32>} : memref<3x128x128xf32, #tpu.memory_space<vmem>>, vector<1x1x16xf32>,
      %swap3A_763 = vector.shape_cast %swap3A_762 : vector<1x1x16xf32> to vector<16xf32>
      %swap3A_764 = vector.shape_cast %mul3A_757 : vector<16xf32> to vector<1x1x16xf32>
      tpu.vector_store %arg10[%swap3A_759, %swap3A_760, %swap3A_761], %swap3A_764 {add = true, strides = array<i32>} : memref<3x128x128xf32, #tpu.memory_space<vmem>>, vector<1x1x16xf32>,
      %get3A_765 = arith.constant 0 : i32
      %get3A_766 = arith.index_cast %get3A_765 : i32 to index
      %get3A_767 = arith.index_cast %add3A_706 : i32 to index
      %get3A_768 = arith.constant 64 : index
      %get3A_769 = tpu.vector_load %arg9[%get3A_766, %get3A_767, %get3A_768] {strides = array<i32>} : memref<3x128x128xf32, #tpu.memory_space<vmem>>, vector<1x1x16xf32>,
      %get3A_770 = vector.shape_cast %get3A_769 : vector<1x1x16xf32> to vector<16xf32>
      %mul3A_771 = arith.mulf %get3A_770, %gather3A_709 : vector<16xf32>
      %swap3A_772 = arith.constant 0 : i32
      %swap3A_773 = arith.index_cast %swap3A_772 : i32 to index
      %swap3A_774 = arith.index_cast %add3A_706 : i32 to index
      %swap3A_775 = arith.constant 64 : index
      %swap3A_776 = tpu.vector_load %arg10[%swap3A_773, %swap3A_774, %swap3A_775] {strides = array<i32>} : memref<3x128x128xf32, #tpu.memory_space<vmem>>, vector<1x1x16xf32>,
      %swap3A_777 = vector.shape_cast %swap3A_776 : vector<1x1x16xf32> to vector<16xf32>
      %swap3A_778 = vector.shape_cast %mul3A_771 : vector<16xf32> to vector<1x1x16xf32>
      tpu.vector_store %arg10[%swap3A_773, %swap3A_774, %swap3A_775], %swap3A_778 {add = true, strides = array<i32>} : memref<3x128x128xf32, #tpu.memory_space<vmem>>, vector<1x1x16xf32>,
      %get3A_779 = arith.constant 0 : i32
      %get3A_780 = arith.index_cast %get3A_779 : i32 to index
      %get3A_781 = arith.index_cast %add3A_706 : i32 to index
      %get3A_782 = arith.constant 80 : index
      %get3A_783 = tpu.vector_load %arg9[%get3A_780, %get3A_781, %get3A_782] {strides = array<i32>} : memref<3x128x128xf32, #tpu.memory_space<vmem>>, vector<1x1x16xf32>,
      %get3A_784 = vector.shape_cast %get3A_783 : vector<1x1x16xf32> to vector<16xf32>
      %mul3A_785 = arith.mulf %get3A_784, %gather3A_709 : vector<16xf32>
      %swap3A_786 = arith.constant 0 : i32
      %swap3A_787 = arith.index_cast %swap3A_786 : i32 to index
      %swap3A_788 = arith.index_cast %add3A_706 : i32 to index
      %swap3A_789 = arith.constant 80 : index
      %swap3A_790 = tpu.vector_load %arg10[%swap3A_787, %swap3A_788, %swap3A_789] {strides = array<i32>} : memref<3x128x128xf32, #tpu.memory_space<vmem>>, vector<1x1x16xf32>,
      %swap3A_791 = vector.shape_cast %swap3A_790 : vector<1x1x16xf32> to vector<16xf32>
      %swap3A_792 = vector.shape_cast %mul3A_785 : vector<16xf32> to vector<1x1x16xf32>
      tpu.vector_store %arg10[%swap3A_787, %swap3A_788, %swap3A_789], %swap3A_792 {add = true, strides = array<i32>} : memref<3x128x128xf32, #tpu.memory_space<vmem>>, vector<1x1x16xf32>,
      %get3A_793 = arith.constant 0 : i32
      %get3A_794 = arith.index_cast %get3A_793 : i32 to index
      %get3A_795 = arith.index_cast %add3A_706 : i32 to index
      %get3A_796 = arith.constant 96 : index
      %get3A_797 = tpu.vector_load %arg9[%get3A_794, %get3A_795, %get3A_796] {strides = array<i32>} : memref<3x128x128xf32, #tpu.memory_space<vmem>>, vector<1x1x16xf32>,
      %get3A_798 = vector.shape_cast %get3A_797 : vector<1x1x16xf32> to vector<16xf32>
      %mul3A_799 = arith.mulf %get3A_798, %gather3A_709 : vector<16xf32>
      %swap3A_800 = arith.constant 0 : i32
      %swap3A_801 = arith.index_cast %swap3A_800 : i32 to index
      %swap3A_802 = arith.index_cast %add3A_706 : i32 to index
      %swap3A_803 = arith.constant 96 : index
      %swap3A_804 = tpu.vector_load %arg10[%swap3A_801, %swap3A_802, %swap3A_803] {strides = array<i32>} : memref<3x128x128xf32, #tpu.memory_space<vmem>>, vector<1x1x16xf32>,
      %swap3A_805 = vector.shape_cast %swap3A_804 : vector<1x1x16xf32> to vector<16xf32>
      %swap3A_806 = vector.shape_cast %mul3A_799 : vector<16xf32> to vector<1x1x16xf32>
      tpu.vector_store %arg10[%swap3A_801, %swap3A_802, %swap3A_803], %swap3A_806 {add = true, strides = array<i32>} : memref<3x128x128xf32, #tpu.memory_space<vmem>>, vector<1x1x16xf32>,
      %get3A_807 = arith.constant 0 : i32
      %get3A_808 = arith.index_cast %get3A_807 : i32 to index
      %get3A_809 = arith.index_cast %add3A_706 : i32 to index
      %get3A_810 = arith.constant 112 : index
      %get3A_811 = tpu.vector_load %arg9[%get3A_808, %get3A_809, %get3A_810] {strides = array<i32>} : memref<3x128x128xf32, #tpu.memory_space<vmem>>, vector<1x1x16xf32>,
      %get3A_812 = vector.shape_cast %get3A_811 : vector<1x1x16xf32> to vector<16xf32>
      %mul3A_813 = arith.mulf %get3A_812, %gather3A_709 : vector<16xf32>
      %swap3A_814 = arith.constant 0 : i32
      %swap3A_815 = arith.index_cast %swap3A_814 : i32 to index
      %swap3A_816 = arith.index_cast %add3A_706 : i32 to index
      %swap3A_817 = arith.constant 112 : index
      %swap3A_818 = tpu.vector_load %arg10[%swap3A_815, %swap3A_816, %swap3A_817] {strides = array<i32>} : memref<3x128x128xf32, #tpu.memory_space<vmem>>, vector<1x1x16xf32>,
      %swap3A_819 = vector.shape_cast %swap3A_818 : vector<1x1x16xf32> to vector<16xf32>
      %swap3A_820 = vector.shape_cast %mul3A_813 : vector<16xf32> to vector<1x1x16xf32>
      tpu.vector_store %arg10[%swap3A_815, %swap3A_816, %swap3A_817], %swap3A_820 {add = true, strides = array<i32>} : memref<3x128x128xf32, #tpu.memory_space<vmem>>, vector<1x1x16xf32>,
      %add3A_821 = arith.constant 1 : i32
      %add3A_822 = arith.addi %mul3A_682, %add3A_821 : i32
      %sub3A_823 = arith.subi %add3A_822, %mul3A_700 : i32
      %broadcast_in_dim3A_824 = vector.broadcast %sub3A_823 : i32 to vector<16xi32>
      %broadcast_in_dim3A_825 = vector.shape_cast %broadcast_in_dim3A_824 : vector<16xi32> to vector<16x1xi32>
      %gather3A_826 = vector.shape_cast %broadcast_in_dim3A_825 : vector<16x1xi32> to vector<16xi32>
      %gather3A_827 = tpu.dynamic_gather %exp3A[%gather3A_826] in [0] : vector<16xf32>, vector<16xi32> -> vector<16xf32>
      %get3A_828 = arith.constant 0 : i32
      %get3A_829 = arith.index_cast %get3A_828 : i32 to index
      %get3A_830 = arith.index_cast %add3A_822 : i32 to index
      %get3A_831 = arith.constant 0 : index
      %get3A_832 = tpu.vector_load %arg9[%get3A_829, %get3A_830, %get3A_831] {strides = array<i32>} : memref<3x128x128xf32, #tpu.memory_space<vmem>>, vector<1x1x16xf32>,
      %get3A_833 = vector.shape_cast %get3A_832 : vector<1x1x16xf32> to vector<16xf32>
      %mul3A_834 = arith.mulf %get3A_833, %gather3A_827 : vector<16xf32>
      %swap3A_835 = arith.constant 0 : i32
      %swap3A_836 = arith.index_cast %swap3A_835 : i32 to index
      %swap3A_837 = arith.index_cast %add3A_822 : i32 to index
      %swap3A_838 = arith.constant 0 : index
      %swap3A_839 = tpu.vector_load %arg10[%swap3A_836, %swap3A_837, %swap3A_838] {strides = array<i32>} : memref<3x128x128xf32, #tpu.memory_space<vmem>>, vector<1x1x16xf32>,
      %swap3A_840 = vector.shape_cast %swap3A_839 : vector<1x1x16xf32> to vector<16xf32>
      %swap3A_841 = vector.shape_cast %mul3A_834 : vector<16xf32> to vector<1x1x16xf32>
      tpu.vector_store %arg10[%swap3A_836, %swap3A_837, %swap3A_838], %swap3A_841 {add = true, strides = array<i32>} : memref<3x128x128xf32, #tpu.memory_space<vmem>>, vector<1x1x16xf32>,
      %get3A_842 = arith.constant 0 : i32
      %get3A_843 = arith.index_cast %get3A_842 : i32 to index
      %get3A_844 = arith.index_cast %add3A_822 : i32 to index
      %get3A_845 = arith.constant 16 : index
      %get3A_846 = tpu.vector_load %arg9[%get3A_843, %get3A_844, %get3A_845] {strides = array<i32>} : memref<3x128x128xf32, #tpu.memory_space<vmem>>, vector<1x1x16xf32>,
      %get3A_847 = vector.shape_cast %get3A_846 : vector<1x1x16xf32> to vector<16xf32>
      %mul3A_848 = arith.mulf %get3A_847, %gather3A_827 : vector<16xf32>
      %swap3A_849 = arith.constant 0 : i32
      %swap3A_850 = arith.index_cast %swap3A_849 : i32 to index
      %swap3A_851 = arith.index_cast %add3A_822 : i32 to index
      %swap3A_852 = arith.constant 16 : index
      %swap3A_853 = tpu.vector_load %arg10[%swap3A_850, %swap3A_851, %swap3A_852] {strides = array<i32>} : memref<3x128x128xf32, #tpu.memory_space<vmem>>, vector<1x1x16xf32>,
      %swap3A_854 = vector.shape_cast %swap3A_853 : vector<1x1x16xf32> to vector<16xf32>
      %swap3A_855 = vector.shape_cast %mul3A_848 : vector<16xf32> to vector<1x1x16xf32>
      tpu.vector_store %arg10[%swap3A_850, %swap3A_851, %swap3A_852], %swap3A_855 {add = true, strides = array<i32>} : memref<3x128x128xf32, #tpu.memory_space<vmem>>, vector<1x1x16xf32>,
      %get3A_856 = arith.constant 0 : i32
      %get3A_857 = arith.index_cast %get3A_856 : i32 to index
      %get3A_858 = arith.index_cast %add3A_822 : i32 to index
      %get3A_859 = arith.constant 32 : index
      %get3A_860 = tpu.vector_load %arg9[%get3A_857, %get3A_858, %get3A_859] {strides = array<i32>} : memref<3x128x128xf32, #tpu.memory_space<vmem>>, vector<1x1x16xf32>,
      %get3A_861 = vector.shape_cast %get3A_860 : vector<1x1x16xf32> to vector<16xf32>
      %mul3A_862 = arith.mulf %get3A_861, %gather3A_827 : vector<16xf32>
      %swap3A_863 = arith.constant 0 : i32
      %swap3A_864 = arith.index_cast %swap3A_863 : i32 to index
      %swap3A_865 = arith.index_cast %add3A_822 : i32 to index
      %swap3A_866 = arith.constant 32 : index
      %swap3A_867 = tpu.vector_load %arg10[%swap3A_864, %swap3A_865, %swap3A_866] {strides = array<i32>} : memref<3x128x128xf32, #tpu.memory_space<vmem>>, vector<1x1x16xf32>,
      %swap3A_868 = vector.shape_cast %swap3A_867 : vector<1x1x16xf32> to vector<16xf32>
      %swap3A_869 = vector.shape_cast %mul3A_862 : vector<16xf32> to vector<1x1x16xf32>
      tpu.vector_store %arg10[%swap3A_864, %swap3A_865, %swap3A_866], %swap3A_869 {add = true, strides = array<i32>} : memref<3x128x128xf32, #tpu.memory_space<vmem>>, vector<1x1x16xf32>,
      %get3A_870 = arith.constant 0 : i32
      %get3A_871 = arith.index_cast %get3A_870 : i32 to index
      %get3A_872 = arith.index_cast %add3A_822 : i32 to index
      %get3A_873 = arith.constant 48 : index
      %get3A_874 = tpu.vector_load %arg9[%get3A_871, %get3A_872, %get3A_873] {strides = array<i32>} : memref<3x128x128xf32, #tpu.memory_space<vmem>>, vector<1x1x16xf32>,
      %get3A_875 = vector.shape_cast %get3A_874 : vector<1x1x16xf32> to vector<16xf32>
      %mul3A_876 = arith.mulf %get3A_875, %gather3A_827 : vector<16xf32>
      %swap3A_877 = arith.constant 0 : i32
      %swap3A_878 = arith.index_cast %swap3A_877 : i32 to index
      %swap3A_879 = arith.index_cast %add3A_822 : i32 to index
      %swap3A_880 = arith.constant 48 : index
      %swap3A_881 = tpu.vector_load %arg10[%swap3A_878, %swap3A_879, %swap3A_880] {strides = array<i32>} : memref<3x128x128xf32, #tpu.memory_space<vmem>>, vector<1x1x16xf32>,
      %swap3A_882 = vector.shape_cast %swap3A_881 : vector<1x1x16xf32> to vector<16xf32>
      %swap3A_883 = vector.shape_cast %mul3A_876 : vector<16xf32> to vector<1x1x16xf32>
      tpu.vector_store %arg10[%swap3A_878, %swap3A_879, %swap3A_880], %swap3A_883 {add = true, strides = array<i32>} : memref<3x128x128xf32, #tpu.memory_space<vmem>>, vector<1x1x16xf32>,
      %get3A_884 = arith.constant 0 : i32
      %get3A_885 = arith.index_cast %get3A_884 : i32 to index
      %get3A_886 = arith.index_cast %add3A_822 : i32 to index
      %get3A_887 = arith.constant 64 : index
      %get3A_888 = tpu.vector_load %arg9[%get3A_885, %get3A_886, %get3A_887] {strides = array<i32>} : memref<3x128x128xf32, #tpu.memory_space<vmem>>, vector<1x1x16xf32>,
      %get3A_889 = vector.shape_cast %get3A_888 : vector<1x1x16xf32> to vector<16xf32>
      %mul3A_890 = arith.mulf %get3A_889, %gather3A_827 : vector<16xf32>
      %swap3A_891 = arith.constant 0 : i32
      %swap3A_892 = arith.index_cast %swap3A_891 : i32 to index
      %swap3A_893 = arith.index_cast %add3A_822 : i32 to index
      %swap3A_894 = arith.constant 64 : index
      %swap3A_895 = tpu.vector_load %arg10[%swap3A_892, %swap3A_893, %swap3A_894] {strides = array<i32>} : memref<3x128x128xf32, #tpu.memory_space<vmem>>, vector<1x1x16xf32>,
      %swap3A_896 = vector.shape_cast %swap3A_895 : vector<1x1x16xf32> to vector<16xf32>
      %swap3A_897 = vector.shape_cast %mul3A_890 : vector<16xf32> to vector<1x1x16xf32>
      tpu.vector_store %arg10[%swap3A_892, %swap3A_893, %swap3A_894], %swap3A_897 {add = true, strides = array<i32>} : memref<3x128x128xf32, #tpu.memory_space<vmem>>, vector<1x1x16xf32>,
      %get3A_898 = arith.constant 0 : i32
      %get3A_899 = arith.index_cast %get3A_898 : i32 to index
      %get3A_900 = arith.index_cast %add3A_822 : i32 to index
      %get3A_901 = arith.constant 80 : index
      %get3A_902 = tpu.vector_load %arg9[%get3A_899, %get3A_900, %get3A_901] {strides = array<i32>} : memref<3x128x128xf32, #tpu.memory_space<vmem>>, vector<1x1x16xf32>,
      %get3A_903 = vector.shape_cast %get3A_902 : vector<1x1x16xf32> to vector<16xf32>
      %mul3A_904 = arith.mulf %get3A_903, %gather3A_827 : vector<16xf32>
      %swap3A_905 = arith.constant 0 : i32
      %swap3A_906 = arith.index_cast %swap3A_905 : i32 to index
      %swap3A_907 = arith.index_cast %add3A_822 : i32 to index
      %swap3A_908 = arith.constant 80 : index
      %swap3A_909 = tpu.vector_load %arg10[%swap3A_906, %swap3A_907, %swap3A_908] {strides = array<i32>} : memref<3x128x128xf32, #tpu.memory_space<vmem>>, vector<1x1x16xf32>,
      %swap3A_910 = vector.shape_cast %swap3A_909 : vector<1x1x16xf32> to vector<16xf32>
      %swap3A_911 = vector.shape_cast %mul3A_904 : vector<16xf32> to vector<1x1x16xf32>
      tpu.vector_store %arg10[%swap3A_906, %swap3A_907, %swap3A_908], %swap3A_911 {add = true, strides = array<i32>} : memref<3x128x128xf32, #tpu.memory_space<vmem>>, vector<1x1x16xf32>,
      %get3A_912 = arith.constant 0 : i32
      %get3A_913 = arith.index_cast %get3A_912 : i32 to index
      %get3A_914 = arith.index_cast %add3A_822 : i32 to index
      %get3A_915 = arith.constant 96 : index
      %get3A_916 = tpu.vector_load %arg9[%get3A_913, %get3A_914, %get3A_915] {strides = array<i32>} : memref<3x128x128xf32, #tpu.memory_space<vmem>>, vector<1x1x16xf32>,
      %get3A_917 = vector.shape_cast %get3A_916 : vector<1x1x16xf32> to vector<16xf32>
      %mul3A_918 = arith.mulf %get3A_917, %gather3A_827 : vector<16xf32>
      %swap3A_919 = arith.constant 0 : i32
      %swap3A_920 = arith.index_cast %swap3A_919 : i32 to index
      %swap3A_921 = arith.index_cast %add3A_822 : i32 to index
      %swap3A_922 = arith.constant 96 : index
      %swap3A_923 = tpu.vector_load %arg10[%swap3A_920, %swap3A_921, %swap3A_922] {strides = array<i32>} : memref<3x128x128xf32, #tpu.memory_space<vmem>>, vector<1x1x16xf32>,
      %swap3A_924 = vector.shape_cast %swap3A_923 : vector<1x1x16xf32> to vector<16xf32>
      %swap3A_925 = vector.shape_cast %mul3A_918 : vector<16xf32> to vector<1x1x16xf32>
      tpu.vector_store %arg10[%swap3A_920, %swap3A_921, %swap3A_922], %swap3A_925 {add = true, strides = array<i32>} : memref<3x128x128xf32, #tpu.memory_space<vmem>>, vector<1x1x16xf32>,
      %get3A_926 = arith.constant 0 : i32
      %get3A_927 = arith.index_cast %get3A_926 : i32 to index
      %get3A_928 = arith.index_cast %add3A_822 : i32 to index
      %get3A_929 = arith.constant 112 : index
      %get3A_930 = tpu.vector_load %arg9[%get3A_927, %get3A_928, %get3A_929] {strides = array<i32>} : memref<3x128x128xf32, #tpu.memory_space<vmem>>, vector<1x1x16xf32>,
      %get3A_931 = vector.shape_cast %get3A_930 : vector<1x1x16xf32> to vector<16xf32>
      %mul3A_932 = arith.mulf %get3A_931, %gather3A_827 : vector<16xf32>
      %swap3A_933 = arith.constant 0 : i32
      %swap3A_934 = arith.index_cast %swap3A_933 : i32 to index
      %swap3A_935 = arith.index_cast %add3A_822 : i32 to index
      %swap3A_936 = arith.constant 112 : index
      %swap3A_937 = tpu.vector_load %arg10[%swap3A_934, %swap3A_935, %swap3A_936] {strides = array<i32>} : memref<3x128x128xf32, #tpu.memory_space<vmem>>, vector<1x1x16xf32>,
      %swap3A_938 = vector.shape_cast %swap3A_937 : vector<1x1x16xf32> to vector<16xf32>
      %swap3A_939 = vector.shape_cast %mul3A_932 : vector<16xf32> to vector<1x1x16xf32>
      tpu.vector_store %arg10[%swap3A_934, %swap3A_935, %swap3A_936], %swap3A_939 {add = true, strides = array<i32>} : memref<3x128x128xf32, #tpu.memory_space<vmem>>, vector<1x1x16xf32>,
    }
    %scan3A_147 = arith.constant 32 : i32
    %add3A_148 = arith.constant 0 : i32
    %add3A_149 = arith.addi %mul3A_2, %add3A_148 : i32
    %dma_start3A_150 = arith.constant 0 : i32
    %dma_start3A_151 = arith.constant 0 : i32
    %dma_start3A_152 = arith.constant 0 : i32
    %dma_start3A_153 = tpu.memref_slice %arg10[%dma_start3A_150, %dma_start3A_151, %dma_start3A_152] : memref<3x128x128xf32, #tpu.memory_space<vmem>> -> memref<1x128x128xf32, #tpu.memory_space<vmem>>
    %dma_start3A_154 = tpu.memref_squeeze %dma_start3A_153 : memref<1x128x128xf32, #tpu.memory_space<vmem>> -> memref<128x128xf32, #tpu.memory_space<vmem>>
    %dma_start3A_155 = arith.constant 0 : i32
    %dma_start3A_156 = arith.constant 0 : i32
    %dma_start3A_157 = tpu.memref_slice %dma_start3A_154[%dma_start3A_155, %dma_start3A_156] : memref<128x128xf32, #tpu.memory_space<vmem>> -> memref<64x128xf32, #tpu.memory_space<vmem>>
    %dma_start3A_158 = arith.constant 0 : i32
    %dma_start3A_159 = tpu.memref_slice %arg6[%add3A_149, %dma_start3A_158] : memref<16384x128xf32, #tpu.memory_space<hbm>> -> memref<64x128xf32, #tpu.memory_space<hbm>>
    %dma_start3A_160 = arith.constant 0 : i32
    %dma_start3A_161 = tpu.memref_slice %arg6[%add3A_149, %dma_start3A_160] : memref<16384x128xf32, #tpu.memory_space<hbm>> -> memref<64x128xf32, #tpu.memory_space<hbm>>
    %dma_start3A_162 = arith.constant 0 : i32
    %dma_start3A_163 = arith.constant 0 : i32
    %dma_start3A_164 = tpu.memref_slice %arg10[%dma_start3A_150, %dma_start3A_162, %dma_start3A_163] : memref<3x128x128xf32, #tpu.memory_space<vmem>> -> memref<1x128x128xf32, #tpu.memory_space<vmem>>
    %dma_start3A_165 = tpu.memref_squeeze %dma_start3A_164 : memref<1x128x128xf32, #tpu.memory_space<vmem>> -> memref<128x128xf32, #tpu.memory_space<vmem>>
    %dma_start3A_166 = arith.constant 0 : i32
    %dma_start3A_167 = arith.constant 0 : i32
    %dma_start3A_168 = tpu.memref_slice %dma_start3A_165[%dma_start3A_166, %dma_start3A_167] : memref<128x128xf32, #tpu.memory_space<vmem>> -> memref<64x128xf32, #tpu.memory_space<vmem>>
    tpu.enqueue_dma source(%dma_start3A_168 : memref<64x128xf32, #tpu.memory_space<vmem>>) target(%dma_start3A_161 : memref<64x128xf32, #tpu.memory_space<hbm>>) target_semaphore(%arg19 : memref<!tpu.dma_semaphore, #tpu.memory_space<semaphore_mem>>)
    %dma_wait3A_169 = arith.constant 0 : i32
    %dma_wait3A_170 = arith.constant 0 : i32
    %dma_wait3A_171 = arith.constant 0 : i32
    %dma_wait3A_172 = tpu.memref_slice %arg10[%dma_wait3A_169, %dma_wait3A_170, %dma_wait3A_171] : memref<3x128x128xf32, #tpu.memory_space<vmem>> -> memref<1x128x128xf32, #tpu.memory_space<vmem>>
    %dma_wait3A_173 = tpu.memref_squeeze %dma_wait3A_172 : memref<1x128x128xf32, #tpu.memory_space<vmem>> -> memref<128x128xf32, #tpu.memory_space<vmem>>
    %dma_wait3A_174 = arith.constant 0 : i32
    %dma_wait3A_175 = arith.constant 0 : i32
    %dma_wait3A_176 = tpu.memref_slice %dma_wait3A_173[%dma_wait3A_174, %dma_wait3A_175] : memref<128x128xf32, #tpu.memory_space<vmem>> -> memref<64x128xf32, #tpu.memory_space<vmem>>
    %dma_wait3A_177 = arith.constant 0 : i32
    %dma_wait3A_178 = tpu.memref_slice %arg6[%add3A_149, %dma_wait3A_177] : memref<16384x128xf32, #tpu.memory_space<hbm>> -> memref<64x128xf32, #tpu.memory_space<hbm>>
    %dma_wait3A_179 = arith.constant 0 : i32
    %dma_wait3A_180 = tpu.memref_slice %arg6[%add3A_149, %dma_wait3A_179] : memref<16384x128xf32, #tpu.memory_space<hbm>> -> memref<64x128xf32, #tpu.memory_space<hbm>>
    %dma_wait3A_181 = arith.constant 0 : i32
    %dma_wait3A_182 = arith.constant 0 : i32
    %dma_wait3A_183 = tpu.memref_slice %arg10[%dma_wait3A_169, %dma_wait3A_181, %dma_wait3A_182] : memref<3x128x128xf32, #tpu.memory_space<vmem>> -> memref<1x128x128xf32, #tpu.memory_space<vmem>>
    %dma_wait3A_184 = tpu.memref_squeeze %dma_wait3A_183 : memref<1x128x128xf32, #tpu.memory_space<vmem>> -> memref<128x128xf32, #tpu.memory_space<vmem>>
    %dma_wait3A_185 = arith.constant 0 : i32
    %dma_wait3A_186 = arith.constant 0 : i32
    %dma_wait3A_187 = tpu.memref_slice %dma_wait3A_184[%dma_wait3A_185, %dma_wait3A_186] : memref<128x128xf32, #tpu.memory_space<vmem>> -> memref<64x128xf32, #tpu.memory_space<vmem>>
    tpu.wait_dma2 semaphore(%arg19 : memref<!tpu.dma_semaphore, #tpu.memory_space<semaphore_mem>>) src(%dma_wait3A_187 : memref<64x128xf32, #tpu.memory_space<vmem>>) dst(%dma_wait3A_180 : memref<64x128xf32, #tpu.memory_space<hbm>>)
    %add3A_188 = arith.constant 256 : i32
    %add3A_189 = arith.addi %mul3A_2, %add3A_188 : i32
    %dma_start3A_190 = arith.constant 0 : i32
    %dma_start3A_191 = arith.constant 0 : i32
    %dma_start3A_192 = arith.constant 0 : i32
    %dma_start3A_193 = tpu.memref_slice %arg9[%dma_start3A_190, %dma_start3A_191, %dma_start3A_192] : memref<3x128x128xf32, #tpu.memory_space<vmem>> -> memref<1x128x128xf32, #tpu.memory_space<vmem>>
    %dma_start3A_194 = tpu.memref_squeeze %dma_start3A_193 : memref<1x128x128xf32, #tpu.memory_space<vmem>> -> memref<128x128xf32, #tpu.memory_space<vmem>>
    %dma_start3A_195 = arith.constant 0 : i32
    %dma_start3A_196 = arith.constant 0 : i32
    %dma_start3A_197 = tpu.memref_slice %dma_start3A_194[%dma_start3A_195, %dma_start3A_196] : memref<128x128xf32, #tpu.memory_space<vmem>> -> memref<128x128xf32, #tpu.memory_space<vmem>>
    %dma_start3A_198 = arith.constant 0 : i32
    %dma_start3A_199 = tpu.memref_slice %arg2[%add3A_189, %dma_start3A_198] : memref<16384x128xf32, #tpu.memory_space<hbm>> -> memref<128x128xf32, #tpu.memory_space<hbm>>
    %dma_start3A_200 = arith.constant 0 : i32
    %dma_start3A_201 = arith.constant 0 : i32
    %dma_start3A_202 = tpu.memref_slice %arg9[%dma_start3A_190, %dma_start3A_200, %dma_start3A_201] : memref<3x128x128xf32, #tpu.memory_space<vmem>> -> memref<1x128x128xf32, #tpu.memory_space<vmem>>
    %dma_start3A_203 = tpu.memref_squeeze %dma_start3A_202 : memref<1x128x128xf32, #tpu.memory_space<vmem>> -> memref<128x128xf32, #tpu.memory_space<vmem>>
    %dma_start3A_204 = arith.constant 0 : i32
    %dma_start3A_205 = arith.constant 0 : i32
    %dma_start3A_206 = tpu.memref_slice %dma_start3A_203[%dma_start3A_204, %dma_start3A_205] : memref<128x128xf32, #tpu.memory_space<vmem>> -> memref<128x128xf32, #tpu.memory_space<vmem>>
    %dma_start3A_207 = arith.constant 0 : i32
    %dma_start3A_208 = tpu.memref_slice %arg2[%add3A_189, %dma_start3A_207] : memref<16384x128xf32, #tpu.memory_space<hbm>> -> memref<128x128xf32, #tpu.memory_space<hbm>>
    tpu.enqueue_dma source(%dma_start3A_208 : memref<128x128xf32, #tpu.memory_space<hbm>>) target(%dma_start3A_206 : memref<128x128xf32, #tpu.memory_space<vmem>>) target_semaphore(%arg13 : memref<!tpu.dma_semaphore, #tpu.memory_space<semaphore_mem>>)
    %dma_start3A_209 = arith.constant 0 : i32
    %dma_start3A_210 = arith.constant 0 : i32
    %dma_start3A_211 = arith.constant 0 : i32
    %dma_start3A_212 = tpu.memref_slice %arg10[%dma_start3A_209, %dma_start3A_210, %dma_start3A_211] : memref<3x128x128xf32, #tpu.memory_space<vmem>> -> memref<1x128x128xf32, #tpu.memory_space<vmem>>
    %dma_start3A_213 = tpu.memref_squeeze %dma_start3A_212 : memref<1x128x128xf32, #tpu.memory_space<vmem>> -> memref<128x128xf32, #tpu.memory_space<vmem>>
    %dma_start3A_214 = arith.constant 0 : i32
    %dma_start3A_215 = arith.constant 0 : i32
    %dma_start3A_216 = tpu.memref_slice %dma_start3A_213[%dma_start3A_214, %dma_start3A_215] : memref<128x128xf32, #tpu.memory_space<vmem>> -> memref<128x128xf32, #tpu.memory_space<vmem>>
    %dma_start3A_217 = arith.constant 256 : i32
    %dma_start3A_218 = tpu.memref_slice %arg7[%dma_start3A_217] : memref<512xi32, #tpu.memory_space<vmem>> -> memref<128xi32, #tpu.memory_space<vmem>>
    %dma_start3A_219 = arith.constant 0 : i32
    %dma_start3A_220 = arith.constant 0 : i32
    %dma_start3A_221 = tpu.memref_slice %arg5[%dma_start3A_219, %dma_start3A_220] : memref<100000x128xf32, #tpu.memory_space<hbm>> -> memref<100000x128xf32, #tpu.memory_space<hbm>>
    tpu.enqueue_indirect_dma source(%dma_start3A_221 : memref<100000x128xf32, #tpu.memory_space<hbm>>) target(%dma_start3A_216 : memref<128x128xf32, #tpu.memory_space<vmem>>) offsets(%dma_start3A_218 : memref<128xi32, #tpu.memory_space<vmem>>) semaphore(%arg16 : memref<!tpu.dma_semaphore, #tpu.memory_space<semaphore_mem>>)
    %dma_wait3A_222 = arith.constant 1 : i32
    %dma_wait3A_223 = arith.constant 0 : i32
    %dma_wait3A_224 = arith.constant 0 : i32
    %dma_wait3A_225 = tpu.memref_slice %arg9[%dma_wait3A_222, %dma_wait3A_223, %dma_wait3A_224] : memref<3x128x128xf32, #tpu.memory_space<vmem>> -> memref<1x128x128xf32, #tpu.memory_space<vmem>>
    %dma_wait3A_226 = tpu.memref_squeeze %dma_wait3A_225 : memref<1x128x128xf32, #tpu.memory_space<vmem>> -> memref<128x128xf32, #tpu.memory_space<vmem>>
    %dma_wait3A_227 = arith.constant 0 : i32
    %dma_wait3A_228 = arith.constant 0 : i32
    %dma_wait3A_229 = tpu.memref_slice %dma_wait3A_226[%dma_wait3A_227, %dma_wait3A_228] : memref<128x128xf32, #tpu.memory_space<vmem>> -> memref<64x128xf32, #tpu.memory_space<vmem>>
    %dma_wait3A_230 = arith.constant 0 : i32
    %dma_wait3A_231 = tpu.memref_slice %arg2[%add3A_26, %dma_wait3A_230] : memref<16384x128xf32, #tpu.memory_space<hbm>> -> memref<64x128xf32, #tpu.memory_space<hbm>>
    %dma_wait3A_232 = arith.constant 0 : i32
    %dma_wait3A_233 = arith.constant 0 : i32
    %dma_wait3A_234 = tpu.memref_slice %arg9[%dma_wait3A_222, %dma_wait3A_232, %dma_wait3A_233] : memref<3x128x128xf32, #tpu.memory_space<vmem>> -> memref<1x128x128xf32, #tpu.memory_space<vmem>>
    %dma_wait3A_235 = tpu.memref_squeeze %dma_wait3A_234 : memref<1x128x128xf32, #tpu.memory_space<vmem>> -> memref<128x128xf32, #tpu.memory_space<vmem>>
    %dma_wait3A_236 = arith.constant 0 : i32
    %dma_wait3A_237 = arith.constant 0 : i32
    %dma_wait3A_238 = tpu.memref_slice %dma_wait3A_235[%dma_wait3A_236, %dma_wait3A_237] : memref<128x128xf32, #tpu.memory_space<vmem>> -> memref<64x128xf32, #tpu.memory_space<vmem>>
    %dma_wait3A_239 = arith.constant 0 : i32
    %dma_wait3A_240 = tpu.memref_slice %arg2[%add3A_26, %dma_wait3A_239] : memref<16384x128xf32, #tpu.memory_space<hbm>> -> memref<64x128xf32, #tpu.memory_space<hbm>>
    tpu.wait_dma2 semaphore(%arg14 : memref<!tpu.dma_semaphore, #tpu.memory_space<semaphore_mem>>) src(%dma_wait3A_240 : memref<64x128xf32, #tpu.memory_space<hbm>>) dst(%dma_wait3A_238 : memref<64x128xf32, #tpu.memory_space<vmem>>)
    %dma_wait3A_241 = arith.constant 1 : i32
    %dma_wait3A_242 = arith.constant 0 : i32
    %dma_wait3A_243 = arith.constant 0 : i32
    %dma_wait3A_244 = tpu.memref_slice %arg10[%dma_wait3A_241, %dma_wait3A_242, %dma_wait3A_243] : memref<3x128x128xf32, #tpu.memory_space<vmem>> -> memref<1x128x128xf32, #tpu.memory_space<vmem>>
    %dma_wait3A_245 = tpu.memref_squeeze %dma_wait3A_244 : memref<1x128x128xf32, #tpu.memory_space<vmem>> -> memref<128x128xf32, #tpu.memory_space<vmem>>
    %dma_wait3A_246 = arith.constant 0 : i32
    %dma_wait3A_247 = arith.constant 0 : i32
    %dma_wait3A_248 = tpu.memref_slice %dma_wait3A_245[%dma_wait3A_246, %dma_wait3A_247] : memref<128x128xf32, #tpu.memory_space<vmem>> -> memref<64x128xf32, #tpu.memory_space<vmem>>
    %dma_wait3A_249 = arith.constant 64 : i32
    %dma_wait3A_250 = tpu.memref_slice %arg7[%dma_wait3A_249] : memref<512xi32, #tpu.memory_space<vmem>> -> memref<64xi32, #tpu.memory_space<vmem>>
    %dma_wait3A_251 = arith.constant 0 : i32
    %dma_wait3A_252 = arith.constant 0 : i32
    %dma_wait3A_253 = tpu.memref_slice %arg5[%dma_wait3A_251, %dma_wait3A_252] : memref<100000x128xf32, #tpu.memory_space<hbm>> -> memref<100000x128xf32, #tpu.memory_space<hbm>>
    tpu.wait_indirect_dma semaphore(%arg17 : memref<!tpu.dma_semaphore, #tpu.memory_space<semaphore_mem>>) src(%dma_wait3A_253 : memref<100000x128xf32, #tpu.memory_space<hbm>>) dst(%dma_wait3A_248 : memref<64x128xf32, #tpu.memory_space<vmem>>)
    %scan3A_254 = arith.constant 0 : i32
    %scan3A_255 = arith.constant 0 : i32
    %scan3A_256 = arith.constant 32 : i32
    %scan3A_257 = arith.addi %scan3A_255, %scan3A_256 : i32
    %scan3A_258 = arith.constant 1 : i32
    scf.for %scan3A_680 = %scan3A_255 to %scan3A_257 step %scan3A_258  : i32 {
      %mul3A_681 = arith.constant 2 : i32
      %mul3A_682 = arith.muli %scan3A_680, %mul3A_681 : i32
      %jit3A = arith.constant 16 : i32
      %div3A = arith.divsi %mul3A_682, %jit3A : i32
      %sign3A = arith.constant 0 : i32
      %sign3A_683 = arith.cmpi sgt, %mul3A_682, %sign3A : i32
      %sign3A_684 = arith.extui %sign3A_683 : i1 to i32
      %sign3A_685 = arith.constant 0 : i32
      %sign3A_686 = arith.cmpi slt, %mul3A_682, %sign3A_685 : i32
      %sign3A_687 = arith.extui %sign3A_686 : i1 to i32
      %sign3A_688 = arith.subi %sign3A_684, %sign3A_687 : i32
      %sign3A_689 = arith.constant 0 : i32
      %sign3A_690 = arith.cmpi sgt, %jit3A, %sign3A_689 : i32
      %sign3A_691 = arith.extui %sign3A_690 : i1 to i32
      %sign3A_692 = arith.constant 0 : i32
      %sign3A_693 = arith.cmpi slt, %jit3A, %sign3A_692 : i32
      %sign3A_694 = arith.extui %sign3A_693 : i1 to i32
      %sign3A_695 = arith.subi %sign3A_691, %sign3A_694 : i32
      %ne3A = arith.cmpi ne, %sign3A_688, %sign3A_695 : i32
      %rem3A = arith.remsi %mul3A_682, %jit3A : i32
      %ne3A_696 = arith.constant 0 : i32
      %ne3A_697 = arith.cmpi ne, %rem3A, %ne3A_696 : i32
      %and3A = arith.andi %ne3A, %ne3A_697 : i1
      %sub3A = arith.constant 1 : i32
      %sub3A_698 = arith.subi %div3A, %sub3A : i32
      %select_n3A = arith.select %and3A, %sub3A_698, %div3A : i32
      %mul3A_699 = arith.constant 16 : i32
      %mul3A_700 = arith.muli %select_n3A, %mul3A_699 : i32
      %add3A_701 = arith.constant 64 : i32
      %add3A_702 = arith.addi %add3A_701, %mul3A_700 : i32
      %get3A = arith.index_cast %add3A_702 : i32 to index
      %get3A_703 = tpu.vector_load %arg8[%get3A] {strides = array<i32>} : memref<512xf32, #tpu.memory_space<vmem>>, vector<16xf32>,
      %get3A_704 = vector.shape_cast %get3A_703 : vector<16xf32> to vector<16xf32>
      %exp3A = math.exp %get3A_704 : vector<16xf32>
      %add3A_705 = arith.constant 0 : i32
      %add3A_706 = arith.addi %mul3A_682, %add3A_705 : i32
      %sub3A_707 = arith.subi %add3A_706, %mul3A_700 : i32
      %broadcast_in_dim3A = vector.broadcast %sub3A_707 : i32 to vector<16xi32>
      %broadcast_in_dim3A_708 = vector.shape_cast %broadcast_in_dim3A : vector<16xi32> to vector<16x1xi32>
      %gather3A = vector.shape_cast %broadcast_in_dim3A_708 : vector<16x1xi32> to vector<16xi32>
      %gather3A_709 = tpu.dynamic_gather %exp3A[%gather3A] in [0] : vector<16xf32>, vector<16xi32> -> vector<16xf32>
      %get3A_710 = arith.constant 1 : i32
      %get3A_711 = arith.index_cast %get3A_710 : i32 to index
      %get3A_712 = arith.index_cast %add3A_706 : i32 to index
      %get3A_713 = arith.constant 0 : index
      %get3A_714 = tpu.vector_load %arg9[%get3A_711, %get3A_712, %get3A_713] {strides = array<i32>} : memref<3x128x128xf32, #tpu.memory_space<vmem>>, vector<1x1x16xf32>,
      %get3A_715 = vector.shape_cast %get3A_714 : vector<1x1x16xf32> to vector<16xf32>
      %mul3A_716 = arith.mulf %get3A_715, %gather3A_709 : vector<16xf32>
      %swap3A = arith.constant 1 : i32
      %swap3A_717 = arith.index_cast %swap3A : i32 to index
      %swap3A_718 = arith.index_cast %add3A_706 : i32 to index
      %swap3A_719 = arith.constant 0 : index
      %swap3A_720 = tpu.vector_load %arg10[%swap3A_717, %swap3A_718, %swap3A_719] {strides = array<i32>} : memref<3x128x128xf32, #tpu.memory_space<vmem>>, vector<1x1x16xf32>,
      %swap3A_721 = vector.shape_cast %swap3A_720 : vector<1x1x16xf32> to vector<16xf32>
      %swap3A_722 = vector.shape_cast %mul3A_716 : vector<16xf32> to vector<1x1x16xf32>
      tpu.vector_store %arg10[%swap3A_717, %swap3A_718, %swap3A_719], %swap3A_722 {add = true, strides = array<i32>} : memref<3x128x128xf32, #tpu.memory_space<vmem>>, vector<1x1x16xf32>,
      %get3A_723 = arith.constant 1 : i32
      %get3A_724 = arith.index_cast %get3A_723 : i32 to index
      %get3A_725 = arith.index_cast %add3A_706 : i32 to index
      %get3A_726 = arith.constant 16 : index
      %get3A_727 = tpu.vector_load %arg9[%get3A_724, %get3A_725, %get3A_726] {strides = array<i32>} : memref<3x128x128xf32, #tpu.memory_space<vmem>>, vector<1x1x16xf32>,
      %get3A_728 = vector.shape_cast %get3A_727 : vector<1x1x16xf32> to vector<16xf32>
      %mul3A_729 = arith.mulf %get3A_728, %gather3A_709 : vector<16xf32>
      %swap3A_730 = arith.constant 1 : i32
      %swap3A_731 = arith.index_cast %swap3A_730 : i32 to index
      %swap3A_732 = arith.index_cast %add3A_706 : i32 to index
      %swap3A_733 = arith.constant 16 : index
      %swap3A_734 = tpu.vector_load %arg10[%swap3A_731, %swap3A_732, %swap3A_733] {strides = array<i32>} : memref<3x128x128xf32, #tpu.memory_space<vmem>>, vector<1x1x16xf32>,
      %swap3A_735 = vector.shape_cast %swap3A_734 : vector<1x1x16xf32> to vector<16xf32>
      %swap3A_736 = vector.shape_cast %mul3A_729 : vector<16xf32> to vector<1x1x16xf32>
      tpu.vector_store %arg10[%swap3A_731, %swap3A_732, %swap3A_733], %swap3A_736 {add = true, strides = array<i32>} : memref<3x128x128xf32, #tpu.memory_space<vmem>>, vector<1x1x16xf32>,
      %get3A_737 = arith.constant 1 : i32
      %get3A_738 = arith.index_cast %get3A_737 : i32 to index
      %get3A_739 = arith.index_cast %add3A_706 : i32 to index
      %get3A_740 = arith.constant 32 : index
      %get3A_741 = tpu.vector_load %arg9[%get3A_738, %get3A_739, %get3A_740] {strides = array<i32>} : memref<3x128x128xf32, #tpu.memory_space<vmem>>, vector<1x1x16xf32>,
      %get3A_742 = vector.shape_cast %get3A_741 : vector<1x1x16xf32> to vector<16xf32>
      %mul3A_743 = arith.mulf %get3A_742, %gather3A_709 : vector<16xf32>
      %swap3A_744 = arith.constant 1 : i32
      %swap3A_745 = arith.index_cast %swap3A_744 : i32 to index
      %swap3A_746 = arith.index_cast %add3A_706 : i32 to index
      %swap3A_747 = arith.constant 32 : index
      %swap3A_748 = tpu.vector_load %arg10[%swap3A_745, %swap3A_746, %swap3A_747] {strides = array<i32>} : memref<3x128x128xf32, #tpu.memory_space<vmem>>, vector<1x1x16xf32>,
      %swap3A_749 = vector.shape_cast %swap3A_748 : vector<1x1x16xf32> to vector<16xf32>
      %swap3A_750 = vector.shape_cast %mul3A_743 : vector<16xf32> to vector<1x1x16xf32>
      tpu.vector_store %arg10[%swap3A_745, %swap3A_746, %swap3A_747], %swap3A_750 {add = true, strides = array<i32>} : memref<3x128x128xf32, #tpu.memory_space<vmem>>, vector<1x1x16xf32>,
      %get3A_751 = arith.constant 1 : i32
      %get3A_752 = arith.index_cast %get3A_751 : i32 to index
      %get3A_753 = arith.index_cast %add3A_706 : i32 to index
      %get3A_754 = arith.constant 48 : index
      %get3A_755 = tpu.vector_load %arg9[%get3A_752, %get3A_753, %get3A_754] {strides = array<i32>} : memref<3x128x128xf32, #tpu.memory_space<vmem>>, vector<1x1x16xf32>,
      %get3A_756 = vector.shape_cast %get3A_755 : vector<1x1x16xf32> to vector<16xf32>
      %mul3A_757 = arith.mulf %get3A_756, %gather3A_709 : vector<16xf32>
      %swap3A_758 = arith.constant 1 : i32
      %swap3A_759 = arith.index_cast %swap3A_758 : i32 to index
      %swap3A_760 = arith.index_cast %add3A_706 : i32 to index
      %swap3A_761 = arith.constant 48 : index
      %swap3A_762 = tpu.vector_load %arg10[%swap3A_759, %swap3A_760, %swap3A_761] {strides = array<i32>} : memref<3x128x128xf32, #tpu.memory_space<vmem>>, vector<1x1x16xf32>,
      %swap3A_763 = vector.shape_cast %swap3A_762 : vector<1x1x16xf32> to vector<16xf32>
      %swap3A_764 = vector.shape_cast %mul3A_757 : vector<16xf32> to vector<1x1x16xf32>
      tpu.vector_store %arg10[%swap3A_759, %swap3A_760, %swap3A_761], %swap3A_764 {add = true, strides = array<i32>} : memref<3x128x128xf32, #tpu.memory_space<vmem>>, vector<1x1x16xf32>,
      %get3A_765 = arith.constant 1 : i32
      %get3A_766 = arith.index_cast %get3A_765 : i32 to index
      %get3A_767 = arith.index_cast %add3A_706 : i32 to index
      %get3A_768 = arith.constant 64 : index
      %get3A_769 = tpu.vector_load %arg9[%get3A_766, %get3A_767, %get3A_768] {strides = array<i32>} : memref<3x128x128xf32, #tpu.memory_space<vmem>>, vector<1x1x16xf32>,
      %get3A_770 = vector.shape_cast %get3A_769 : vector<1x1x16xf32> to vector<16xf32>
      %mul3A_771 = arith.mulf %get3A_770, %gather3A_709 : vector<16xf32>
      %swap3A_772 = arith.constant 1 : i32
      %swap3A_773 = arith.index_cast %swap3A_772 : i32 to index
      %swap3A_774 = arith.index_cast %add3A_706 : i32 to index
      %swap3A_775 = arith.constant 64 : index
      %swap3A_776 = tpu.vector_load %arg10[%swap3A_773, %swap3A_774, %swap3A_775] {strides = array<i32>} : memref<3x128x128xf32, #tpu.memory_space<vmem>>, vector<1x1x16xf32>,
      %swap3A_777 = vector.shape_cast %swap3A_776 : vector<1x1x16xf32> to vector<16xf32>
      %swap3A_778 = vector.shape_cast %mul3A_771 : vector<16xf32> to vector<1x1x16xf32>
      tpu.vector_store %arg10[%swap3A_773, %swap3A_774, %swap3A_775], %swap3A_778 {add = true, strides = array<i32>} : memref<3x128x128xf32, #tpu.memory_space<vmem>>, vector<1x1x16xf32>,
      %get3A_779 = arith.constant 1 : i32
      %get3A_780 = arith.index_cast %get3A_779 : i32 to index
      %get3A_781 = arith.index_cast %add3A_706 : i32 to index
      %get3A_782 = arith.constant 80 : index
      %get3A_783 = tpu.vector_load %arg9[%get3A_780, %get3A_781, %get3A_782] {strides = array<i32>} : memref<3x128x128xf32, #tpu.memory_space<vmem>>, vector<1x1x16xf32>,
      %get3A_784 = vector.shape_cast %get3A_783 : vector<1x1x16xf32> to vector<16xf32>
      %mul3A_785 = arith.mulf %get3A_784, %gather3A_709 : vector<16xf32>
      %swap3A_786 = arith.constant 1 : i32
      %swap3A_787 = arith.index_cast %swap3A_786 : i32 to index
      %swap3A_788 = arith.index_cast %add3A_706 : i32 to index
      %swap3A_789 = arith.constant 80 : index
      %swap3A_790 = tpu.vector_load %arg10[%swap3A_787, %swap3A_788, %swap3A_789] {strides = array<i32>} : memref<3x128x128xf32, #tpu.memory_space<vmem>>, vector<1x1x16xf32>,
      %swap3A_791 = vector.shape_cast %swap3A_790 : vector<1x1x16xf32> to vector<16xf32>
      %swap3A_792 = vector.shape_cast %mul3A_785 : vector<16xf32> to vector<1x1x16xf32>
      tpu.vector_store %arg10[%swap3A_787, %swap3A_788, %swap3A_789], %swap3A_792 {add = true, strides = array<i32>} : memref<3x128x128xf32, #tpu.memory_space<vmem>>, vector<1x1x16xf32>,
      %get3A_793 = arith.constant 1 : i32
      %get3A_794 = arith.index_cast %get3A_793 : i32 to index
      %get3A_795 = arith.index_cast %add3A_706 : i32 to index
      %get3A_796 = arith.constant 96 : index
      %get3A_797 = tpu.vector_load %arg9[%get3A_794, %get3A_795, %get3A_796] {strides = array<i32>} : memref<3x128x128xf32, #tpu.memory_space<vmem>>, vector<1x1x16xf32>,
      %get3A_798 = vector.shape_cast %get3A_797 : vector<1x1x16xf32> to vector<16xf32>
      %mul3A_799 = arith.mulf %get3A_798, %gather3A_709 : vector<16xf32>
      %swap3A_800 = arith.constant 1 : i32
      %swap3A_801 = arith.index_cast %swap3A_800 : i32 to index
      %swap3A_802 = arith.index_cast %add3A_706 : i32 to index
      %swap3A_803 = arith.constant 96 : index
      %swap3A_804 = tpu.vector_load %arg10[%swap3A_801, %swap3A_802, %swap3A_803] {strides = array<i32>} : memref<3x128x128xf32, #tpu.memory_space<vmem>>, vector<1x1x16xf32>,
      %swap3A_805 = vector.shape_cast %swap3A_804 : vector<1x1x16xf32> to vector<16xf32>
      %swap3A_806 = vector.shape_cast %mul3A_799 : vector<16xf32> to vector<1x1x16xf32>
      tpu.vector_store %arg10[%swap3A_801, %swap3A_802, %swap3A_803], %swap3A_806 {add = true, strides = array<i32>} : memref<3x128x128xf32, #tpu.memory_space<vmem>>, vector<1x1x16xf32>,
      %get3A_807 = arith.constant 1 : i32
      %get3A_808 = arith.index_cast %get3A_807 : i32 to index
      %get3A_809 = arith.index_cast %add3A_706 : i32 to index
      %get3A_810 = arith.constant 112 : index
      %get3A_811 = tpu.vector_load %arg9[%get3A_808, %get3A_809, %get3A_810] {strides = array<i32>} : memref<3x128x128xf32, #tpu.memory_space<vmem>>, vector<1x1x16xf32>,
      %get3A_812 = vector.shape_cast %get3A_811 : vector<1x1x16xf32> to vector<16xf32>
      %mul3A_813 = arith.mulf %get3A_812, %gather3A_709 : vector<16xf32>
      %swap3A_814 = arith.constant 1 : i32
      %swap3A_815 = arith.index_cast %swap3A_814 : i32 to index
      %swap3A_816 = arith.index_cast %add3A_706 : i32 to index
      %swap3A_817 = arith.constant 112 : index
      %swap3A_818 = tpu.vector_load %arg10[%swap3A_815, %swap3A_816, %swap3A_817] {strides = array<i32>} : memref<3x128x128xf32, #tpu.memory_space<vmem>>, vector<1x1x16xf32>,
      %swap3A_819 = vector.shape_cast %swap3A_818 : vector<1x1x16xf32> to vector<16xf32>
      %swap3A_820 = vector.shape_cast %mul3A_813 : vector<16xf32> to vector<1x1x16xf32>
      tpu.vector_store %arg10[%swap3A_815, %swap3A_816, %swap3A_817], %swap3A_820 {add = true, strides = array<i32>} : memref<3x128x128xf32, #tpu.memory_space<vmem>>, vector<1x1x16xf32>,
      %add3A_821 = arith.constant 1 : i32
      %add3A_822 = arith.addi %mul3A_682, %add3A_821 : i32
      %sub3A_823 = arith.subi %add3A_822, %mul3A_700 : i32
      %broadcast_in_dim3A_824 = vector.broadcast %sub3A_823 : i32 to vector<16xi32>
      %broadcast_in_dim3A_825 = vector.shape_cast %broadcast_in_dim3A_824 : vector<16xi32> to vector<16x1xi32>
      %gather3A_826 = vector.shape_cast %broadcast_in_dim3A_825 : vector<16x1xi32> to vector<16xi32>
      %gather3A_827 = tpu.dynamic_gather %exp3A[%gather3A_826] in [0] : vector<16xf32>, vector<16xi32> -> vector<16xf32>
      %get3A_828 = arith.constant 1 : i32
      %get3A_829 = arith.index_cast %get3A_828 : i32 to index
      %get3A_830 = arith.index_cast %add3A_822 : i32 to index
      %get3A_831 = arith.constant 0 : index
      %get3A_832 = tpu.vector_load %arg9[%get3A_829, %get3A_830, %get3A_831] {strides = array<i32>} : memref<3x128x128xf32, #tpu.memory_space<vmem>>, vector<1x1x16xf32>,
      %get3A_833 = vector.shape_cast %get3A_832 : vector<1x1x16xf32> to vector<16xf32>
      %mul3A_834 = arith.mulf %get3A_833, %gather3A_827 : vector<16xf32>
      %swap3A_835 = arith.constant 1 : i32
      %swap3A_836 = arith.index_cast %swap3A_835 : i32 to index
      %swap3A_837 = arith.index_cast %add3A_822 : i32 to index
      %swap3A_838 = arith.constant 0 : index
      %swap3A_839 = tpu.vector_load %arg10[%swap3A_836, %swap3A_837, %swap3A_838] {strides = array<i32>} : memref<3x128x128xf32, #tpu.memory_space<vmem>>, vector<1x1x16xf32>,
      %swap3A_840 = vector.shape_cast %swap3A_839 : vector<1x1x16xf32> to vector<16xf32>
      %swap3A_841 = vector.shape_cast %mul3A_834 : vector<16xf32> to vector<1x1x16xf32>
      tpu.vector_store %arg10[%swap3A_836, %swap3A_837, %swap3A_838], %swap3A_841 {add = true, strides = array<i32>} : memref<3x128x128xf32, #tpu.memory_space<vmem>>, vector<1x1x16xf32>,
      %get3A_842 = arith.constant 1 : i32
      %get3A_843 = arith.index_cast %get3A_842 : i32 to index
      %get3A_844 = arith.index_cast %add3A_822 : i32 to index
      %get3A_845 = arith.constant 16 : index
      %get3A_846 = tpu.vector_load %arg9[%get3A_843, %get3A_844, %get3A_845] {strides = array<i32>} : memref<3x128x128xf32, #tpu.memory_space<vmem>>, vector<1x1x16xf32>,
      %get3A_847 = vector.shape_cast %get3A_846 : vector<1x1x16xf32> to vector<16xf32>
      %mul3A_848 = arith.mulf %get3A_847, %gather3A_827 : vector<16xf32>
      %swap3A_849 = arith.constant 1 : i32
      %swap3A_850 = arith.index_cast %swap3A_849 : i32 to index
      %swap3A_851 = arith.index_cast %add3A_822 : i32 to index
      %swap3A_852 = arith.constant 16 : index
      %swap3A_853 = tpu.vector_load %arg10[%swap3A_850, %swap3A_851, %swap3A_852] {strides = array<i32>} : memref<3x128x128xf32, #tpu.memory_space<vmem>>, vector<1x1x16xf32>,
      %swap3A_854 = vector.shape_cast %swap3A_853 : vector<1x1x16xf32> to vector<16xf32>
      %swap3A_855 = vector.shape_cast %mul3A_848 : vector<16xf32> to vector<1x1x16xf32>
      tpu.vector_store %arg10[%swap3A_850, %swap3A_851, %swap3A_852], %swap3A_855 {add = true, strides = array<i32>} : memref<3x128x128xf32, #tpu.memory_space<vmem>>, vector<1x1x16xf32>,
      %get3A_856 = arith.constant 1 : i32
      %get3A_857 = arith.index_cast %get3A_856 : i32 to index
      %get3A_858 = arith.index_cast %add3A_822 : i32 to index
      %get3A_859 = arith.constant 32 : index
      %get3A_860 = tpu.vector_load %arg9[%get3A_857, %get3A_858, %get3A_859] {strides = array<i32>} : memref<3x128x128xf32, #tpu.memory_space<vmem>>, vector<1x1x16xf32>,
      %get3A_861 = vector.shape_cast %get3A_860 : vector<1x1x16xf32> to vector<16xf32>
      %mul3A_862 = arith.mulf %get3A_861, %gather3A_827 : vector<16xf32>
      %swap3A_863 = arith.constant 1 : i32
      %swap3A_864 = arith.index_cast %swap3A_863 : i32 to index
      %swap3A_865 = arith.index_cast %add3A_822 : i32 to index
      %swap3A_866 = arith.constant 32 : index
      %swap3A_867 = tpu.vector_load %arg10[%swap3A_864, %swap3A_865, %swap3A_866] {strides = array<i32>} : memref<3x128x128xf32, #tpu.memory_space<vmem>>, vector<1x1x16xf32>,
      %swap3A_868 = vector.shape_cast %swap3A_867 : vector<1x1x16xf32> to vector<16xf32>
      %swap3A_869 = vector.shape_cast %mul3A_862 : vector<16xf32> to vector<1x1x16xf32>
      tpu.vector_store %arg10[%swap3A_864, %swap3A_865, %swap3A_866], %swap3A_869 {add = true, strides = array<i32>} : memref<3x128x128xf32, #tpu.memory_space<vmem>>, vector<1x1x16xf32>,
      %get3A_870 = arith.constant 1 : i32
      %get3A_871 = arith.index_cast %get3A_870 : i32 to index
      %get3A_872 = arith.index_cast %add3A_822 : i32 to index
      %get3A_873 = arith.constant 48 : index
      %get3A_874 = tpu.vector_load %arg9[%get3A_871, %get3A_872, %get3A_873] {strides = array<i32>} : memref<3x128x128xf32, #tpu.memory_space<vmem>>, vector<1x1x16xf32>,
      %get3A_875 = vector.shape_cast %get3A_874 : vector<1x1x16xf32> to vector<16xf32>
      %mul3A_876 = arith.mulf %get3A_875, %gather3A_827 : vector<16xf32>
      %swap3A_877 = arith.constant 1 : i32
      %swap3A_878 = arith.index_cast %swap3A_877 : i32 to index
      %swap3A_879 = arith.index_cast %add3A_822 : i32 to index
      %swap3A_880 = arith.constant 48 : index
      %swap3A_881 = tpu.vector_load %arg10[%swap3A_878, %swap3A_879, %swap3A_880] {strides = array<i32>} : memref<3x128x128xf32, #tpu.memory_space<vmem>>, vector<1x1x16xf32>,
      %swap3A_882 = vector.shape_cast %swap3A_881 : vector<1x1x16xf32> to vector<16xf32>
      %swap3A_883 = vector.shape_cast %mul3A_876 : vector<16xf32> to vector<1x1x16xf32>
      tpu.vector_store %arg10[%swap3A_878, %swap3A_879, %swap3A_880], %swap3A_883 {add = true, strides = array<i32>} : memref<3x128x128xf32, #tpu.memory_space<vmem>>, vector<1x1x16xf32>,
      %get3A_884 = arith.constant 1 : i32
      %get3A_885 = arith.index_cast %get3A_884 : i32 to index
      %get3A_886 = arith.index_cast %add3A_822 : i32 to index
      %get3A_887 = arith.constant 64 : index
      %get3A_888 = tpu.vector_load %arg9[%get3A_885, %get3A_886, %get3A_887] {strides = array<i32>} : memref<3x128x128xf32, #tpu.memory_space<vmem>>, vector<1x1x16xf32>,
      %get3A_889 = vector.shape_cast %get3A_888 : vector<1x1x16xf32> to vector<16xf32>
      %mul3A_890 = arith.mulf %get3A_889, %gather3A_827 : vector<16xf32>
      %swap3A_891 = arith.constant 1 : i32
      %swap3A_892 = arith.index_cast %swap3A_891 : i32 to index
      %swap3A_893 = arith.index_cast %add3A_822 : i32 to index
      %swap3A_894 = arith.constant 64 : index
      %swap3A_895 = tpu.vector_load %arg10[%swap3A_892, %swap3A_893, %swap3A_894] {strides = array<i32>} : memref<3x128x128xf32, #tpu.memory_space<vmem>>, vector<1x1x16xf32>,
      %swap3A_896 = vector.shape_cast %swap3A_895 : vector<1x1x16xf32> to vector<16xf32>
      %swap3A_897 = vector.shape_cast %mul3A_890 : vector<16xf32> to vector<1x1x16xf32>
      tpu.vector_store %arg10[%swap3A_892, %swap3A_893, %swap3A_894], %swap3A_897 {add = true, strides = array<i32>} : memref<3x128x128xf32, #tpu.memory_space<vmem>>, vector<1x1x16xf32>,
      %get3A_898 = arith.constant 1 : i32
      %get3A_899 = arith.index_cast %get3A_898 : i32 to index
      %get3A_900 = arith.index_cast %add3A_822 : i32 to index
      %get3A_901 = arith.constant 80 : index
      %get3A_902 = tpu.vector_load %arg9[%get3A_899, %get3A_900, %get3A_901] {strides = array<i32>} : memref<3x128x128xf32, #tpu.memory_space<vmem>>, vector<1x1x16xf32>,
      %get3A_903 = vector.shape_cast %get3A_902 : vector<1x1x16xf32> to vector<16xf32>
      %mul3A_904 = arith.mulf %get3A_903, %gather3A_827 : vector<16xf32>
      %swap3A_905 = arith.constant 1 : i32
      %swap3A_906 = arith.index_cast %swap3A_905 : i32 to index
      %swap3A_907 = arith.index_cast %add3A_822 : i32 to index
      %swap3A_908 = arith.constant 80 : index
      %swap3A_909 = tpu.vector_load %arg10[%swap3A_906, %swap3A_907, %swap3A_908] {strides = array<i32>} : memref<3x128x128xf32, #tpu.memory_space<vmem>>, vector<1x1x16xf32>,
      %swap3A_910 = vector.shape_cast %swap3A_909 : vector<1x1x16xf32> to vector<16xf32>
      %swap3A_911 = vector.shape_cast %mul3A_904 : vector<16xf32> to vector<1x1x16xf32>
      tpu.vector_store %arg10[%swap3A_906, %swap3A_907, %swap3A_908], %swap3A_911 {add = true, strides = array<i32>} : memref<3x128x128xf32, #tpu.memory_space<vmem>>, vector<1x1x16xf32>,
      %get3A_912 = arith.constant 1 : i32
      %get3A_913 = arith.index_cast %get3A_912 : i32 to index
      %get3A_914 = arith.index_cast %add3A_822 : i32 to index
      %get3A_915 = arith.constant 96 : index
      %get3A_916 = tpu.vector_load %arg9[%get3A_913, %get3A_914, %get3A_915] {strides = array<i32>} : memref<3x128x128xf32, #tpu.memory_space<vmem>>, vector<1x1x16xf32>,
      %get3A_917 = vector.shape_cast %get3A_916 : vector<1x1x16xf32> to vector<16xf32>
      %mul3A_918 = arith.mulf %get3A_917, %gather3A_827 : vector<16xf32>
      %swap3A_919 = arith.constant 1 : i32
      %swap3A_920 = arith.index_cast %swap3A_919 : i32 to index
      %swap3A_921 = arith.index_cast %add3A_822 : i32 to index
      %swap3A_922 = arith.constant 96 : index
      %swap3A_923 = tpu.vector_load %arg10[%swap3A_920, %swap3A_921, %swap3A_922] {strides = array<i32>} : memref<3x128x128xf32, #tpu.memory_space<vmem>>, vector<1x1x16xf32>,
      %swap3A_924 = vector.shape_cast %swap3A_923 : vector<1x1x16xf32> to vector<16xf32>
      %swap3A_925 = vector.shape_cast %mul3A_918 : vector<16xf32> to vector<1x1x16xf32>
      tpu.vector_store %arg10[%swap3A_920, %swap3A_921, %swap3A_922], %swap3A_925 {add = true, strides = array<i32>} : memref<3x128x128xf32, #tpu.memory_space<vmem>>, vector<1x1x16xf32>,
      %get3A_926 = arith.constant 1 : i32
      %get3A_927 = arith.index_cast %get3A_926 : i32 to index
      %get3A_928 = arith.index_cast %add3A_822 : i32 to index
      %get3A_929 = arith.constant 112 : index
      %get3A_930 = tpu.vector_load %arg9[%get3A_927, %get3A_928, %get3A_929] {strides = array<i32>} : memref<3x128x128xf32, #tpu.memory_space<vmem>>, vector<1x1x16xf32>,
      %get3A_931 = vector.shape_cast %get3A_930 : vector<1x1x16xf32> to vector<16xf32>
      %mul3A_932 = arith.mulf %get3A_931, %gather3A_827 : vector<16xf32>
      %swap3A_933 = arith.constant 1 : i32
      %swap3A_934 = arith.index_cast %swap3A_933 : i32 to index
      %swap3A_935 = arith.index_cast %add3A_822 : i32 to index
      %swap3A_936 = arith.constant 112 : index
      %swap3A_937 = tpu.vector_load %arg10[%swap3A_934, %swap3A_935, %swap3A_936] {strides = array<i32>} : memref<3x128x128xf32, #tpu.memory_space<vmem>>, vector<1x1x16xf32>,
      %swap3A_938 = vector.shape_cast %swap3A_937 : vector<1x1x16xf32> to vector<16xf32>
      %swap3A_939 = vector.shape_cast %mul3A_932 : vector<16xf32> to vector<1x1x16xf32>
      tpu.vector_store %arg10[%swap3A_934, %swap3A_935, %swap3A_936], %swap3A_939 {add = true, strides = array<i32>} : memref<3x128x128xf32, #tpu.memory_space<vmem>>, vector<1x1x16xf32>,
    }
    %scan3A_259 = arith.constant 32 : i32
    %add3A_260 = arith.constant 64 : i32
    %add3A_261 = arith.addi %mul3A_2, %add3A_260 : i32
    %dma_start3A_262 = arith.constant 1 : i32
    %dma_start3A_263 = arith.constant 0 : i32
    %dma_start3A_264 = arith.constant 0 : i32
    %dma_start3A_265 = tpu.memref_slice %arg10[%dma_start3A_262, %dma_start3A_263, %dma_start3A_264] : memref<3x128x128xf32, #tpu.memory_space<vmem>> -> memref<1x128x128xf32, #tpu.memory_space<vmem>>
    %dma_start3A_266 = tpu.memref_squeeze %dma_start3A_265 : memref<1x128x128xf32, #tpu.memory_space<vmem>> -> memref<128x128xf32, #tpu.memory_space<vmem>>
    %dma_start3A_267 = arith.constant 0 : i32
    %dma_start3A_268 = arith.constant 0 : i32
    %dma_start3A_269 = tpu.memref_slice %dma_start3A_266[%dma_start3A_267, %dma_start3A_268] : memref<128x128xf32, #tpu.memory_space<vmem>> -> memref<64x128xf32, #tpu.memory_space<vmem>>
    %dma_start3A_270 = arith.constant 0 : i32
    %dma_start3A_271 = tpu.memref_slice %arg6[%add3A_261, %dma_start3A_270] : memref<16384x128xf32, #tpu.memory_space<hbm>> -> memref<64x128xf32, #tpu.memory_space<hbm>>
    %dma_start3A_272 = arith.constant 0 : i32
    %dma_start3A_273 = tpu.memref_slice %arg6[%add3A_261, %dma_start3A_272] : memref<16384x128xf32, #tpu.memory_space<hbm>> -> memref<64x128xf32, #tpu.memory_space<hbm>>
    %dma_start3A_274 = arith.constant 0 : i32
    %dma_start3A_275 = arith.constant 0 : i32
    %dma_start3A_276 = tpu.memref_slice %arg10[%dma_start3A_262, %dma_start3A_274, %dma_start3A_275] : memref<3x128x128xf32, #tpu.memory_space<vmem>> -> memref<1x128x128xf32, #tpu.memory_space<vmem>>
    %dma_start3A_277 = tpu.memref_squeeze %dma_start3A_276 : memref<1x128x128xf32, #tpu.memory_space<vmem>> -> memref<128x128xf32, #tpu.memory_space<vmem>>
    %dma_start3A_278 = arith.constant 0 : i32
    %dma_start3A_279 = arith.constant 0 : i32
    %dma_start3A_280 = tpu.memref_slice %dma_start3A_277[%dma_start3A_278, %dma_start3A_279] : memref<128x128xf32, #tpu.memory_space<vmem>> -> memref<64x128xf32, #tpu.memory_space<vmem>>
    tpu.enqueue_dma source(%dma_start3A_280 : memref<64x128xf32, #tpu.memory_space<vmem>>) target(%dma_start3A_273 : memref<64x128xf32, #tpu.memory_space<hbm>>) target_semaphore(%arg20 : memref<!tpu.dma_semaphore, #tpu.memory_space<semaphore_mem>>)
    %dma_wait3A_281 = arith.constant 1 : i32
    %dma_wait3A_282 = arith.constant 0 : i32
    %dma_wait3A_283 = arith.constant 0 : i32
    %dma_wait3A_284 = tpu.memref_slice %arg10[%dma_wait3A_281, %dma_wait3A_282, %dma_wait3A_283] : memref<3x128x128xf32, #tpu.memory_space<vmem>> -> memref<1x128x128xf32, #tpu.memory_space<vmem>>
    %dma_wait3A_285 = tpu.memref_squeeze %dma_wait3A_284 : memref<1x128x128xf32, #tpu.memory_space<vmem>> -> memref<128x128xf32, #tpu.memory_space<vmem>>
    %dma_wait3A_286 = arith.constant 0 : i32
    %dma_wait3A_287 = arith.constant 0 : i32
    %dma_wait3A_288 = tpu.memref_slice %dma_wait3A_285[%dma_wait3A_286, %dma_wait3A_287] : memref<128x128xf32, #tpu.memory_space<vmem>> -> memref<64x128xf32, #tpu.memory_space<vmem>>
    %dma_wait3A_289 = arith.constant 0 : i32
    %dma_wait3A_290 = tpu.memref_slice %arg6[%add3A_261, %dma_wait3A_289] : memref<16384x128xf32, #tpu.memory_space<hbm>> -> memref<64x128xf32, #tpu.memory_space<hbm>>
    %dma_wait3A_291 = arith.constant 0 : i32
    %dma_wait3A_292 = tpu.memref_slice %arg6[%add3A_261, %dma_wait3A_291] : memref<16384x128xf32, #tpu.memory_space<hbm>> -> memref<64x128xf32, #tpu.memory_space<hbm>>
    %dma_wait3A_293 = arith.constant 0 : i32
    %dma_wait3A_294 = arith.constant 0 : i32
    %dma_wait3A_295 = tpu.memref_slice %arg10[%dma_wait3A_281, %dma_wait3A_293, %dma_wait3A_294] : memref<3x128x128xf32, #tpu.memory_space<vmem>> -> memref<1x128x128xf32, #tpu.memory_space<vmem>>
    %dma_wait3A_296 = tpu.memref_squeeze %dma_wait3A_295 : memref<1x128x128xf32, #tpu.memory_space<vmem>> -> memref<128x128xf32, #tpu.memory_space<vmem>>
    %dma_wait3A_297 = arith.constant 0 : i32
    %dma_wait3A_298 = arith.constant 0 : i32
    %dma_wait3A_299 = tpu.memref_slice %dma_wait3A_296[%dma_wait3A_297, %dma_wait3A_298] : memref<128x128xf32, #tpu.memory_space<vmem>> -> memref<64x128xf32, #tpu.memory_space<vmem>>
    tpu.wait_dma2 semaphore(%arg20 : memref<!tpu.dma_semaphore, #tpu.memory_space<semaphore_mem>>) src(%dma_wait3A_299 : memref<64x128xf32, #tpu.memory_space<vmem>>) dst(%dma_wait3A_292 : memref<64x128xf32, #tpu.memory_space<hbm>>)
    %add3A_300 = arith.constant 384 : i32
    %add3A_301 = arith.addi %mul3A_2, %add3A_300 : i32
    %dma_start3A_302 = arith.constant 1 : i32
    %dma_start3A_303 = arith.constant 0 : i32
    %dma_start3A_304 = arith.constant 0 : i32
    %dma_start3A_305 = tpu.memref_slice %arg9[%dma_start3A_302, %dma_start3A_303, %dma_start3A_304] : memref<3x128x128xf32, #tpu.memory_space<vmem>> -> memref<1x128x128xf32, #tpu.memory_space<vmem>>
    %dma_start3A_306 = tpu.memref_squeeze %dma_start3A_305 : memref<1x128x128xf32, #tpu.memory_space<vmem>> -> memref<128x128xf32, #tpu.memory_space<vmem>>
    %dma_start3A_307 = arith.constant 0 : i32
    %dma_start3A_308 = arith.constant 0 : i32
    %dma_start3A_309 = tpu.memref_slice %dma_start3A_306[%dma_start3A_307, %dma_start3A_308] : memref<128x128xf32, #tpu.memory_space<vmem>> -> memref<64x128xf32, #tpu.memory_space<vmem>>
    %dma_start3A_310 = arith.constant 0 : i32
    %dma_start3A_311 = tpu.memref_slice %arg2[%add3A_301, %dma_start3A_310] : memref<16384x128xf32, #tpu.memory_space<hbm>> -> memref<64x128xf32, #tpu.memory_space<hbm>>
    %dma_start3A_312 = arith.constant 0 : i32
    %dma_start3A_313 = arith.constant 0 : i32
    %dma_start3A_314 = tpu.memref_slice %arg9[%dma_start3A_302, %dma_start3A_312, %dma_start3A_313] : memref<3x128x128xf32, #tpu.memory_space<vmem>> -> memref<1x128x128xf32, #tpu.memory_space<vmem>>
    %dma_start3A_315 = tpu.memref_squeeze %dma_start3A_314 : memref<1x128x128xf32, #tpu.memory_space<vmem>> -> memref<128x128xf32, #tpu.memory_space<vmem>>
    %dma_start3A_316 = arith.constant 0 : i32
    %dma_start3A_317 = arith.constant 0 : i32
    %dma_start3A_318 = tpu.memref_slice %dma_start3A_315[%dma_start3A_316, %dma_start3A_317] : memref<128x128xf32, #tpu.memory_space<vmem>> -> memref<64x128xf32, #tpu.memory_space<vmem>>
    %dma_start3A_319 = arith.constant 0 : i32
    %dma_start3A_320 = tpu.memref_slice %arg2[%add3A_301, %dma_start3A_319] : memref<16384x128xf32, #tpu.memory_space<hbm>> -> memref<64x128xf32, #tpu.memory_space<hbm>>
    tpu.enqueue_dma source(%dma_start3A_320 : memref<64x128xf32, #tpu.memory_space<hbm>>) target(%dma_start3A_318 : memref<64x128xf32, #tpu.memory_space<vmem>>) target_semaphore(%arg14 : memref<!tpu.dma_semaphore, #tpu.memory_space<semaphore_mem>>)
    %dma_start3A_321 = arith.constant 1 : i32
    %dma_start3A_322 = arith.constant 0 : i32
    %dma_start3A_323 = arith.constant 0 : i32
    %dma_start3A_324 = tpu.memref_slice %arg10[%dma_start3A_321, %dma_start3A_322, %dma_start3A_323] : memref<3x128x128xf32, #tpu.memory_space<vmem>> -> memref<1x128x128xf32, #tpu.memory_space<vmem>>
    %dma_start3A_325 = tpu.memref_squeeze %dma_start3A_324 : memref<1x128x128xf32, #tpu.memory_space<vmem>> -> memref<128x128xf32, #tpu.memory_space<vmem>>
    %dma_start3A_326 = arith.constant 0 : i32
    %dma_start3A_327 = arith.constant 0 : i32
    %dma_start3A_328 = tpu.memref_slice %dma_start3A_325[%dma_start3A_326, %dma_start3A_327] : memref<128x128xf32, #tpu.memory_space<vmem>> -> memref<64x128xf32, #tpu.memory_space<vmem>>
    %dma_start3A_329 = arith.constant 384 : i32
    %dma_start3A_330 = tpu.memref_slice %arg7[%dma_start3A_329] : memref<512xi32, #tpu.memory_space<vmem>> -> memref<64xi32, #tpu.memory_space<vmem>>
    %dma_start3A_331 = arith.constant 0 : i32
    %dma_start3A_332 = arith.constant 0 : i32
    %dma_start3A_333 = tpu.memref_slice %arg5[%dma_start3A_331, %dma_start3A_332] : memref<100000x128xf32, #tpu.memory_space<hbm>> -> memref<100000x128xf32, #tpu.memory_space<hbm>>
    tpu.enqueue_indirect_dma source(%dma_start3A_333 : memref<100000x128xf32, #tpu.memory_space<hbm>>) target(%dma_start3A_328 : memref<64x128xf32, #tpu.memory_space<vmem>>) offsets(%dma_start3A_330 : memref<64xi32, #tpu.memory_space<vmem>>) semaphore(%arg17 : memref<!tpu.dma_semaphore, #tpu.memory_space<semaphore_mem>>)
    %dma_wait3A_334 = arith.constant 2 : i32
    %dma_wait3A_335 = arith.constant 0 : i32
    %dma_wait3A_336 = arith.constant 0 : i32
    %dma_wait3A_337 = tpu.memref_slice %arg9[%dma_wait3A_334, %dma_wait3A_335, %dma_wait3A_336] : memref<3x128x128xf32, #tpu.memory_space<vmem>> -> memref<1x128x128xf32, #tpu.memory_space<vmem>>
    %dma_wait3A_338 = tpu.memref_squeeze %dma_wait3A_337 : memref<1x128x128xf32, #tpu.memory_space<vmem>> -> memref<128x128xf32, #tpu.memory_space<vmem>>
    %dma_wait3A_339 = arith.constant 0 : i32
    %dma_wait3A_340 = arith.constant 0 : i32
    %dma_wait3A_341 = tpu.memref_slice %dma_wait3A_338[%dma_wait3A_339, %dma_wait3A_340] : memref<128x128xf32, #tpu.memory_space<vmem>> -> memref<128x128xf32, #tpu.memory_space<vmem>>
    %dma_wait3A_342 = arith.constant 0 : i32
    %dma_wait3A_343 = tpu.memref_slice %arg2[%add3A_78, %dma_wait3A_342] : memref<16384x128xf32, #tpu.memory_space<hbm>> -> memref<128x128xf32, #tpu.memory_space<hbm>>
    %dma_wait3A_344 = arith.constant 0 : i32
    %dma_wait3A_345 = arith.constant 0 : i32
    %dma_wait3A_346 = tpu.memref_slice %arg9[%dma_wait3A_334, %dma_wait3A_344, %dma_wait3A_345] : memref<3x128x128xf32, #tpu.memory_space<vmem>> -> memref<1x128x128xf32, #tpu.memory_space<vmem>>
    %dma_wait3A_347 = tpu.memref_squeeze %dma_wait3A_346 : memref<1x128x128xf32, #tpu.memory_space<vmem>> -> memref<128x128xf32, #tpu.memory_space<vmem>>
    %dma_wait3A_348 = arith.constant 0 : i32
    %dma_wait3A_349 = arith.constant 0 : i32
    %dma_wait3A_350 = tpu.memref_slice %dma_wait3A_347[%dma_wait3A_348, %dma_wait3A_349] : memref<128x128xf32, #tpu.memory_space<vmem>> -> memref<128x128xf32, #tpu.memory_space<vmem>>
    %dma_wait3A_351 = arith.constant 0 : i32
    %dma_wait3A_352 = tpu.memref_slice %arg2[%add3A_78, %dma_wait3A_351] : memref<16384x128xf32, #tpu.memory_space<hbm>> -> memref<128x128xf32, #tpu.memory_space<hbm>>
    tpu.wait_dma2 semaphore(%arg15 : memref<!tpu.dma_semaphore, #tpu.memory_space<semaphore_mem>>) src(%dma_wait3A_352 : memref<128x128xf32, #tpu.memory_space<hbm>>) dst(%dma_wait3A_350 : memref<128x128xf32, #tpu.memory_space<vmem>>)
    %dma_wait3A_353 = arith.constant 2 : i32
    %dma_wait3A_354 = arith.constant 0 : i32
    %dma_wait3A_355 = arith.constant 0 : i32
    %dma_wait3A_356 = tpu.memref_slice %arg10[%dma_wait3A_353, %dma_wait3A_354, %dma_wait3A_355] : memref<3x128x128xf32, #tpu.memory_space<vmem>> -> memref<1x128x128xf32, #tpu.memory_space<vmem>>
    %dma_wait3A_357 = tpu.memref_squeeze %dma_wait3A_356 : memref<1x128x128xf32, #tpu.memory_space<vmem>> -> memref<128x128xf32, #tpu.memory_space<vmem>>
    %dma_wait3A_358 = arith.constant 0 : i32
    %dma_wait3A_359 = arith.constant 0 : i32
    %dma_wait3A_360 = tpu.memref_slice %dma_wait3A_357[%dma_wait3A_358, %dma_wait3A_359] : memref<128x128xf32, #tpu.memory_space<vmem>> -> memref<128x128xf32, #tpu.memory_space<vmem>>
    %dma_wait3A_361 = arith.constant 128 : i32
    %dma_wait3A_362 = tpu.memref_slice %arg7[%dma_wait3A_361] : memref<512xi32, #tpu.memory_space<vmem>> -> memref<128xi32, #tpu.memory_space<vmem>>
    %dma_wait3A_363 = arith.constant 0 : i32
    %dma_wait3A_364 = arith.constant 0 : i32
    %dma_wait3A_365 = tpu.memref_slice %arg5[%dma_wait3A_363, %dma_wait3A_364] : memref<100000x128xf32, #tpu.memory_space<hbm>> -> memref<100000x128xf32, #tpu.memory_space<hbm>>
    tpu.wait_indirect_dma semaphore(%arg18 : memref<!tpu.dma_semaphore, #tpu.memory_space<semaphore_mem>>) src(%dma_wait3A_365 : memref<100000x128xf32, #tpu.memory_space<hbm>>) dst(%dma_wait3A_360 : memref<128x128xf32, #tpu.memory_space<vmem>>)
    %scan3A_366 = arith.constant 0 : i32
    %scan3A_367 = arith.constant 0 : i32
    %scan3A_368 = arith.constant 64 : i32
    %scan3A_369 = arith.addi %scan3A_367, %scan3A_368 : i32
    %scan3A_370 = arith.constant 1 : i32
    scf.for %scan3A_680 = %scan3A_367 to %scan3A_369 step %scan3A_370  : i32 {
      %mul3A_681 = arith.constant 2 : i32
      %mul3A_682 = arith.muli %scan3A_680, %mul3A_681 : i32
      %jit3A = arith.constant 16 : i32
      %div3A = arith.divsi %mul3A_682, %jit3A : i32
      %sign3A = arith.constant 0 : i32
      %sign3A_683 = arith.cmpi sgt, %mul3A_682, %sign3A : i32
      %sign3A_684 = arith.extui %sign3A_683 : i1 to i32
      %sign3A_685 = arith.constant 0 : i32
      %sign3A_686 = arith.cmpi slt, %mul3A_682, %sign3A_685 : i32
      %sign3A_687 = arith.extui %sign3A_686 : i1 to i32
      %sign3A_688 = arith.subi %sign3A_684, %sign3A_687 : i32
      %sign3A_689 = arith.constant 0 : i32
      %sign3A_690 = arith.cmpi sgt, %jit3A, %sign3A_689 : i32
      %sign3A_691 = arith.extui %sign3A_690 : i1 to i32
      %sign3A_692 = arith.constant 0 : i32
      %sign3A_693 = arith.cmpi slt, %jit3A, %sign3A_692 : i32
      %sign3A_694 = arith.extui %sign3A_693 : i1 to i32
      %sign3A_695 = arith.subi %sign3A_691, %sign3A_694 : i32
      %ne3A = arith.cmpi ne, %sign3A_688, %sign3A_695 : i32
      %rem3A = arith.remsi %mul3A_682, %jit3A : i32
      %ne3A_696 = arith.constant 0 : i32
      %ne3A_697 = arith.cmpi ne, %rem3A, %ne3A_696 : i32
      %and3A = arith.andi %ne3A, %ne3A_697 : i1
      %sub3A = arith.constant 1 : i32
      %sub3A_698 = arith.subi %div3A, %sub3A : i32
      %select_n3A = arith.select %and3A, %sub3A_698, %div3A : i32
      %mul3A_699 = arith.constant 16 : i32
      %mul3A_700 = arith.muli %select_n3A, %mul3A_699 : i32
      %add3A_701 = arith.constant 128 : i32
      %add3A_702 = arith.addi %add3A_701, %mul3A_700 : i32
      %get3A = arith.index_cast %add3A_702 : i32 to index
      %get3A_703 = tpu.vector_load %arg8[%get3A] {strides = array<i32>} : memref<512xf32, #tpu.memory_space<vmem>>, vector<16xf32>,
      %get3A_704 = vector.shape_cast %get3A_703 : vector<16xf32> to vector<16xf32>
      %exp3A = math.exp %get3A_704 : vector<16xf32>
      %add3A_705 = arith.constant 0 : i32
      %add3A_706 = arith.addi %mul3A_682, %add3A_705 : i32
      %sub3A_707 = arith.subi %add3A_706, %mul3A_700 : i32
      %broadcast_in_dim3A = vector.broadcast %sub3A_707 : i32 to vector<16xi32>
      %broadcast_in_dim3A_708 = vector.shape_cast %broadcast_in_dim3A : vector<16xi32> to vector<16x1xi32>
      %gather3A = vector.shape_cast %broadcast_in_dim3A_708 : vector<16x1xi32> to vector<16xi32>
      %gather3A_709 = tpu.dynamic_gather %exp3A[%gather3A] in [0] : vector<16xf32>, vector<16xi32> -> vector<16xf32>
      %get3A_710 = arith.constant 2 : i32
      %get3A_711 = arith.index_cast %get3A_710 : i32 to index
      %get3A_712 = arith.index_cast %add3A_706 : i32 to index
      %get3A_713 = arith.constant 0 : index
      %get3A_714 = tpu.vector_load %arg9[%get3A_711, %get3A_712, %get3A_713] {strides = array<i32>} : memref<3x128x128xf32, #tpu.memory_space<vmem>>, vector<1x1x16xf32>,
      %get3A_715 = vector.shape_cast %get3A_714 : vector<1x1x16xf32> to vector<16xf32>
      %mul3A_716 = arith.mulf %get3A_715, %gather3A_709 : vector<16xf32>
      %swap3A = arith.constant 2 : i32
      %swap3A_717 = arith.index_cast %swap3A : i32 to index
      %swap3A_718 = arith.index_cast %add3A_706 : i32 to index
      %swap3A_719 = arith.constant 0 : index
      %swap3A_720 = tpu.vector_load %arg10[%swap3A_717, %swap3A_718, %swap3A_719] {strides = array<i32>} : memref<3x128x128xf32, #tpu.memory_space<vmem>>, vector<1x1x16xf32>,
      %swap3A_721 = vector.shape_cast %swap3A_720 : vector<1x1x16xf32> to vector<16xf32>
      %swap3A_722 = vector.shape_cast %mul3A_716 : vector<16xf32> to vector<1x1x16xf32>
      tpu.vector_store %arg10[%swap3A_717, %swap3A_718, %swap3A_719], %swap3A_722 {add = true, strides = array<i32>} : memref<3x128x128xf32, #tpu.memory_space<vmem>>, vector<1x1x16xf32>,
      %get3A_723 = arith.constant 2 : i32
      %get3A_724 = arith.index_cast %get3A_723 : i32 to index
      %get3A_725 = arith.index_cast %add3A_706 : i32 to index
      %get3A_726 = arith.constant 16 : index
      %get3A_727 = tpu.vector_load %arg9[%get3A_724, %get3A_725, %get3A_726] {strides = array<i32>} : memref<3x128x128xf32, #tpu.memory_space<vmem>>, vector<1x1x16xf32>,
      %get3A_728 = vector.shape_cast %get3A_727 : vector<1x1x16xf32> to vector<16xf32>
      %mul3A_729 = arith.mulf %get3A_728, %gather3A_709 : vector<16xf32>
      %swap3A_730 = arith.constant 2 : i32
      %swap3A_731 = arith.index_cast %swap3A_730 : i32 to index
      %swap3A_732 = arith.index_cast %add3A_706 : i32 to index
      %swap3A_733 = arith.constant 16 : index
      %swap3A_734 = tpu.vector_load %arg10[%swap3A_731, %swap3A_732, %swap3A_733] {strides = array<i32>} : memref<3x128x128xf32, #tpu.memory_space<vmem>>, vector<1x1x16xf32>,
      %swap3A_735 = vector.shape_cast %swap3A_734 : vector<1x1x16xf32> to vector<16xf32>
      %swap3A_736 = vector.shape_cast %mul3A_729 : vector<16xf32> to vector<1x1x16xf32>
      tpu.vector_store %arg10[%swap3A_731, %swap3A_732, %swap3A_733], %swap3A_736 {add = true, strides = array<i32>} : memref<3x128x128xf32, #tpu.memory_space<vmem>>, vector<1x1x16xf32>,
      %get3A_737 = arith.constant 2 : i32
      %get3A_738 = arith.index_cast %get3A_737 : i32 to index
      %get3A_739 = arith.index_cast %add3A_706 : i32 to index
      %get3A_740 = arith.constant 32 : index
      %get3A_741 = tpu.vector_load %arg9[%get3A_738, %get3A_739, %get3A_740] {strides = array<i32>} : memref<3x128x128xf32, #tpu.memory_space<vmem>>, vector<1x1x16xf32>,
      %get3A_742 = vector.shape_cast %get3A_741 : vector<1x1x16xf32> to vector<16xf32>
      %mul3A_743 = arith.mulf %get3A_742, %gather3A_709 : vector<16xf32>
      %swap3A_744 = arith.constant 2 : i32
      %swap3A_745 = arith.index_cast %swap3A_744 : i32 to index
      %swap3A_746 = arith.index_cast %add3A_706 : i32 to index
      %swap3A_747 = arith.constant 32 : index
      %swap3A_748 = tpu.vector_load %arg10[%swap3A_745, %swap3A_746, %swap3A_747] {strides = array<i32>} : memref<3x128x128xf32, #tpu.memory_space<vmem>>, vector<1x1x16xf32>,
      %swap3A_749 = vector.shape_cast %swap3A_748 : vector<1x1x16xf32> to vector<16xf32>
      %swap3A_750 = vector.shape_cast %mul3A_743 : vector<16xf32> to vector<1x1x16xf32>
      tpu.vector_store %arg10[%swap3A_745, %swap3A_746, %swap3A_747], %swap3A_750 {add = true, strides = array<i32>} : memref<3x128x128xf32, #tpu.memory_space<vmem>>, vector<1x1x16xf32>,
      %get3A_751 = arith.constant 2 : i32
      %get3A_752 = arith.index_cast %get3A_751 : i32 to index
      %get3A_753 = arith.index_cast %add3A_706 : i32 to index
      %get3A_754 = arith.constant 48 : index
      %get3A_755 = tpu.vector_load %arg9[%get3A_752, %get3A_753, %get3A_754] {strides = array<i32>} : memref<3x128x128xf32, #tpu.memory_space<vmem>>, vector<1x1x16xf32>,
      %get3A_756 = vector.shape_cast %get3A_755 : vector<1x1x16xf32> to vector<16xf32>
      %mul3A_757 = arith.mulf %get3A_756, %gather3A_709 : vector<16xf32>
      %swap3A_758 = arith.constant 2 : i32
      %swap3A_759 = arith.index_cast %swap3A_758 : i32 to index
      %swap3A_760 = arith.index_cast %add3A_706 : i32 to index
      %swap3A_761 = arith.constant 48 : index
      %swap3A_762 = tpu.vector_load %arg10[%swap3A_759, %swap3A_760, %swap3A_761] {strides = array<i32>} : memref<3x128x128xf32, #tpu.memory_space<vmem>>, vector<1x1x16xf32>,
      %swap3A_763 = vector.shape_cast %swap3A_762 : vector<1x1x16xf32> to vector<16xf32>
      %swap3A_764 = vector.shape_cast %mul3A_757 : vector<16xf32> to vector<1x1x16xf32>
      tpu.vector_store %arg10[%swap3A_759, %swap3A_760, %swap3A_761], %swap3A_764 {add = true, strides = array<i32>} : memref<3x128x128xf32, #tpu.memory_space<vmem>>, vector<1x1x16xf32>,
      %get3A_765 = arith.constant 2 : i32
      %get3A_766 = arith.index_cast %get3A_765 : i32 to index
      %get3A_767 = arith.index_cast %add3A_706 : i32 to index
      %get3A_768 = arith.constant 64 : index
      %get3A_769 = tpu.vector_load %arg9[%get3A_766, %get3A_767, %get3A_768] {strides = array<i32>} : memref<3x128x128xf32, #tpu.memory_space<vmem>>, vector<1x1x16xf32>,
      %get3A_770 = vector.shape_cast %get3A_769 : vector<1x1x16xf32> to vector<16xf32>
      %mul3A_771 = arith.mulf %get3A_770, %gather3A_709 : vector<16xf32>
      %swap3A_772 = arith.constant 2 : i32
      %swap3A_773 = arith.index_cast %swap3A_772 : i32 to index
      %swap3A_774 = arith.index_cast %add3A_706 : i32 to index
      %swap3A_775 = arith.constant 64 : index
      %swap3A_776 = tpu.vector_load %arg10[%swap3A_773, %swap3A_774, %swap3A_775] {strides = array<i32>} : memref<3x128x128xf32, #tpu.memory_space<vmem>>, vector<1x1x16xf32>,
      %swap3A_777 = vector.shape_cast %swap3A_776 : vector<1x1x16xf32> to vector<16xf32>
      %swap3A_778 = vector.shape_cast %mul3A_771 : vector<16xf32> to vector<1x1x16xf32>
      tpu.vector_store %arg10[%swap3A_773, %swap3A_774, %swap3A_775], %swap3A_778 {add = true, strides = array<i32>} : memref<3x128x128xf32, #tpu.memory_space<vmem>>, vector<1x1x16xf32>,
      %get3A_779 = arith.constant 2 : i32
      %get3A_780 = arith.index_cast %get3A_779 : i32 to index
      %get3A_781 = arith.index_cast %add3A_706 : i32 to index
      %get3A_782 = arith.constant 80 : index
      %get3A_783 = tpu.vector_load %arg9[%get3A_780, %get3A_781, %get3A_782] {strides = array<i32>} : memref<3x128x128xf32, #tpu.memory_space<vmem>>, vector<1x1x16xf32>,
      %get3A_784 = vector.shape_cast %get3A_783 : vector<1x1x16xf32> to vector<16xf32>
      %mul3A_785 = arith.mulf %get3A_784, %gather3A_709 : vector<16xf32>
      %swap3A_786 = arith.constant 2 : i32
      %swap3A_787 = arith.index_cast %swap3A_786 : i32 to index
      %swap3A_788 = arith.index_cast %add3A_706 : i32 to index
      %swap3A_789 = arith.constant 80 : index
      %swap3A_790 = tpu.vector_load %arg10[%swap3A_787, %swap3A_788, %swap3A_789] {strides = array<i32>} : memref<3x128x128xf32, #tpu.memory_space<vmem>>, vector<1x1x16xf32>,
      %swap3A_791 = vector.shape_cast %swap3A_790 : vector<1x1x16xf32> to vector<16xf32>
      %swap3A_792 = vector.shape_cast %mul3A_785 : vector<16xf32> to vector<1x1x16xf32>
      tpu.vector_store %arg10[%swap3A_787, %swap3A_788, %swap3A_789], %swap3A_792 {add = true, strides = array<i32>} : memref<3x128x128xf32, #tpu.memory_space<vmem>>, vector<1x1x16xf32>,
      %get3A_793 = arith.constant 2 : i32
      %get3A_794 = arith.index_cast %get3A_793 : i32 to index
      %get3A_795 = arith.index_cast %add3A_706 : i32 to index
      %get3A_796 = arith.constant 96 : index
      %get3A_797 = tpu.vector_load %arg9[%get3A_794, %get3A_795, %get3A_796] {strides = array<i32>} : memref<3x128x128xf32, #tpu.memory_space<vmem>>, vector<1x1x16xf32>,
      %get3A_798 = vector.shape_cast %get3A_797 : vector<1x1x16xf32> to vector<16xf32>
      %mul3A_799 = arith.mulf %get3A_798, %gather3A_709 : vector<16xf32>
      %swap3A_800 = arith.constant 2 : i32
      %swap3A_801 = arith.index_cast %swap3A_800 : i32 to index
      %swap3A_802 = arith.index_cast %add3A_706 : i32 to index
      %swap3A_803 = arith.constant 96 : index
      %swap3A_804 = tpu.vector_load %arg10[%swap3A_801, %swap3A_802, %swap3A_803] {strides = array<i32>} : memref<3x128x128xf32, #tpu.memory_space<vmem>>, vector<1x1x16xf32>,
      %swap3A_805 = vector.shape_cast %swap3A_804 : vector<1x1x16xf32> to vector<16xf32>
      %swap3A_806 = vector.shape_cast %mul3A_799 : vector<16xf32> to vector<1x1x16xf32>
      tpu.vector_store %arg10[%swap3A_801, %swap3A_802, %swap3A_803], %swap3A_806 {add = true, strides = array<i32>} : memref<3x128x128xf32, #tpu.memory_space<vmem>>, vector<1x1x16xf32>,
      %get3A_807 = arith.constant 2 : i32
      %get3A_808 = arith.index_cast %get3A_807 : i32 to index
      %get3A_809 = arith.index_cast %add3A_706 : i32 to index
      %get3A_810 = arith.constant 112 : index
      %get3A_811 = tpu.vector_load %arg9[%get3A_808, %get3A_809, %get3A_810] {strides = array<i32>} : memref<3x128x128xf32, #tpu.memory_space<vmem>>, vector<1x1x16xf32>,
      %get3A_812 = vector.shape_cast %get3A_811 : vector<1x1x16xf32> to vector<16xf32>
      %mul3A_813 = arith.mulf %get3A_812, %gather3A_709 : vector<16xf32>
      %swap3A_814 = arith.constant 2 : i32
      %swap3A_815 = arith.index_cast %swap3A_814 : i32 to index
      %swap3A_816 = arith.index_cast %add3A_706 : i32 to index
      %swap3A_817 = arith.constant 112 : index
      %swap3A_818 = tpu.vector_load %arg10[%swap3A_815, %swap3A_816, %swap3A_817] {strides = array<i32>} : memref<3x128x128xf32, #tpu.memory_space<vmem>>, vector<1x1x16xf32>,
      %swap3A_819 = vector.shape_cast %swap3A_818 : vector<1x1x16xf32> to vector<16xf32>
      %swap3A_820 = vector.shape_cast %mul3A_813 : vector<16xf32> to vector<1x1x16xf32>
      tpu.vector_store %arg10[%swap3A_815, %swap3A_816, %swap3A_817], %swap3A_820 {add = true, strides = array<i32>} : memref<3x128x128xf32, #tpu.memory_space<vmem>>, vector<1x1x16xf32>,
      %add3A_821 = arith.constant 1 : i32
      %add3A_822 = arith.addi %mul3A_682, %add3A_821 : i32
      %sub3A_823 = arith.subi %add3A_822, %mul3A_700 : i32
      %broadcast_in_dim3A_824 = vector.broadcast %sub3A_823 : i32 to vector<16xi32>
      %broadcast_in_dim3A_825 = vector.shape_cast %broadcast_in_dim3A_824 : vector<16xi32> to vector<16x1xi32>
      %gather3A_826 = vector.shape_cast %broadcast_in_dim3A_825 : vector<16x1xi32> to vector<16xi32>
      %gather3A_827 = tpu.dynamic_gather %exp3A[%gather3A_826] in [0] : vector<16xf32>, vector<16xi32> -> vector<16xf32>
      %get3A_828 = arith.constant 2 : i32
      %get3A_829 = arith.index_cast %get3A_828 : i32 to index
      %get3A_830 = arith.index_cast %add3A_822 : i32 to index
      %get3A_831 = arith.constant 0 : index
      %get3A_832 = tpu.vector_load %arg9[%get3A_829, %get3A_830, %get3A_831] {strides = array<i32>} : memref<3x128x128xf32, #tpu.memory_space<vmem>>, vector<1x1x16xf32>,
      %get3A_833 = vector.shape_cast %get3A_832 : vector<1x1x16xf32> to vector<16xf32>
      %mul3A_834 = arith.mulf %get3A_833, %gather3A_827 : vector<16xf32>
      %swap3A_835 = arith.constant 2 : i32
      %swap3A_836 = arith.index_cast %swap3A_835 : i32 to index
      %swap3A_837 = arith.index_cast %add3A_822 : i32 to index
      %swap3A_838 = arith.constant 0 : index
      %swap3A_839 = tpu.vector_load %arg10[%swap3A_836, %swap3A_837, %swap3A_838] {strides = array<i32>} : memref<3x128x128xf32, #tpu.memory_space<vmem>>, vector<1x1x16xf32>,
      %swap3A_840 = vector.shape_cast %swap3A_839 : vector<1x1x16xf32> to vector<16xf32>
      %swap3A_841 = vector.shape_cast %mul3A_834 : vector<16xf32> to vector<1x1x16xf32>
      tpu.vector_store %arg10[%swap3A_836, %swap3A_837, %swap3A_838], %swap3A_841 {add = true, strides = array<i32>} : memref<3x128x128xf32, #tpu.memory_space<vmem>>, vector<1x1x16xf32>,
      %get3A_842 = arith.constant 2 : i32
      %get3A_843 = arith.index_cast %get3A_842 : i32 to index
      %get3A_844 = arith.index_cast %add3A_822 : i32 to index
      %get3A_845 = arith.constant 16 : index
      %get3A_846 = tpu.vector_load %arg9[%get3A_843, %get3A_844, %get3A_845] {strides = array<i32>} : memref<3x128x128xf32, #tpu.memory_space<vmem>>, vector<1x1x16xf32>,
      %get3A_847 = vector.shape_cast %get3A_846 : vector<1x1x16xf32> to vector<16xf32>
      %mul3A_848 = arith.mulf %get3A_847, %gather3A_827 : vector<16xf32>
      %swap3A_849 = arith.constant 2 : i32
      %swap3A_850 = arith.index_cast %swap3A_849 : i32 to index
      %swap3A_851 = arith.index_cast %add3A_822 : i32 to index
      %swap3A_852 = arith.constant 16 : index
      %swap3A_853 = tpu.vector_load %arg10[%swap3A_850, %swap3A_851, %swap3A_852] {strides = array<i32>} : memref<3x128x128xf32, #tpu.memory_space<vmem>>, vector<1x1x16xf32>,
      %swap3A_854 = vector.shape_cast %swap3A_853 : vector<1x1x16xf32> to vector<16xf32>
      %swap3A_855 = vector.shape_cast %mul3A_848 : vector<16xf32> to vector<1x1x16xf32>
      tpu.vector_store %arg10[%swap3A_850, %swap3A_851, %swap3A_852], %swap3A_855 {add = true, strides = array<i32>} : memref<3x128x128xf32, #tpu.memory_space<vmem>>, vector<1x1x16xf32>,
      %get3A_856 = arith.constant 2 : i32
      %get3A_857 = arith.index_cast %get3A_856 : i32 to index
      %get3A_858 = arith.index_cast %add3A_822 : i32 to index
      %get3A_859 = arith.constant 32 : index
      %get3A_860 = tpu.vector_load %arg9[%get3A_857, %get3A_858, %get3A_859] {strides = array<i32>} : memref<3x128x128xf32, #tpu.memory_space<vmem>>, vector<1x1x16xf32>,
      %get3A_861 = vector.shape_cast %get3A_860 : vector<1x1x16xf32> to vector<16xf32>
      %mul3A_862 = arith.mulf %get3A_861, %gather3A_827 : vector<16xf32>
      %swap3A_863 = arith.constant 2 : i32
      %swap3A_864 = arith.index_cast %swap3A_863 : i32 to index
      %swap3A_865 = arith.index_cast %add3A_822 : i32 to index
      %swap3A_866 = arith.constant 32 : index
      %swap3A_867 = tpu.vector_load %arg10[%swap3A_864, %swap3A_865, %swap3A_866] {strides = array<i32>} : memref<3x128x128xf32, #tpu.memory_space<vmem>>, vector<1x1x16xf32>,
      %swap3A_868 = vector.shape_cast %swap3A_867 : vector<1x1x16xf32> to vector<16xf32>
      %swap3A_869 = vector.shape_cast %mul3A_862 : vector<16xf32> to vector<1x1x16xf32>
      tpu.vector_store %arg10[%swap3A_864, %swap3A_865, %swap3A_866], %swap3A_869 {add = true, strides = array<i32>} : memref<3x128x128xf32, #tpu.memory_space<vmem>>, vector<1x1x16xf32>,
      %get3A_870 = arith.constant 2 : i32
      %get3A_871 = arith.index_cast %get3A_870 : i32 to index
      %get3A_872 = arith.index_cast %add3A_822 : i32 to index
      %get3A_873 = arith.constant 48 : index
      %get3A_874 = tpu.vector_load %arg9[%get3A_871, %get3A_872, %get3A_873] {strides = array<i32>} : memref<3x128x128xf32, #tpu.memory_space<vmem>>, vector<1x1x16xf32>,
      %get3A_875 = vector.shape_cast %get3A_874 : vector<1x1x16xf32> to vector<16xf32>
      %mul3A_876 = arith.mulf %get3A_875, %gather3A_827 : vector<16xf32>
      %swap3A_877 = arith.constant 2 : i32
      %swap3A_878 = arith.index_cast %swap3A_877 : i32 to index
      %swap3A_879 = arith.index_cast %add3A_822 : i32 to index
      %swap3A_880 = arith.constant 48 : index
      %swap3A_881 = tpu.vector_load %arg10[%swap3A_878, %swap3A_879, %swap3A_880] {strides = array<i32>} : memref<3x128x128xf32, #tpu.memory_space<vmem>>, vector<1x1x16xf32>,
      %swap3A_882 = vector.shape_cast %swap3A_881 : vector<1x1x16xf32> to vector<16xf32>
      %swap3A_883 = vector.shape_cast %mul3A_876 : vector<16xf32> to vector<1x1x16xf32>
      tpu.vector_store %arg10[%swap3A_878, %swap3A_879, %swap3A_880], %swap3A_883 {add = true, strides = array<i32>} : memref<3x128x128xf32, #tpu.memory_space<vmem>>, vector<1x1x16xf32>,
      %get3A_884 = arith.constant 2 : i32
      %get3A_885 = arith.index_cast %get3A_884 : i32 to index
      %get3A_886 = arith.index_cast %add3A_822 : i32 to index
      %get3A_887 = arith.constant 64 : index
      %get3A_888 = tpu.vector_load %arg9[%get3A_885, %get3A_886, %get3A_887] {strides = array<i32>} : memref<3x128x128xf32, #tpu.memory_space<vmem>>, vector<1x1x16xf32>,
      %get3A_889 = vector.shape_cast %get3A_888 : vector<1x1x16xf32> to vector<16xf32>
      %mul3A_890 = arith.mulf %get3A_889, %gather3A_827 : vector<16xf32>
      %swap3A_891 = arith.constant 2 : i32
      %swap3A_892 = arith.index_cast %swap3A_891 : i32 to index
      %swap3A_893 = arith.index_cast %add3A_822 : i32 to index
      %swap3A_894 = arith.constant 64 : index
      %swap3A_895 = tpu.vector_load %arg10[%swap3A_892, %swap3A_893, %swap3A_894] {strides = array<i32>} : memref<3x128x128xf32, #tpu.memory_space<vmem>>, vector<1x1x16xf32>,
      %swap3A_896 = vector.shape_cast %swap3A_895 : vector<1x1x16xf32> to vector<16xf32>
      %swap3A_897 = vector.shape_cast %mul3A_890 : vector<16xf32> to vector<1x1x16xf32>
      tpu.vector_store %arg10[%swap3A_892, %swap3A_893, %swap3A_894], %swap3A_897 {add = true, strides = array<i32>} : memref<3x128x128xf32, #tpu.memory_space<vmem>>, vector<1x1x16xf32>,
      %get3A_898 = arith.constant 2 : i32
      %get3A_899 = arith.index_cast %get3A_898 : i32 to index
      %get3A_900 = arith.index_cast %add3A_822 : i32 to index
      %get3A_901 = arith.constant 80 : index
      %get3A_902 = tpu.vector_load %arg9[%get3A_899, %get3A_900, %get3A_901] {strides = array<i32>} : memref<3x128x128xf32, #tpu.memory_space<vmem>>, vector<1x1x16xf32>,
      %get3A_903 = vector.shape_cast %get3A_902 : vector<1x1x16xf32> to vector<16xf32>
      %mul3A_904 = arith.mulf %get3A_903, %gather3A_827 : vector<16xf32>
      %swap3A_905 = arith.constant 2 : i32
      %swap3A_906 = arith.index_cast %swap3A_905 : i32 to index
      %swap3A_907 = arith.index_cast %add3A_822 : i32 to index
      %swap3A_908 = arith.constant 80 : index
      %swap3A_909 = tpu.vector_load %arg10[%swap3A_906, %swap3A_907, %swap3A_908] {strides = array<i32>} : memref<3x128x128xf32, #tpu.memory_space<vmem>>, vector<1x1x16xf32>,
      %swap3A_910 = vector.shape_cast %swap3A_909 : vector<1x1x16xf32> to vector<16xf32>
      %swap3A_911 = vector.shape_cast %mul3A_904 : vector<16xf32> to vector<1x1x16xf32>
      tpu.vector_store %arg10[%swap3A_906, %swap3A_907, %swap3A_908], %swap3A_911 {add = true, strides = array<i32>} : memref<3x128x128xf32, #tpu.memory_space<vmem>>, vector<1x1x16xf32>,
      %get3A_912 = arith.constant 2 : i32
      %get3A_913 = arith.index_cast %get3A_912 : i32 to index
      %get3A_914 = arith.index_cast %add3A_822 : i32 to index
      %get3A_915 = arith.constant 96 : index
      %get3A_916 = tpu.vector_load %arg9[%get3A_913, %get3A_914, %get3A_915] {strides = array<i32>} : memref<3x128x128xf32, #tpu.memory_space<vmem>>, vector<1x1x16xf32>,
      %get3A_917 = vector.shape_cast %get3A_916 : vector<1x1x16xf32> to vector<16xf32>
      %mul3A_918 = arith.mulf %get3A_917, %gather3A_827 : vector<16xf32>
      %swap3A_919 = arith.constant 2 : i32
      %swap3A_920 = arith.index_cast %swap3A_919 : i32 to index
      %swap3A_921 = arith.index_cast %add3A_822 : i32 to index
      %swap3A_922 = arith.constant 96 : index
      %swap3A_923 = tpu.vector_load %arg10[%swap3A_920, %swap3A_921, %swap3A_922] {strides = array<i32>} : memref<3x128x128xf32, #tpu.memory_space<vmem>>, vector<1x1x16xf32>,
      %swap3A_924 = vector.shape_cast %swap3A_923 : vector<1x1x16xf32> to vector<16xf32>
      %swap3A_925 = vector.shape_cast %mul3A_918 : vector<16xf32> to vector<1x1x16xf32>
      tpu.vector_store %arg10[%swap3A_920, %swap3A_921, %swap3A_922], %swap3A_925 {add = true, strides = array<i32>} : memref<3x128x128xf32, #tpu.memory_space<vmem>>, vector<1x1x16xf32>,
      %get3A_926 = arith.constant 2 : i32
      %get3A_927 = arith.index_cast %get3A_926 : i32 to index
      %get3A_928 = arith.index_cast %add3A_822 : i32 to index
      %get3A_929 = arith.constant 112 : index
      %get3A_930 = tpu.vector_load %arg9[%get3A_927, %get3A_928, %get3A_929] {strides = array<i32>} : memref<3x128x128xf32, #tpu.memory_space<vmem>>, vector<1x1x16xf32>,
      %get3A_931 = vector.shape_cast %get3A_930 : vector<1x1x16xf32> to vector<16xf32>
      %mul3A_932 = arith.mulf %get3A_931, %gather3A_827 : vector<16xf32>
      %swap3A_933 = arith.constant 2 : i32
      %swap3A_934 = arith.index_cast %swap3A_933 : i32 to index
      %swap3A_935 = arith.index_cast %add3A_822 : i32 to index
      %swap3A_936 = arith.constant 112 : index
      %swap3A_937 = tpu.vector_load %arg10[%swap3A_934, %swap3A_935, %swap3A_936] {strides = array<i32>} : memref<3x128x128xf32, #tpu.memory_space<vmem>>, vector<1x1x16xf32>,
      %swap3A_938 = vector.shape_cast %swap3A_937 : vector<1x1x16xf32> to vector<16xf32>
      %swap3A_939 = vector.shape_cast %mul3A_932 : vector<16xf32> to vector<1x1x16xf32>
      tpu.vector_store %arg10[%swap3A_934, %swap3A_935, %swap3A_936], %swap3A_939 {add = true, strides = array<i32>} : memref<3x128x128xf32, #tpu.memory_space<vmem>>, vector<1x1x16xf32>,
    }
    %scan3A_371 = arith.constant 64 : i32
    %add3A_372 = arith.constant 128 : i32
    %add3A_373 = arith.addi %mul3A_2, %add3A_372 : i32
    %dma_start3A_374 = arith.constant 2 : i32
    %dma_start3A_375 = arith.constant 0 : i32
    %dma_start3A_376 = arith.constant 0 : i32
    %dma_start3A_377 = tpu.memref_slice %arg10[%dma_start3A_374, %dma_start3A_375, %dma_start3A_376] : memref<3x128x128xf32, #tpu.memory_space<vmem>> -> memref<1x128x128xf32, #tpu.memory_space<vmem>>
    %dma_start3A_378 = tpu.memref_squeeze %dma_start3A_377 : memref<1x128x128xf32, #tpu.memory_space<vmem>> -> memref<128x128xf32, #tpu.memory_space<vmem>>
    %dma_start3A_379 = arith.constant 0 : i32
    %dma_start3A_380 = arith.constant 0 : i32
    %dma_start3A_381 = tpu.memref_slice %dma_start3A_378[%dma_start3A_379, %dma_start3A_380] : memref<128x128xf32, #tpu.memory_space<vmem>> -> memref<128x128xf32, #tpu.memory_space<vmem>>
    %dma_start3A_382 = arith.constant 0 : i32
    %dma_start3A_383 = tpu.memref_slice %arg6[%add3A_373, %dma_start3A_382] : memref<16384x128xf32, #tpu.memory_space<hbm>> -> memref<128x128xf32, #tpu.memory_space<hbm>>
    %dma_start3A_384 = arith.constant 0 : i32
    %dma_start3A_385 = tpu.memref_slice %arg6[%add3A_373, %dma_start3A_384] : memref<16384x128xf32, #tpu.memory_space<hbm>> -> memref<128x128xf32, #tpu.memory_space<hbm>>
    %dma_start3A_386 = arith.constant 0 : i32
    %dma_start3A_387 = arith.constant 0 : i32
    %dma_start3A_388 = tpu.memref_slice %arg10[%dma_start3A_374, %dma_start3A_386, %dma_start3A_387] : memref<3x128x128xf32, #tpu.memory_space<vmem>> -> memref<1x128x128xf32, #tpu.memory_space<vmem>>
    %dma_start3A_389 = tpu.memref_squeeze %dma_start3A_388 : memref<1x128x128xf32, #tpu.memory_space<vmem>> -> memref<128x128xf32, #tpu.memory_space<vmem>>
    %dma_start3A_390 = arith.constant 0 : i32
    %dma_start3A_391 = arith.constant 0 : i32
    %dma_start3A_392 = tpu.memref_slice %dma_start3A_389[%dma_start3A_390, %dma_start3A_391] : memref<128x128xf32, #tpu.memory_space<vmem>> -> memref<128x128xf32, #tpu.memory_space<vmem>>
    tpu.enqueue_dma source(%dma_start3A_392 : memref<128x128xf32, #tpu.memory_space<vmem>>) target(%dma_start3A_385 : memref<128x128xf32, #tpu.memory_space<hbm>>) target_semaphore(%arg21 : memref<!tpu.dma_semaphore, #tpu.memory_space<semaphore_mem>>)
    %dma_wait3A_393 = arith.constant 2 : i32
    %dma_wait3A_394 = arith.constant 0 : i32
    %dma_wait3A_395 = arith.constant 0 : i32
    %dma_wait3A_396 = tpu.memref_slice %arg10[%dma_wait3A_393, %dma_wait3A_394, %dma_wait3A_395] : memref<3x128x128xf32, #tpu.memory_space<vmem>> -> memref<1x128x128xf32, #tpu.memory_space<vmem>>
    %dma_wait3A_397 = tpu.memref_squeeze %dma_wait3A_396 : memref<1x128x128xf32, #tpu.memory_space<vmem>> -> memref<128x128xf32, #tpu.memory_space<vmem>>
    %dma_wait3A_398 = arith.constant 0 : i32
    %dma_wait3A_399 = arith.constant 0 : i32
    %dma_wait3A_400 = tpu.memref_slice %dma_wait3A_397[%dma_wait3A_398, %dma_wait3A_399] : memref<128x128xf32, #tpu.memory_space<vmem>> -> memref<128x128xf32, #tpu.memory_space<vmem>>
    %dma_wait3A_401 = arith.constant 0 : i32
    %dma_wait3A_402 = tpu.memref_slice %arg6[%add3A_373, %dma_wait3A_401] : memref<16384x128xf32, #tpu.memory_space<hbm>> -> memref<128x128xf32, #tpu.memory_space<hbm>>
    %dma_wait3A_403 = arith.constant 0 : i32
    %dma_wait3A_404 = tpu.memref_slice %arg6[%add3A_373, %dma_wait3A_403] : memref<16384x128xf32, #tpu.memory_space<hbm>> -> memref<128x128xf32, #tpu.memory_space<hbm>>
    %dma_wait3A_405 = arith.constant 0 : i32
    %dma_wait3A_406 = arith.constant 0 : i32
    %dma_wait3A_407 = tpu.memref_slice %arg10[%dma_wait3A_393, %dma_wait3A_405, %dma_wait3A_406] : memref<3x128x128xf32, #tpu.memory_space<vmem>> -> memref<1x128x128xf32, #tpu.memory_space<vmem>>
    %dma_wait3A_408 = tpu.memref_squeeze %dma_wait3A_407 : memref<1x128x128xf32, #tpu.memory_space<vmem>> -> memref<128x128xf32, #tpu.memory_space<vmem>>
    %dma_wait3A_409 = arith.constant 0 : i32
    %dma_wait3A_410 = arith.constant 0 : i32
    %dma_wait3A_411 = tpu.memref_slice %dma_wait3A_408[%dma_wait3A_409, %dma_wait3A_410] : memref<128x128xf32, #tpu.memory_space<vmem>> -> memref<128x128xf32, #tpu.memory_space<vmem>>
    tpu.wait_dma2 semaphore(%arg21 : memref<!tpu.dma_semaphore, #tpu.memory_space<semaphore_mem>>) src(%dma_wait3A_411 : memref<128x128xf32, #tpu.memory_space<vmem>>) dst(%dma_wait3A_404 : memref<128x128xf32, #tpu.memory_space<hbm>>)
    %add3A_412 = arith.constant 448 : i32
    %add3A_413 = arith.addi %mul3A_2, %add3A_412 : i32
    %dma_start3A_414 = arith.constant 2 : i32
    %dma_start3A_415 = arith.constant 0 : i32
    %dma_start3A_416 = arith.constant 0 : i32
    %dma_start3A_417 = tpu.memref_slice %arg9[%dma_start3A_414, %dma_start3A_415, %dma_start3A_416] : memref<3x128x128xf32, #tpu.memory_space<vmem>> -> memref<1x128x128xf32, #tpu.memory_space<vmem>>
    %dma_start3A_418 = tpu.memref_squeeze %dma_start3A_417 : memref<1x128x128xf32, #tpu.memory_space<vmem>> -> memref<128x128xf32, #tpu.memory_space<vmem>>
    %dma_start3A_419 = arith.constant 0 : i32
    %dma_start3A_420 = arith.constant 0 : i32
    %dma_start3A_421 = tpu.memref_slice %dma_start3A_418[%dma_start3A_419, %dma_start3A_420] : memref<128x128xf32, #tpu.memory_space<vmem>> -> memref<64x128xf32, #tpu.memory_space<vmem>>
    %dma_start3A_422 = arith.constant 0 : i32
    %dma_start3A_423 = tpu.memref_slice %arg2[%add3A_413, %dma_start3A_422] : memref<16384x128xf32, #tpu.memory_space<hbm>> -> memref<64x128xf32, #tpu.memory_space<hbm>>
    %dma_start3A_424 = arith.constant 0 : i32
    %dma_start3A_425 = arith.constant 0 : i32
    %dma_start3A_426 = tpu.memref_slice %arg9[%dma_start3A_414, %dma_start3A_424, %dma_start3A_425] : memref<3x128x128xf32, #tpu.memory_space<vmem>> -> memref<1x128x128xf32, #tpu.memory_space<vmem>>
    %dma_start3A_427 = tpu.memref_squeeze %dma_start3A_426 : memref<1x128x128xf32, #tpu.memory_space<vmem>> -> memref<128x128xf32, #tpu.memory_space<vmem>>
    %dma_start3A_428 = arith.constant 0 : i32
    %dma_start3A_429 = arith.constant 0 : i32
    %dma_start3A_430 = tpu.memref_slice %dma_start3A_427[%dma_start3A_428, %dma_start3A_429] : memref<128x128xf32, #tpu.memory_space<vmem>> -> memref<64x128xf32, #tpu.memory_space<vmem>>
    %dma_start3A_431 = arith.constant 0 : i32
    %dma_start3A_432 = tpu.memref_slice %arg2[%add3A_413, %dma_start3A_431] : memref<16384x128xf32, #tpu.memory_space<hbm>> -> memref<64x128xf32, #tpu.memory_space<hbm>>
    tpu.enqueue_dma source(%dma_start3A_432 : memref<64x128xf32, #tpu.memory_space<hbm>>) target(%dma_start3A_430 : memref<64x128xf32, #tpu.memory_space<vmem>>) target_semaphore(%arg15 : memref<!tpu.dma_semaphore, #tpu.memory_space<semaphore_mem>>)
    %dma_start3A_433 = arith.constant 2 : i32
    %dma_start3A_434 = arith.constant 0 : i32
    %dma_start3A_435 = arith.constant 0 : i32
    %dma_start3A_436 = tpu.memref_slice %arg10[%dma_start3A_433, %dma_start3A_434, %dma_start3A_435] : memref<3x128x128xf32, #tpu.memory_space<vmem>> -> memref<1x128x128xf32, #tpu.memory_space<vmem>>
    %dma_start3A_437 = tpu.memref_squeeze %dma_start3A_436 : memref<1x128x128xf32, #tpu.memory_space<vmem>> -> memref<128x128xf32, #tpu.memory_space<vmem>>
    %dma_start3A_438 = arith.constant 0 : i32
    %dma_start3A_439 = arith.constant 0 : i32
    %dma_start3A_440 = tpu.memref_slice %dma_start3A_437[%dma_start3A_438, %dma_start3A_439] : memref<128x128xf32, #tpu.memory_space<vmem>> -> memref<64x128xf32, #tpu.memory_space<vmem>>
    %dma_start3A_441 = arith.constant 448 : i32
    %dma_start3A_442 = tpu.memref_slice %arg7[%dma_start3A_441] : memref<512xi32, #tpu.memory_space<vmem>> -> memref<64xi32, #tpu.memory_space<vmem>>
    %dma_start3A_443 = arith.constant 0 : i32
    %dma_start3A_444 = arith.constant 0 : i32
    %dma_start3A_445 = tpu.memref_slice %arg5[%dma_start3A_443, %dma_start3A_444] : memref<100000x128xf32, #tpu.memory_space<hbm>> -> memref<100000x128xf32, #tpu.memory_space<hbm>>
    tpu.enqueue_indirect_dma source(%dma_start3A_445 : memref<100000x128xf32, #tpu.memory_space<hbm>>) target(%dma_start3A_440 : memref<64x128xf32, #tpu.memory_space<vmem>>) offsets(%dma_start3A_442 : memref<64xi32, #tpu.memory_space<vmem>>) semaphore(%arg18 : memref<!tpu.dma_semaphore, #tpu.memory_space<semaphore_mem>>)
    %dma_wait3A_446 = arith.constant 0 : i32
    %dma_wait3A_447 = arith.constant 0 : i32
    %dma_wait3A_448 = arith.constant 0 : i32
    %dma_wait3A_449 = tpu.memref_slice %arg9[%dma_wait3A_446, %dma_wait3A_447, %dma_wait3A_448] : memref<3x128x128xf32, #tpu.memory_space<vmem>> -> memref<1x128x128xf32, #tpu.memory_space<vmem>>
    %dma_wait3A_450 = tpu.memref_squeeze %dma_wait3A_449 : memref<1x128x128xf32, #tpu.memory_space<vmem>> -> memref<128x128xf32, #tpu.memory_space<vmem>>
    %dma_wait3A_451 = arith.constant 0 : i32
    %dma_wait3A_452 = arith.constant 0 : i32
    %dma_wait3A_453 = tpu.memref_slice %dma_wait3A_450[%dma_wait3A_451, %dma_wait3A_452] : memref<128x128xf32, #tpu.memory_space<vmem>> -> memref<128x128xf32, #tpu.memory_space<vmem>>
    %dma_wait3A_454 = arith.constant 0 : i32
    %dma_wait3A_455 = tpu.memref_slice %arg2[%add3A_189, %dma_wait3A_454] : memref<16384x128xf32, #tpu.memory_space<hbm>> -> memref<128x128xf32, #tpu.memory_space<hbm>>
    %dma_wait3A_456 = arith.constant 0 : i32
    %dma_wait3A_457 = arith.constant 0 : i32
    %dma_wait3A_458 = tpu.memref_slice %arg9[%dma_wait3A_446, %dma_wait3A_456, %dma_wait3A_457] : memref<3x128x128xf32, #tpu.memory_space<vmem>> -> memref<1x128x128xf32, #tpu.memory_space<vmem>>
    %dma_wait3A_459 = tpu.memref_squeeze %dma_wait3A_458 : memref<1x128x128xf32, #tpu.memory_space<vmem>> -> memref<128x128xf32, #tpu.memory_space<vmem>>
    %dma_wait3A_460 = arith.constant 0 : i32
    %dma_wait3A_461 = arith.constant 0 : i32
    %dma_wait3A_462 = tpu.memref_slice %dma_wait3A_459[%dma_wait3A_460, %dma_wait3A_461] : memref<128x128xf32, #tpu.memory_space<vmem>> -> memref<128x128xf32, #tpu.memory_space<vmem>>
    %dma_wait3A_463 = arith.constant 0 : i32
    %dma_wait3A_464 = tpu.memref_slice %arg2[%add3A_189, %dma_wait3A_463] : memref<16384x128xf32, #tpu.memory_space<hbm>> -> memref<128x128xf32, #tpu.memory_space<hbm>>
    tpu.wait_dma2 semaphore(%arg13 : memref<!tpu.dma_semaphore, #tpu.memory_space<semaphore_mem>>) src(%dma_wait3A_464 : memref<128x128xf32, #tpu.memory_space<hbm>>) dst(%dma_wait3A_462 : memref<128x128xf32, #tpu.memory_space<vmem>>)
    %dma_wait3A_465 = arith.constant 0 : i32
    %dma_wait3A_466 = arith.constant 0 : i32
    %dma_wait3A_467 = arith.constant 0 : i32
    %dma_wait3A_468 = tpu.memref_slice %arg10[%dma_wait3A_465, %dma_wait3A_466, %dma_wait3A_467] : memref<3x128x128xf32, #tpu.memory_space<vmem>> -> memref<1x128x128xf32, #tpu.memory_space<vmem>>
    %dma_wait3A_469 = tpu.memref_squeeze %dma_wait3A_468 : memref<1x128x128xf32, #tpu.memory_space<vmem>> -> memref<128x128xf32, #tpu.memory_space<vmem>>
    %dma_wait3A_470 = arith.constant 0 : i32
    %dma_wait3A_471 = arith.constant 0 : i32
    %dma_wait3A_472 = tpu.memref_slice %dma_wait3A_469[%dma_wait3A_470, %dma_wait3A_471] : memref<128x128xf32, #tpu.memory_space<vmem>> -> memref<128x128xf32, #tpu.memory_space<vmem>>
    %dma_wait3A_473 = arith.constant 256 : i32
    %dma_wait3A_474 = tpu.memref_slice %arg7[%dma_wait3A_473] : memref<512xi32, #tpu.memory_space<vmem>> -> memref<128xi32, #tpu.memory_space<vmem>>
    %dma_wait3A_475 = arith.constant 0 : i32
    %dma_wait3A_476 = arith.constant 0 : i32
    %dma_wait3A_477 = tpu.memref_slice %arg5[%dma_wait3A_475, %dma_wait3A_476] : memref<100000x128xf32, #tpu.memory_space<hbm>> -> memref<100000x128xf32, #tpu.memory_space<hbm>>
    tpu.wait_indirect_dma semaphore(%arg16 : memref<!tpu.dma_semaphore, #tpu.memory_space<semaphore_mem>>) src(%dma_wait3A_477 : memref<100000x128xf32, #tpu.memory_space<hbm>>) dst(%dma_wait3A_472 : memref<128x128xf32, #tpu.memory_space<vmem>>)
    %scan3A_478 = arith.constant 0 : i32
    %scan3A_479 = arith.constant 0 : i32
    %scan3A_480 = arith.constant 64 : i32
    %scan3A_481 = arith.addi %scan3A_479, %scan3A_480 : i32
    %scan3A_482 = arith.constant 1 : i32
    scf.for %scan3A_680 = %scan3A_479 to %scan3A_481 step %scan3A_482  : i32 {
      %mul3A_681 = arith.constant 2 : i32
      %mul3A_682 = arith.muli %scan3A_680, %mul3A_681 : i32
      %jit3A = arith.constant 16 : i32
      %div3A = arith.divsi %mul3A_682, %jit3A : i32
      %sign3A = arith.constant 0 : i32
      %sign3A_683 = arith.cmpi sgt, %mul3A_682, %sign3A : i32
      %sign3A_684 = arith.extui %sign3A_683 : i1 to i32
      %sign3A_685 = arith.constant 0 : i32
      %sign3A_686 = arith.cmpi slt, %mul3A_682, %sign3A_685 : i32
      %sign3A_687 = arith.extui %sign3A_686 : i1 to i32
      %sign3A_688 = arith.subi %sign3A_684, %sign3A_687 : i32
      %sign3A_689 = arith.constant 0 : i32
      %sign3A_690 = arith.cmpi sgt, %jit3A, %sign3A_689 : i32
      %sign3A_691 = arith.extui %sign3A_690 : i1 to i32
      %sign3A_692 = arith.constant 0 : i32
      %sign3A_693 = arith.cmpi slt, %jit3A, %sign3A_692 : i32
      %sign3A_694 = arith.extui %sign3A_693 : i1 to i32
      %sign3A_695 = arith.subi %sign3A_691, %sign3A_694 : i32
      %ne3A = arith.cmpi ne, %sign3A_688, %sign3A_695 : i32
      %rem3A = arith.remsi %mul3A_682, %jit3A : i32
      %ne3A_696 = arith.constant 0 : i32
      %ne3A_697 = arith.cmpi ne, %rem3A, %ne3A_696 : i32
      %and3A = arith.andi %ne3A, %ne3A_697 : i1
      %sub3A = arith.constant 1 : i32
      %sub3A_698 = arith.subi %div3A, %sub3A : i32
      %select_n3A = arith.select %and3A, %sub3A_698, %div3A : i32
      %mul3A_699 = arith.constant 16 : i32
      %mul3A_700 = arith.muli %select_n3A, %mul3A_699 : i32
      %add3A_701 = arith.constant 256 : i32
      %add3A_702 = arith.addi %add3A_701, %mul3A_700 : i32
      %get3A = arith.index_cast %add3A_702 : i32 to index
      %get3A_703 = tpu.vector_load %arg8[%get3A] {strides = array<i32>} : memref<512xf32, #tpu.memory_space<vmem>>, vector<16xf32>,
      %get3A_704 = vector.shape_cast %get3A_703 : vector<16xf32> to vector<16xf32>
      %exp3A = math.exp %get3A_704 : vector<16xf32>
      %add3A_705 = arith.constant 0 : i32
      %add3A_706 = arith.addi %mul3A_682, %add3A_705 : i32
      %sub3A_707 = arith.subi %add3A_706, %mul3A_700 : i32
      %broadcast_in_dim3A = vector.broadcast %sub3A_707 : i32 to vector<16xi32>
      %broadcast_in_dim3A_708 = vector.shape_cast %broadcast_in_dim3A : vector<16xi32> to vector<16x1xi32>
      %gather3A = vector.shape_cast %broadcast_in_dim3A_708 : vector<16x1xi32> to vector<16xi32>
      %gather3A_709 = tpu.dynamic_gather %exp3A[%gather3A] in [0] : vector<16xf32>, vector<16xi32> -> vector<16xf32>
      %get3A_710 = arith.constant 0 : i32
      %get3A_711 = arith.index_cast %get3A_710 : i32 to index
      %get3A_712 = arith.index_cast %add3A_706 : i32 to index
      %get3A_713 = arith.constant 0 : index
      %get3A_714 = tpu.vector_load %arg9[%get3A_711, %get3A_712, %get3A_713] {strides = array<i32>} : memref<3x128x128xf32, #tpu.memory_space<vmem>>, vector<1x1x16xf32>,
      %get3A_715 = vector.shape_cast %get3A_714 : vector<1x1x16xf32> to vector<16xf32>
      %mul3A_716 = arith.mulf %get3A_715, %gather3A_709 : vector<16xf32>
      %swap3A = arith.constant 0 : i32
      %swap3A_717 = arith.index_cast %swap3A : i32 to index
      %swap3A_718 = arith.index_cast %add3A_706 : i32 to index
      %swap3A_719 = arith.constant 0 : index
      %swap3A_720 = tpu.vector_load %arg10[%swap3A_717, %swap3A_718, %swap3A_719] {strides = array<i32>} : memref<3x128x128xf32, #tpu.memory_space<vmem>>, vector<1x1x16xf32>,
      %swap3A_721 = vector.shape_cast %swap3A_720 : vector<1x1x16xf32> to vector<16xf32>
      %swap3A_722 = vector.shape_cast %mul3A_716 : vector<16xf32> to vector<1x1x16xf32>
      tpu.vector_store %arg10[%swap3A_717, %swap3A_718, %swap3A_719], %swap3A_722 {add = true, strides = array<i32>} : memref<3x128x128xf32, #tpu.memory_space<vmem>>, vector<1x1x16xf32>,
      %get3A_723 = arith.constant 0 : i32
      %get3A_724 = arith.index_cast %get3A_723 : i32 to index
      %get3A_725 = arith.index_cast %add3A_706 : i32 to index
      %get3A_726 = arith.constant 16 : index
      %get3A_727 = tpu.vector_load %arg9[%get3A_724, %get3A_725, %get3A_726] {strides = array<i32>} : memref<3x128x128xf32, #tpu.memory_space<vmem>>, vector<1x1x16xf32>,
      %get3A_728 = vector.shape_cast %get3A_727 : vector<1x1x16xf32> to vector<16xf32>
      %mul3A_729 = arith.mulf %get3A_728, %gather3A_709 : vector<16xf32>
      %swap3A_730 = arith.constant 0 : i32
      %swap3A_731 = arith.index_cast %swap3A_730 : i32 to index
      %swap3A_732 = arith.index_cast %add3A_706 : i32 to index
      %swap3A_733 = arith.constant 16 : index
      %swap3A_734 = tpu.vector_load %arg10[%swap3A_731, %swap3A_732, %swap3A_733] {strides = array<i32>} : memref<3x128x128xf32, #tpu.memory_space<vmem>>, vector<1x1x16xf32>,
      %swap3A_735 = vector.shape_cast %swap3A_734 : vector<1x1x16xf32> to vector<16xf32>
      %swap3A_736 = vector.shape_cast %mul3A_729 : vector<16xf32> to vector<1x1x16xf32>
      tpu.vector_store %arg10[%swap3A_731, %swap3A_732, %swap3A_733], %swap3A_736 {add = true, strides = array<i32>} : memref<3x128x128xf32, #tpu.memory_space<vmem>>, vector<1x1x16xf32>,
      %get3A_737 = arith.constant 0 : i32
      %get3A_738 = arith.index_cast %get3A_737 : i32 to index
      %get3A_739 = arith.index_cast %add3A_706 : i32 to index
      %get3A_740 = arith.constant 32 : index
      %get3A_741 = tpu.vector_load %arg9[%get3A_738, %get3A_739, %get3A_740] {strides = array<i32>} : memref<3x128x128xf32, #tpu.memory_space<vmem>>, vector<1x1x16xf32>,
      %get3A_742 = vector.shape_cast %get3A_741 : vector<1x1x16xf32> to vector<16xf32>
      %mul3A_743 = arith.mulf %get3A_742, %gather3A_709 : vector<16xf32>
      %swap3A_744 = arith.constant 0 : i32
      %swap3A_745 = arith.index_cast %swap3A_744 : i32 to index
      %swap3A_746 = arith.index_cast %add3A_706 : i32 to index
      %swap3A_747 = arith.constant 32 : index
      %swap3A_748 = tpu.vector_load %arg10[%swap3A_745, %swap3A_746, %swap3A_747] {strides = array<i32>} : memref<3x128x128xf32, #tpu.memory_space<vmem>>, vector<1x1x16xf32>,
      %swap3A_749 = vector.shape_cast %swap3A_748 : vector<1x1x16xf32> to vector<16xf32>
      %swap3A_750 = vector.shape_cast %mul3A_743 : vector<16xf32> to vector<1x1x16xf32>
      tpu.vector_store %arg10[%swap3A_745, %swap3A_746, %swap3A_747], %swap3A_750 {add = true, strides = array<i32>} : memref<3x128x128xf32, #tpu.memory_space<vmem>>, vector<1x1x16xf32>,
      %get3A_751 = arith.constant 0 : i32
      %get3A_752 = arith.index_cast %get3A_751 : i32 to index
      %get3A_753 = arith.index_cast %add3A_706 : i32 to index
      %get3A_754 = arith.constant 48 : index
      %get3A_755 = tpu.vector_load %arg9[%get3A_752, %get3A_753, %get3A_754] {strides = array<i32>} : memref<3x128x128xf32, #tpu.memory_space<vmem>>, vector<1x1x16xf32>,
      %get3A_756 = vector.shape_cast %get3A_755 : vector<1x1x16xf32> to vector<16xf32>
      %mul3A_757 = arith.mulf %get3A_756, %gather3A_709 : vector<16xf32>
      %swap3A_758 = arith.constant 0 : i32
      %swap3A_759 = arith.index_cast %swap3A_758 : i32 to index
      %swap3A_760 = arith.index_cast %add3A_706 : i32 to index
      %swap3A_761 = arith.constant 48 : index
      %swap3A_762 = tpu.vector_load %arg10[%swap3A_759, %swap3A_760, %swap3A_761] {strides = array<i32>} : memref<3x128x128xf32, #tpu.memory_space<vmem>>, vector<1x1x16xf32>,
      %swap3A_763 = vector.shape_cast %swap3A_762 : vector<1x1x16xf32> to vector<16xf32>
      %swap3A_764 = vector.shape_cast %mul3A_757 : vector<16xf32> to vector<1x1x16xf32>
      tpu.vector_store %arg10[%swap3A_759, %swap3A_760, %swap3A_761], %swap3A_764 {add = true, strides = array<i32>} : memref<3x128x128xf32, #tpu.memory_space<vmem>>, vector<1x1x16xf32>,
      %get3A_765 = arith.constant 0 : i32
      %get3A_766 = arith.index_cast %get3A_765 : i32 to index
      %get3A_767 = arith.index_cast %add3A_706 : i32 to index
      %get3A_768 = arith.constant 64 : index
      %get3A_769 = tpu.vector_load %arg9[%get3A_766, %get3A_767, %get3A_768] {strides = array<i32>} : memref<3x128x128xf32, #tpu.memory_space<vmem>>, vector<1x1x16xf32>,
      %get3A_770 = vector.shape_cast %get3A_769 : vector<1x1x16xf32> to vector<16xf32>
      %mul3A_771 = arith.mulf %get3A_770, %gather3A_709 : vector<16xf32>
      %swap3A_772 = arith.constant 0 : i32
      %swap3A_773 = arith.index_cast %swap3A_772 : i32 to index
      %swap3A_774 = arith.index_cast %add3A_706 : i32 to index
      %swap3A_775 = arith.constant 64 : index
      %swap3A_776 = tpu.vector_load %arg10[%swap3A_773, %swap3A_774, %swap3A_775] {strides = array<i32>} : memref<3x128x128xf32, #tpu.memory_space<vmem>>, vector<1x1x16xf32>,
      %swap3A_777 = vector.shape_cast %swap3A_776 : vector<1x1x16xf32> to vector<16xf32>
      %swap3A_778 = vector.shape_cast %mul3A_771 : vector<16xf32> to vector<1x1x16xf32>
      tpu.vector_store %arg10[%swap3A_773, %swap3A_774, %swap3A_775], %swap3A_778 {add = true, strides = array<i32>} : memref<3x128x128xf32, #tpu.memory_space<vmem>>, vector<1x1x16xf32>,
      %get3A_779 = arith.constant 0 : i32
      %get3A_780 = arith.index_cast %get3A_779 : i32 to index
      %get3A_781 = arith.index_cast %add3A_706 : i32 to index
      %get3A_782 = arith.constant 80 : index
      %get3A_783 = tpu.vector_load %arg9[%get3A_780, %get3A_781, %get3A_782] {strides = array<i32>} : memref<3x128x128xf32, #tpu.memory_space<vmem>>, vector<1x1x16xf32>,
      %get3A_784 = vector.shape_cast %get3A_783 : vector<1x1x16xf32> to vector<16xf32>
      %mul3A_785 = arith.mulf %get3A_784, %gather3A_709 : vector<16xf32>
      %swap3A_786 = arith.constant 0 : i32
      %swap3A_787 = arith.index_cast %swap3A_786 : i32 to index
      %swap3A_788 = arith.index_cast %add3A_706 : i32 to index
      %swap3A_789 = arith.constant 80 : index
      %swap3A_790 = tpu.vector_load %arg10[%swap3A_787, %swap3A_788, %swap3A_789] {strides = array<i32>} : memref<3x128x128xf32, #tpu.memory_space<vmem>>, vector<1x1x16xf32>,
      %swap3A_791 = vector.shape_cast %swap3A_790 : vector<1x1x16xf32> to vector<16xf32>
      %swap3A_792 = vector.shape_cast %mul3A_785 : vector<16xf32> to vector<1x1x16xf32>
      tpu.vector_store %arg10[%swap3A_787, %swap3A_788, %swap3A_789], %swap3A_792 {add = true, strides = array<i32>} : memref<3x128x128xf32, #tpu.memory_space<vmem>>, vector<1x1x16xf32>,
      %get3A_793 = arith.constant 0 : i32
      %get3A_794 = arith.index_cast %get3A_793 : i32 to index
      %get3A_795 = arith.index_cast %add3A_706 : i32 to index
      %get3A_796 = arith.constant 96 : index
      %get3A_797 = tpu.vector_load %arg9[%get3A_794, %get3A_795, %get3A_796] {strides = array<i32>} : memref<3x128x128xf32, #tpu.memory_space<vmem>>, vector<1x1x16xf32>,
      %get3A_798 = vector.shape_cast %get3A_797 : vector<1x1x16xf32> to vector<16xf32>
      %mul3A_799 = arith.mulf %get3A_798, %gather3A_709 : vector<16xf32>
      %swap3A_800 = arith.constant 0 : i32
      %swap3A_801 = arith.index_cast %swap3A_800 : i32 to index
      %swap3A_802 = arith.index_cast %add3A_706 : i32 to index
      %swap3A_803 = arith.constant 96 : index
      %swap3A_804 = tpu.vector_load %arg10[%swap3A_801, %swap3A_802, %swap3A_803] {strides = array<i32>} : memref<3x128x128xf32, #tpu.memory_space<vmem>>, vector<1x1x16xf32>,
      %swap3A_805 = vector.shape_cast %swap3A_804 : vector<1x1x16xf32> to vector<16xf32>
      %swap3A_806 = vector.shape_cast %mul3A_799 : vector<16xf32> to vector<1x1x16xf32>
      tpu.vector_store %arg10[%swap3A_801, %swap3A_802, %swap3A_803], %swap3A_806 {add = true, strides = array<i32>} : memref<3x128x128xf32, #tpu.memory_space<vmem>>, vector<1x1x16xf32>,
      %get3A_807 = arith.constant 0 : i32
      %get3A_808 = arith.index_cast %get3A_807 : i32 to index
      %get3A_809 = arith.index_cast %add3A_706 : i32 to index
      %get3A_810 = arith.constant 112 : index
      %get3A_811 = tpu.vector_load %arg9[%get3A_808, %get3A_809, %get3A_810] {strides = array<i32>} : memref<3x128x128xf32, #tpu.memory_space<vmem>>, vector<1x1x16xf32>,
      %get3A_812 = vector.shape_cast %get3A_811 : vector<1x1x16xf32> to vector<16xf32>
      %mul3A_813 = arith.mulf %get3A_812, %gather3A_709 : vector<16xf32>
      %swap3A_814 = arith.constant 0 : i32
      %swap3A_815 = arith.index_cast %swap3A_814 : i32 to index
      %swap3A_816 = arith.index_cast %add3A_706 : i32 to index
      %swap3A_817 = arith.constant 112 : index
      %swap3A_818 = tpu.vector_load %arg10[%swap3A_815, %swap3A_816, %swap3A_817] {strides = array<i32>} : memref<3x128x128xf32, #tpu.memory_space<vmem>>, vector<1x1x16xf32>,
      %swap3A_819 = vector.shape_cast %swap3A_818 : vector<1x1x16xf32> to vector<16xf32>
      %swap3A_820 = vector.shape_cast %mul3A_813 : vector<16xf32> to vector<1x1x16xf32>
      tpu.vector_store %arg10[%swap3A_815, %swap3A_816, %swap3A_817], %swap3A_820 {add = true, strides = array<i32>} : memref<3x128x128xf32, #tpu.memory_space<vmem>>, vector<1x1x16xf32>,
      %add3A_821 = arith.constant 1 : i32
      %add3A_822 = arith.addi %mul3A_682, %add3A_821 : i32
      %sub3A_823 = arith.subi %add3A_822, %mul3A_700 : i32
      %broadcast_in_dim3A_824 = vector.broadcast %sub3A_823 : i32 to vector<16xi32>
      %broadcast_in_dim3A_825 = vector.shape_cast %broadcast_in_dim3A_824 : vector<16xi32> to vector<16x1xi32>
      %gather3A_826 = vector.shape_cast %broadcast_in_dim3A_825 : vector<16x1xi32> to vector<16xi32>
      %gather3A_827 = tpu.dynamic_gather %exp3A[%gather3A_826] in [0] : vector<16xf32>, vector<16xi32> -> vector<16xf32>
      %get3A_828 = arith.constant 0 : i32
      %get3A_829 = arith.index_cast %get3A_828 : i32 to index
      %get3A_830 = arith.index_cast %add3A_822 : i32 to index
      %get3A_831 = arith.constant 0 : index
      %get3A_832 = tpu.vector_load %arg9[%get3A_829, %get3A_830, %get3A_831] {strides = array<i32>} : memref<3x128x128xf32, #tpu.memory_space<vmem>>, vector<1x1x16xf32>,
      %get3A_833 = vector.shape_cast %get3A_832 : vector<1x1x16xf32> to vector<16xf32>
      %mul3A_834 = arith.mulf %get3A_833, %gather3A_827 : vector<16xf32>
      %swap3A_835 = arith.constant 0 : i32
      %swap3A_836 = arith.index_cast %swap3A_835 : i32 to index
      %swap3A_837 = arith.index_cast %add3A_822 : i32 to index
      %swap3A_838 = arith.constant 0 : index
      %swap3A_839 = tpu.vector_load %arg10[%swap3A_836, %swap3A_837, %swap3A_838] {strides = array<i32>} : memref<3x128x128xf32, #tpu.memory_space<vmem>>, vector<1x1x16xf32>,
      %swap3A_840 = vector.shape_cast %swap3A_839 : vector<1x1x16xf32> to vector<16xf32>
      %swap3A_841 = vector.shape_cast %mul3A_834 : vector<16xf32> to vector<1x1x16xf32>
      tpu.vector_store %arg10[%swap3A_836, %swap3A_837, %swap3A_838], %swap3A_841 {add = true, strides = array<i32>} : memref<3x128x128xf32, #tpu.memory_space<vmem>>, vector<1x1x16xf32>,
      %get3A_842 = arith.constant 0 : i32
      %get3A_843 = arith.index_cast %get3A_842 : i32 to index
      %get3A_844 = arith.index_cast %add3A_822 : i32 to index
      %get3A_845 = arith.constant 16 : index
      %get3A_846 = tpu.vector_load %arg9[%get3A_843, %get3A_844, %get3A_845] {strides = array<i32>} : memref<3x128x128xf32, #tpu.memory_space<vmem>>, vector<1x1x16xf32>,
      %get3A_847 = vector.shape_cast %get3A_846 : vector<1x1x16xf32> to vector<16xf32>
      %mul3A_848 = arith.mulf %get3A_847, %gather3A_827 : vector<16xf32>
      %swap3A_849 = arith.constant 0 : i32
      %swap3A_850 = arith.index_cast %swap3A_849 : i32 to index
      %swap3A_851 = arith.index_cast %add3A_822 : i32 to index
      %swap3A_852 = arith.constant 16 : index
      %swap3A_853 = tpu.vector_load %arg10[%swap3A_850, %swap3A_851, %swap3A_852] {strides = array<i32>} : memref<3x128x128xf32, #tpu.memory_space<vmem>>, vector<1x1x16xf32>,
      %swap3A_854 = vector.shape_cast %swap3A_853 : vector<1x1x16xf32> to vector<16xf32>
      %swap3A_855 = vector.shape_cast %mul3A_848 : vector<16xf32> to vector<1x1x16xf32>
      tpu.vector_store %arg10[%swap3A_850, %swap3A_851, %swap3A_852], %swap3A_855 {add = true, strides = array<i32>} : memref<3x128x128xf32, #tpu.memory_space<vmem>>, vector<1x1x16xf32>,
      %get3A_856 = arith.constant 0 : i32
      %get3A_857 = arith.index_cast %get3A_856 : i32 to index
      %get3A_858 = arith.index_cast %add3A_822 : i32 to index
      %get3A_859 = arith.constant 32 : index
      %get3A_860 = tpu.vector_load %arg9[%get3A_857, %get3A_858, %get3A_859] {strides = array<i32>} : memref<3x128x128xf32, #tpu.memory_space<vmem>>, vector<1x1x16xf32>,
      %get3A_861 = vector.shape_cast %get3A_860 : vector<1x1x16xf32> to vector<16xf32>
      %mul3A_862 = arith.mulf %get3A_861, %gather3A_827 : vector<16xf32>
      %swap3A_863 = arith.constant 0 : i32
      %swap3A_864 = arith.index_cast %swap3A_863 : i32 to index
      %swap3A_865 = arith.index_cast %add3A_822 : i32 to index
      %swap3A_866 = arith.constant 32 : index
      %swap3A_867 = tpu.vector_load %arg10[%swap3A_864, %swap3A_865, %swap3A_866] {strides = array<i32>} : memref<3x128x128xf32, #tpu.memory_space<vmem>>, vector<1x1x16xf32>,
      %swap3A_868 = vector.shape_cast %swap3A_867 : vector<1x1x16xf32> to vector<16xf32>
      %swap3A_869 = vector.shape_cast %mul3A_862 : vector<16xf32> to vector<1x1x16xf32>
      tpu.vector_store %arg10[%swap3A_864, %swap3A_865, %swap3A_866], %swap3A_869 {add = true, strides = array<i32>} : memref<3x128x128xf32, #tpu.memory_space<vmem>>, vector<1x1x16xf32>,
      %get3A_870 = arith.constant 0 : i32
      %get3A_871 = arith.index_cast %get3A_870 : i32 to index
      %get3A_872 = arith.index_cast %add3A_822 : i32 to index
      %get3A_873 = arith.constant 48 : index
      %get3A_874 = tpu.vector_load %arg9[%get3A_871, %get3A_872, %get3A_873] {strides = array<i32>} : memref<3x128x128xf32, #tpu.memory_space<vmem>>, vector<1x1x16xf32>,
      %get3A_875 = vector.shape_cast %get3A_874 : vector<1x1x16xf32> to vector<16xf32>
      %mul3A_876 = arith.mulf %get3A_875, %gather3A_827 : vector<16xf32>
      %swap3A_877 = arith.constant 0 : i32
      %swap3A_878 = arith.index_cast %swap3A_877 : i32 to index
      %swap3A_879 = arith.index_cast %add3A_822 : i32 to index
      %swap3A_880 = arith.constant 48 : index
      %swap3A_881 = tpu.vector_load %arg10[%swap3A_878, %swap3A_879, %swap3A_880] {strides = array<i32>} : memref<3x128x128xf32, #tpu.memory_space<vmem>>, vector<1x1x16xf32>,
      %swap3A_882 = vector.shape_cast %swap3A_881 : vector<1x1x16xf32> to vector<16xf32>
      %swap3A_883 = vector.shape_cast %mul3A_876 : vector<16xf32> to vector<1x1x16xf32>
      tpu.vector_store %arg10[%swap3A_878, %swap3A_879, %swap3A_880], %swap3A_883 {add = true, strides = array<i32>} : memref<3x128x128xf32, #tpu.memory_space<vmem>>, vector<1x1x16xf32>,
      %get3A_884 = arith.constant 0 : i32
      %get3A_885 = arith.index_cast %get3A_884 : i32 to index
      %get3A_886 = arith.index_cast %add3A_822 : i32 to index
      %get3A_887 = arith.constant 64 : index
      %get3A_888 = tpu.vector_load %arg9[%get3A_885, %get3A_886, %get3A_887] {strides = array<i32>} : memref<3x128x128xf32, #tpu.memory_space<vmem>>, vector<1x1x16xf32>,
      %get3A_889 = vector.shape_cast %get3A_888 : vector<1x1x16xf32> to vector<16xf32>
      %mul3A_890 = arith.mulf %get3A_889, %gather3A_827 : vector<16xf32>
      %swap3A_891 = arith.constant 0 : i32
      %swap3A_892 = arith.index_cast %swap3A_891 : i32 to index
      %swap3A_893 = arith.index_cast %add3A_822 : i32 to index
      %swap3A_894 = arith.constant 64 : index
      %swap3A_895 = tpu.vector_load %arg10[%swap3A_892, %swap3A_893, %swap3A_894] {strides = array<i32>} : memref<3x128x128xf32, #tpu.memory_space<vmem>>, vector<1x1x16xf32>,
      %swap3A_896 = vector.shape_cast %swap3A_895 : vector<1x1x16xf32> to vector<16xf32>
      %swap3A_897 = vector.shape_cast %mul3A_890 : vector<16xf32> to vector<1x1x16xf32>
      tpu.vector_store %arg10[%swap3A_892, %swap3A_893, %swap3A_894], %swap3A_897 {add = true, strides = array<i32>} : memref<3x128x128xf32, #tpu.memory_space<vmem>>, vector<1x1x16xf32>,
      %get3A_898 = arith.constant 0 : i32
      %get3A_899 = arith.index_cast %get3A_898 : i32 to index
      %get3A_900 = arith.index_cast %add3A_822 : i32 to index
      %get3A_901 = arith.constant 80 : index
      %get3A_902 = tpu.vector_load %arg9[%get3A_899, %get3A_900, %get3A_901] {strides = array<i32>} : memref<3x128x128xf32, #tpu.memory_space<vmem>>, vector<1x1x16xf32>,
      %get3A_903 = vector.shape_cast %get3A_902 : vector<1x1x16xf32> to vector<16xf32>
      %mul3A_904 = arith.mulf %get3A_903, %gather3A_827 : vector<16xf32>
      %swap3A_905 = arith.constant 0 : i32
      %swap3A_906 = arith.index_cast %swap3A_905 : i32 to index
      %swap3A_907 = arith.index_cast %add3A_822 : i32 to index
      %swap3A_908 = arith.constant 80 : index
      %swap3A_909 = tpu.vector_load %arg10[%swap3A_906, %swap3A_907, %swap3A_908] {strides = array<i32>} : memref<3x128x128xf32, #tpu.memory_space<vmem>>, vector<1x1x16xf32>,
      %swap3A_910 = vector.shape_cast %swap3A_909 : vector<1x1x16xf32> to vector<16xf32>
      %swap3A_911 = vector.shape_cast %mul3A_904 : vector<16xf32> to vector<1x1x16xf32>
      tpu.vector_store %arg10[%swap3A_906, %swap3A_907, %swap3A_908], %swap3A_911 {add = true, strides = array<i32>} : memref<3x128x128xf32, #tpu.memory_space<vmem>>, vector<1x1x16xf32>,
      %get3A_912 = arith.constant 0 : i32
      %get3A_913 = arith.index_cast %get3A_912 : i32 to index
      %get3A_914 = arith.index_cast %add3A_822 : i32 to index
      %get3A_915 = arith.constant 96 : index
      %get3A_916 = tpu.vector_load %arg9[%get3A_913, %get3A_914, %get3A_915] {strides = array<i32>} : memref<3x128x128xf32, #tpu.memory_space<vmem>>, vector<1x1x16xf32>,
      %get3A_917 = vector.shape_cast %get3A_916 : vector<1x1x16xf32> to vector<16xf32>
      %mul3A_918 = arith.mulf %get3A_917, %gather3A_827 : vector<16xf32>
      %swap3A_919 = arith.constant 0 : i32
      %swap3A_920 = arith.index_cast %swap3A_919 : i32 to index
      %swap3A_921 = arith.index_cast %add3A_822 : i32 to index
      %swap3A_922 = arith.constant 96 : index
      %swap3A_923 = tpu.vector_load %arg10[%swap3A_920, %swap3A_921, %swap3A_922] {strides = array<i32>} : memref<3x128x128xf32, #tpu.memory_space<vmem>>, vector<1x1x16xf32>,
      %swap3A_924 = vector.shape_cast %swap3A_923 : vector<1x1x16xf32> to vector<16xf32>
      %swap3A_925 = vector.shape_cast %mul3A_918 : vector<16xf32> to vector<1x1x16xf32>
      tpu.vector_store %arg10[%swap3A_920, %swap3A_921, %swap3A_922], %swap3A_925 {add = true, strides = array<i32>} : memref<3x128x128xf32, #tpu.memory_space<vmem>>, vector<1x1x16xf32>,
      %get3A_926 = arith.constant 0 : i32
      %get3A_927 = arith.index_cast %get3A_926 : i32 to index
      %get3A_928 = arith.index_cast %add3A_822 : i32 to index
      %get3A_929 = arith.constant 112 : index
      %get3A_930 = tpu.vector_load %arg9[%get3A_927, %get3A_928, %get3A_929] {strides = array<i32>} : memref<3x128x128xf32, #tpu.memory_space<vmem>>, vector<1x1x16xf32>,
      %get3A_931 = vector.shape_cast %get3A_930 : vector<1x1x16xf32> to vector<16xf32>
      %mul3A_932 = arith.mulf %get3A_931, %gather3A_827 : vector<16xf32>
      %swap3A_933 = arith.constant 0 : i32
      %swap3A_934 = arith.index_cast %swap3A_933 : i32 to index
      %swap3A_935 = arith.index_cast %add3A_822 : i32 to index
      %swap3A_936 = arith.constant 112 : index
      %swap3A_937 = tpu.vector_load %arg10[%swap3A_934, %swap3A_935, %swap3A_936] {strides = array<i32>} : memref<3x128x128xf32, #tpu.memory_space<vmem>>, vector<1x1x16xf32>,
      %swap3A_938 = vector.shape_cast %swap3A_937 : vector<1x1x16xf32> to vector<16xf32>
      %swap3A_939 = vector.shape_cast %mul3A_932 : vector<16xf32> to vector<1x1x16xf32>
      tpu.vector_store %arg10[%swap3A_934, %swap3A_935, %swap3A_936], %swap3A_939 {add = true, strides = array<i32>} : memref<3x128x128xf32, #tpu.memory_space<vmem>>, vector<1x1x16xf32>,
    }
    %scan3A_483 = arith.constant 64 : i32
    %add3A_484 = arith.constant 256 : i32
    %add3A_485 = arith.addi %mul3A_2, %add3A_484 : i32
    %dma_start3A_486 = arith.constant 0 : i32
    %dma_start3A_487 = arith.constant 0 : i32
    %dma_start3A_488 = arith.constant 0 : i32
    %dma_start3A_489 = tpu.memref_slice %arg10[%dma_start3A_486, %dma_start3A_487, %dma_start3A_488] : memref<3x128x128xf32, #tpu.memory_space<vmem>> -> memref<1x128x128xf32, #tpu.memory_space<vmem>>
    %dma_start3A_490 = tpu.memref_squeeze %dma_start3A_489 : memref<1x128x128xf32, #tpu.memory_space<vmem>> -> memref<128x128xf32, #tpu.memory_space<vmem>>
    %dma_start3A_491 = arith.constant 0 : i32
    %dma_start3A_492 = arith.constant 0 : i32
    %dma_start3A_493 = tpu.memref_slice %dma_start3A_490[%dma_start3A_491, %dma_start3A_492] : memref<128x128xf32, #tpu.memory_space<vmem>> -> memref<128x128xf32, #tpu.memory_space<vmem>>
    %dma_start3A_494 = arith.constant 0 : i32
    %dma_start3A_495 = tpu.memref_slice %arg6[%add3A_485, %dma_start3A_494] : memref<16384x128xf32, #tpu.memory_space<hbm>> -> memref<128x128xf32, #tpu.memory_space<hbm>>
    %dma_start3A_496 = arith.constant 0 : i32
    %dma_start3A_497 = tpu.memref_slice %arg6[%add3A_485, %dma_start3A_496] : memref<16384x128xf32, #tpu.memory_space<hbm>> -> memref<128x128xf32, #tpu.memory_space<hbm>>
    %dma_start3A_498 = arith.constant 0 : i32
    %dma_start3A_499 = arith.constant 0 : i32
    %dma_start3A_500 = tpu.memref_slice %arg10[%dma_start3A_486, %dma_start3A_498, %dma_start3A_499] : memref<3x128x128xf32, #tpu.memory_space<vmem>> -> memref<1x128x128xf32, #tpu.memory_space<vmem>>
    %dma_start3A_501 = tpu.memref_squeeze %dma_start3A_500 : memref<1x128x128xf32, #tpu.memory_space<vmem>> -> memref<128x128xf32, #tpu.memory_space<vmem>>
    %dma_start3A_502 = arith.constant 0 : i32
    %dma_start3A_503 = arith.constant 0 : i32
    %dma_start3A_504 = tpu.memref_slice %dma_start3A_501[%dma_start3A_502, %dma_start3A_503] : memref<128x128xf32, #tpu.memory_space<vmem>> -> memref<128x128xf32, #tpu.memory_space<vmem>>
    tpu.enqueue_dma source(%dma_start3A_504 : memref<128x128xf32, #tpu.memory_space<vmem>>) target(%dma_start3A_497 : memref<128x128xf32, #tpu.memory_space<hbm>>) target_semaphore(%arg19 : memref<!tpu.dma_semaphore, #tpu.memory_space<semaphore_mem>>)
    %dma_wait3A_505 = arith.constant 1 : i32
    %dma_wait3A_506 = arith.constant 0 : i32
    %dma_wait3A_507 = arith.constant 0 : i32
    %dma_wait3A_508 = tpu.memref_slice %arg9[%dma_wait3A_505, %dma_wait3A_506, %dma_wait3A_507] : memref<3x128x128xf32, #tpu.memory_space<vmem>> -> memref<1x128x128xf32, #tpu.memory_space<vmem>>
    %dma_wait3A_509 = tpu.memref_squeeze %dma_wait3A_508 : memref<1x128x128xf32, #tpu.memory_space<vmem>> -> memref<128x128xf32, #tpu.memory_space<vmem>>
    %dma_wait3A_510 = arith.constant 0 : i32
    %dma_wait3A_511 = arith.constant 0 : i32
    %dma_wait3A_512 = tpu.memref_slice %dma_wait3A_509[%dma_wait3A_510, %dma_wait3A_511] : memref<128x128xf32, #tpu.memory_space<vmem>> -> memref<64x128xf32, #tpu.memory_space<vmem>>
    %dma_wait3A_513 = arith.constant 0 : i32
    %dma_wait3A_514 = tpu.memref_slice %arg2[%add3A_301, %dma_wait3A_513] : memref<16384x128xf32, #tpu.memory_space<hbm>> -> memref<64x128xf32, #tpu.memory_space<hbm>>
    %dma_wait3A_515 = arith.constant 0 : i32
    %dma_wait3A_516 = arith.constant 0 : i32
    %dma_wait3A_517 = tpu.memref_slice %arg9[%dma_wait3A_505, %dma_wait3A_515, %dma_wait3A_516] : memref<3x128x128xf32, #tpu.memory_space<vmem>> -> memref<1x128x128xf32, #tpu.memory_space<vmem>>
    %dma_wait3A_518 = tpu.memref_squeeze %dma_wait3A_517 : memref<1x128x128xf32, #tpu.memory_space<vmem>> -> memref<128x128xf32, #tpu.memory_space<vmem>>
    %dma_wait3A_519 = arith.constant 0 : i32
    %dma_wait3A_520 = arith.constant 0 : i32
    %dma_wait3A_521 = tpu.memref_slice %dma_wait3A_518[%dma_wait3A_519, %dma_wait3A_520] : memref<128x128xf32, #tpu.memory_space<vmem>> -> memref<64x128xf32, #tpu.memory_space<vmem>>
    %dma_wait3A_522 = arith.constant 0 : i32
    %dma_wait3A_523 = tpu.memref_slice %arg2[%add3A_301, %dma_wait3A_522] : memref<16384x128xf32, #tpu.memory_space<hbm>> -> memref<64x128xf32, #tpu.memory_space<hbm>>
    tpu.wait_dma2 semaphore(%arg14 : memref<!tpu.dma_semaphore, #tpu.memory_space<semaphore_mem>>) src(%dma_wait3A_523 : memref<64x128xf32, #tpu.memory_space<hbm>>) dst(%dma_wait3A_521 : memref<64x128xf32, #tpu.memory_space<vmem>>)
    %dma_wait3A_524 = arith.constant 1 : i32
    %dma_wait3A_525 = arith.constant 0 : i32
    %dma_wait3A_526 = arith.constant 0 : i32
    %dma_wait3A_527 = tpu.memref_slice %arg10[%dma_wait3A_524, %dma_wait3A_525, %dma_wait3A_526] : memref<3x128x128xf32, #tpu.memory_space<vmem>> -> memref<1x128x128xf32, #tpu.memory_space<vmem>>
    %dma_wait3A_528 = tpu.memref_squeeze %dma_wait3A_527 : memref<1x128x128xf32, #tpu.memory_space<vmem>> -> memref<128x128xf32, #tpu.memory_space<vmem>>
    %dma_wait3A_529 = arith.constant 0 : i32
    %dma_wait3A_530 = arith.constant 0 : i32
    %dma_wait3A_531 = tpu.memref_slice %dma_wait3A_528[%dma_wait3A_529, %dma_wait3A_530] : memref<128x128xf32, #tpu.memory_space<vmem>> -> memref<64x128xf32, #tpu.memory_space<vmem>>
    %dma_wait3A_532 = arith.constant 384 : i32
    %dma_wait3A_533 = tpu.memref_slice %arg7[%dma_wait3A_532] : memref<512xi32, #tpu.memory_space<vmem>> -> memref<64xi32, #tpu.memory_space<vmem>>
    %dma_wait3A_534 = arith.constant 0 : i32
    %dma_wait3A_535 = arith.constant 0 : i32
    %dma_wait3A_536 = tpu.memref_slice %arg5[%dma_wait3A_534, %dma_wait3A_535] : memref<100000x128xf32, #tpu.memory_space<hbm>> -> memref<100000x128xf32, #tpu.memory_space<hbm>>
    tpu.wait_indirect_dma semaphore(%arg17 : memref<!tpu.dma_semaphore, #tpu.memory_space<semaphore_mem>>) src(%dma_wait3A_536 : memref<100000x128xf32, #tpu.memory_space<hbm>>) dst(%dma_wait3A_531 : memref<64x128xf32, #tpu.memory_space<vmem>>)
    %scan3A_537 = arith.constant 0 : i32
    %scan3A_538 = arith.constant 0 : i32
    %scan3A_539 = arith.constant 32 : i32
    %scan3A_540 = arith.addi %scan3A_538, %scan3A_539 : i32
    %scan3A_541 = arith.constant 1 : i32
    scf.for %scan3A_680 = %scan3A_538 to %scan3A_540 step %scan3A_541  : i32 {
      %mul3A_681 = arith.constant 2 : i32
      %mul3A_682 = arith.muli %scan3A_680, %mul3A_681 : i32
      %jit3A = arith.constant 16 : i32
      %div3A = arith.divsi %mul3A_682, %jit3A : i32
      %sign3A = arith.constant 0 : i32
      %sign3A_683 = arith.cmpi sgt, %mul3A_682, %sign3A : i32
      %sign3A_684 = arith.extui %sign3A_683 : i1 to i32
      %sign3A_685 = arith.constant 0 : i32
      %sign3A_686 = arith.cmpi slt, %mul3A_682, %sign3A_685 : i32
      %sign3A_687 = arith.extui %sign3A_686 : i1 to i32
      %sign3A_688 = arith.subi %sign3A_684, %sign3A_687 : i32
      %sign3A_689 = arith.constant 0 : i32
      %sign3A_690 = arith.cmpi sgt, %jit3A, %sign3A_689 : i32
      %sign3A_691 = arith.extui %sign3A_690 : i1 to i32
      %sign3A_692 = arith.constant 0 : i32
      %sign3A_693 = arith.cmpi slt, %jit3A, %sign3A_692 : i32
      %sign3A_694 = arith.extui %sign3A_693 : i1 to i32
      %sign3A_695 = arith.subi %sign3A_691, %sign3A_694 : i32
      %ne3A = arith.cmpi ne, %sign3A_688, %sign3A_695 : i32
      %rem3A = arith.remsi %mul3A_682, %jit3A : i32
      %ne3A_696 = arith.constant 0 : i32
      %ne3A_697 = arith.cmpi ne, %rem3A, %ne3A_696 : i32
      %and3A = arith.andi %ne3A, %ne3A_697 : i1
      %sub3A = arith.constant 1 : i32
      %sub3A_698 = arith.subi %div3A, %sub3A : i32
      %select_n3A = arith.select %and3A, %sub3A_698, %div3A : i32
      %mul3A_699 = arith.constant 16 : i32
      %mul3A_700 = arith.muli %select_n3A, %mul3A_699 : i32
      %add3A_701 = arith.constant 384 : i32
      %add3A_702 = arith.addi %add3A_701, %mul3A_700 : i32
      %get3A = arith.index_cast %add3A_702 : i32 to index
      %get3A_703 = tpu.vector_load %arg8[%get3A] {strides = array<i32>} : memref<512xf32, #tpu.memory_space<vmem>>, vector<16xf32>,
      %get3A_704 = vector.shape_cast %get3A_703 : vector<16xf32> to vector<16xf32>
      %exp3A = math.exp %get3A_704 : vector<16xf32>
      %add3A_705 = arith.constant 0 : i32
      %add3A_706 = arith.addi %mul3A_682, %add3A_705 : i32
      %sub3A_707 = arith.subi %add3A_706, %mul3A_700 : i32
      %broadcast_in_dim3A = vector.broadcast %sub3A_707 : i32 to vector<16xi32>
      %broadcast_in_dim3A_708 = vector.shape_cast %broadcast_in_dim3A : vector<16xi32> to vector<16x1xi32>
      %gather3A = vector.shape_cast %broadcast_in_dim3A_708 : vector<16x1xi32> to vector<16xi32>
      %gather3A_709 = tpu.dynamic_gather %exp3A[%gather3A] in [0] : vector<16xf32>, vector<16xi32> -> vector<16xf32>
      %get3A_710 = arith.constant 1 : i32
      %get3A_711 = arith.index_cast %get3A_710 : i32 to index
      %get3A_712 = arith.index_cast %add3A_706 : i32 to index
      %get3A_713 = arith.constant 0 : index
      %get3A_714 = tpu.vector_load %arg9[%get3A_711, %get3A_712, %get3A_713] {strides = array<i32>} : memref<3x128x128xf32, #tpu.memory_space<vmem>>, vector<1x1x16xf32>,
      %get3A_715 = vector.shape_cast %get3A_714 : vector<1x1x16xf32> to vector<16xf32>
      %mul3A_716 = arith.mulf %get3A_715, %gather3A_709 : vector<16xf32>
      %swap3A = arith.constant 1 : i32
      %swap3A_717 = arith.index_cast %swap3A : i32 to index
      %swap3A_718 = arith.index_cast %add3A_706 : i32 to index
      %swap3A_719 = arith.constant 0 : index
      %swap3A_720 = tpu.vector_load %arg10[%swap3A_717, %swap3A_718, %swap3A_719] {strides = array<i32>} : memref<3x128x128xf32, #tpu.memory_space<vmem>>, vector<1x1x16xf32>,
      %swap3A_721 = vector.shape_cast %swap3A_720 : vector<1x1x16xf32> to vector<16xf32>
      %swap3A_722 = vector.shape_cast %mul3A_716 : vector<16xf32> to vector<1x1x16xf32>
      tpu.vector_store %arg10[%swap3A_717, %swap3A_718, %swap3A_719], %swap3A_722 {add = true, strides = array<i32>} : memref<3x128x128xf32, #tpu.memory_space<vmem>>, vector<1x1x16xf32>,
      %get3A_723 = arith.constant 1 : i32
      %get3A_724 = arith.index_cast %get3A_723 : i32 to index
      %get3A_725 = arith.index_cast %add3A_706 : i32 to index
      %get3A_726 = arith.constant 16 : index
      %get3A_727 = tpu.vector_load %arg9[%get3A_724, %get3A_725, %get3A_726] {strides = array<i32>} : memref<3x128x128xf32, #tpu.memory_space<vmem>>, vector<1x1x16xf32>,
      %get3A_728 = vector.shape_cast %get3A_727 : vector<1x1x16xf32> to vector<16xf32>
      %mul3A_729 = arith.mulf %get3A_728, %gather3A_709 : vector<16xf32>
      %swap3A_730 = arith.constant 1 : i32
      %swap3A_731 = arith.index_cast %swap3A_730 : i32 to index
      %swap3A_732 = arith.index_cast %add3A_706 : i32 to index
      %swap3A_733 = arith.constant 16 : index
      %swap3A_734 = tpu.vector_load %arg10[%swap3A_731, %swap3A_732, %swap3A_733] {strides = array<i32>} : memref<3x128x128xf32, #tpu.memory_space<vmem>>, vector<1x1x16xf32>,
      %swap3A_735 = vector.shape_cast %swap3A_734 : vector<1x1x16xf32> to vector<16xf32>
      %swap3A_736 = vector.shape_cast %mul3A_729 : vector<16xf32> to vector<1x1x16xf32>
      tpu.vector_store %arg10[%swap3A_731, %swap3A_732, %swap3A_733], %swap3A_736 {add = true, strides = array<i32>} : memref<3x128x128xf32, #tpu.memory_space<vmem>>, vector<1x1x16xf32>,
      %get3A_737 = arith.constant 1 : i32
      %get3A_738 = arith.index_cast %get3A_737 : i32 to index
      %get3A_739 = arith.index_cast %add3A_706 : i32 to index
      %get3A_740 = arith.constant 32 : index
      %get3A_741 = tpu.vector_load %arg9[%get3A_738, %get3A_739, %get3A_740] {strides = array<i32>} : memref<3x128x128xf32, #tpu.memory_space<vmem>>, vector<1x1x16xf32>,
      %get3A_742 = vector.shape_cast %get3A_741 : vector<1x1x16xf32> to vector<16xf32>
      %mul3A_743 = arith.mulf %get3A_742, %gather3A_709 : vector<16xf32>
      %swap3A_744 = arith.constant 1 : i32
      %swap3A_745 = arith.index_cast %swap3A_744 : i32 to index
      %swap3A_746 = arith.index_cast %add3A_706 : i32 to index
      %swap3A_747 = arith.constant 32 : index
      %swap3A_748 = tpu.vector_load %arg10[%swap3A_745, %swap3A_746, %swap3A_747] {strides = array<i32>} : memref<3x128x128xf32, #tpu.memory_space<vmem>>, vector<1x1x16xf32>,
      %swap3A_749 = vector.shape_cast %swap3A_748 : vector<1x1x16xf32> to vector<16xf32>
      %swap3A_750 = vector.shape_cast %mul3A_743 : vector<16xf32> to vector<1x1x16xf32>
      tpu.vector_store %arg10[%swap3A_745, %swap3A_746, %swap3A_747], %swap3A_750 {add = true, strides = array<i32>} : memref<3x128x128xf32, #tpu.memory_space<vmem>>, vector<1x1x16xf32>,
      %get3A_751 = arith.constant 1 : i32
      %get3A_752 = arith.index_cast %get3A_751 : i32 to index
      %get3A_753 = arith.index_cast %add3A_706 : i32 to index
      %get3A_754 = arith.constant 48 : index
      %get3A_755 = tpu.vector_load %arg9[%get3A_752, %get3A_753, %get3A_754] {strides = array<i32>} : memref<3x128x128xf32, #tpu.memory_space<vmem>>, vector<1x1x16xf32>,
      %get3A_756 = vector.shape_cast %get3A_755 : vector<1x1x16xf32> to vector<16xf32>
      %mul3A_757 = arith.mulf %get3A_756, %gather3A_709 : vector<16xf32>
      %swap3A_758 = arith.constant 1 : i32
      %swap3A_759 = arith.index_cast %swap3A_758 : i32 to index
      %swap3A_760 = arith.index_cast %add3A_706 : i32 to index
      %swap3A_761 = arith.constant 48 : index
      %swap3A_762 = tpu.vector_load %arg10[%swap3A_759, %swap3A_760, %swap3A_761] {strides = array<i32>} : memref<3x128x128xf32, #tpu.memory_space<vmem>>, vector<1x1x16xf32>,
      %swap3A_763 = vector.shape_cast %swap3A_762 : vector<1x1x16xf32> to vector<16xf32>
      %swap3A_764 = vector.shape_cast %mul3A_757 : vector<16xf32> to vector<1x1x16xf32>
      tpu.vector_store %arg10[%swap3A_759, %swap3A_760, %swap3A_761], %swap3A_764 {add = true, strides = array<i32>} : memref<3x128x128xf32, #tpu.memory_space<vmem>>, vector<1x1x16xf32>,
      %get3A_765 = arith.constant 1 : i32
      %get3A_766 = arith.index_cast %get3A_765 : i32 to index
      %get3A_767 = arith.index_cast %add3A_706 : i32 to index
      %get3A_768 = arith.constant 64 : index
      %get3A_769 = tpu.vector_load %arg9[%get3A_766, %get3A_767, %get3A_768] {strides = array<i32>} : memref<3x128x128xf32, #tpu.memory_space<vmem>>, vector<1x1x16xf32>,
      %get3A_770 = vector.shape_cast %get3A_769 : vector<1x1x16xf32> to vector<16xf32>
      %mul3A_771 = arith.mulf %get3A_770, %gather3A_709 : vector<16xf32>
      %swap3A_772 = arith.constant 1 : i32
      %swap3A_773 = arith.index_cast %swap3A_772 : i32 to index
      %swap3A_774 = arith.index_cast %add3A_706 : i32 to index
      %swap3A_775 = arith.constant 64 : index
      %swap3A_776 = tpu.vector_load %arg10[%swap3A_773, %swap3A_774, %swap3A_775] {strides = array<i32>} : memref<3x128x128xf32, #tpu.memory_space<vmem>>, vector<1x1x16xf32>,
      %swap3A_777 = vector.shape_cast %swap3A_776 : vector<1x1x16xf32> to vector<16xf32>
      %swap3A_778 = vector.shape_cast %mul3A_771 : vector<16xf32> to vector<1x1x16xf32>
      tpu.vector_store %arg10[%swap3A_773, %swap3A_774, %swap3A_775], %swap3A_778 {add = true, strides = array<i32>} : memref<3x128x128xf32, #tpu.memory_space<vmem>>, vector<1x1x16xf32>,
      %get3A_779 = arith.constant 1 : i32
      %get3A_780 = arith.index_cast %get3A_779 : i32 to index
      %get3A_781 = arith.index_cast %add3A_706 : i32 to index
      %get3A_782 = arith.constant 80 : index
      %get3A_783 = tpu.vector_load %arg9[%get3A_780, %get3A_781, %get3A_782] {strides = array<i32>} : memref<3x128x128xf32, #tpu.memory_space<vmem>>, vector<1x1x16xf32>,
      %get3A_784 = vector.shape_cast %get3A_783 : vector<1x1x16xf32> to vector<16xf32>
      %mul3A_785 = arith.mulf %get3A_784, %gather3A_709 : vector<16xf32>
      %swap3A_786 = arith.constant 1 : i32
      %swap3A_787 = arith.index_cast %swap3A_786 : i32 to index
      %swap3A_788 = arith.index_cast %add3A_706 : i32 to index
      %swap3A_789 = arith.constant 80 : index
      %swap3A_790 = tpu.vector_load %arg10[%swap3A_787, %swap3A_788, %swap3A_789] {strides = array<i32>} : memref<3x128x128xf32, #tpu.memory_space<vmem>>, vector<1x1x16xf32>,
      %swap3A_791 = vector.shape_cast %swap3A_790 : vector<1x1x16xf32> to vector<16xf32>
      %swap3A_792 = vector.shape_cast %mul3A_785 : vector<16xf32> to vector<1x1x16xf32>
      tpu.vector_store %arg10[%swap3A_787, %swap3A_788, %swap3A_789], %swap3A_792 {add = true, strides = array<i32>} : memref<3x128x128xf32, #tpu.memory_space<vmem>>, vector<1x1x16xf32>,
      %get3A_793 = arith.constant 1 : i32
      %get3A_794 = arith.index_cast %get3A_793 : i32 to index
      %get3A_795 = arith.index_cast %add3A_706 : i32 to index
      %get3A_796 = arith.constant 96 : index
      %get3A_797 = tpu.vector_load %arg9[%get3A_794, %get3A_795, %get3A_796] {strides = array<i32>} : memref<3x128x128xf32, #tpu.memory_space<vmem>>, vector<1x1x16xf32>,
      %get3A_798 = vector.shape_cast %get3A_797 : vector<1x1x16xf32> to vector<16xf32>
      %mul3A_799 = arith.mulf %get3A_798, %gather3A_709 : vector<16xf32>
      %swap3A_800 = arith.constant 1 : i32
      %swap3A_801 = arith.index_cast %swap3A_800 : i32 to index
      %swap3A_802 = arith.index_cast %add3A_706 : i32 to index
      %swap3A_803 = arith.constant 96 : index
      %swap3A_804 = tpu.vector_load %arg10[%swap3A_801, %swap3A_802, %swap3A_803] {strides = array<i32>} : memref<3x128x128xf32, #tpu.memory_space<vmem>>, vector<1x1x16xf32>,
      %swap3A_805 = vector.shape_cast %swap3A_804 : vector<1x1x16xf32> to vector<16xf32>
      %swap3A_806 = vector.shape_cast %mul3A_799 : vector<16xf32> to vector<1x1x16xf32>
      tpu.vector_store %arg10[%swap3A_801, %swap3A_802, %swap3A_803], %swap3A_806 {add = true, strides = array<i32>} : memref<3x128x128xf32, #tpu.memory_space<vmem>>, vector<1x1x16xf32>,
      %get3A_807 = arith.constant 1 : i32
      %get3A_808 = arith.index_cast %get3A_807 : i32 to index
      %get3A_809 = arith.index_cast %add3A_706 : i32 to index
      %get3A_810 = arith.constant 112 : index
      %get3A_811 = tpu.vector_load %arg9[%get3A_808, %get3A_809, %get3A_810] {strides = array<i32>} : memref<3x128x128xf32, #tpu.memory_space<vmem>>, vector<1x1x16xf32>,
      %get3A_812 = vector.shape_cast %get3A_811 : vector<1x1x16xf32> to vector<16xf32>
      %mul3A_813 = arith.mulf %get3A_812, %gather3A_709 : vector<16xf32>
      %swap3A_814 = arith.constant 1 : i32
      %swap3A_815 = arith.index_cast %swap3A_814 : i32 to index
      %swap3A_816 = arith.index_cast %add3A_706 : i32 to index
      %swap3A_817 = arith.constant 112 : index
      %swap3A_818 = tpu.vector_load %arg10[%swap3A_815, %swap3A_816, %swap3A_817] {strides = array<i32>} : memref<3x128x128xf32, #tpu.memory_space<vmem>>, vector<1x1x16xf32>,
      %swap3A_819 = vector.shape_cast %swap3A_818 : vector<1x1x16xf32> to vector<16xf32>
      %swap3A_820 = vector.shape_cast %mul3A_813 : vector<16xf32> to vector<1x1x16xf32>
      tpu.vector_store %arg10[%swap3A_815, %swap3A_816, %swap3A_817], %swap3A_820 {add = true, strides = array<i32>} : memref<3x128x128xf32, #tpu.memory_space<vmem>>, vector<1x1x16xf32>,
      %add3A_821 = arith.constant 1 : i32
      %add3A_822 = arith.addi %mul3A_682, %add3A_821 : i32
      %sub3A_823 = arith.subi %add3A_822, %mul3A_700 : i32
      %broadcast_in_dim3A_824 = vector.broadcast %sub3A_823 : i32 to vector<16xi32>
      %broadcast_in_dim3A_825 = vector.shape_cast %broadcast_in_dim3A_824 : vector<16xi32> to vector<16x1xi32>
      %gather3A_826 = vector.shape_cast %broadcast_in_dim3A_825 : vector<16x1xi32> to vector<16xi32>
      %gather3A_827 = tpu.dynamic_gather %exp3A[%gather3A_826] in [0] : vector<16xf32>, vector<16xi32> -> vector<16xf32>
      %get3A_828 = arith.constant 1 : i32
      %get3A_829 = arith.index_cast %get3A_828 : i32 to index
      %get3A_830 = arith.index_cast %add3A_822 : i32 to index
      %get3A_831 = arith.constant 0 : index
      %get3A_832 = tpu.vector_load %arg9[%get3A_829, %get3A_830, %get3A_831] {strides = array<i32>} : memref<3x128x128xf32, #tpu.memory_space<vmem>>, vector<1x1x16xf32>,
      %get3A_833 = vector.shape_cast %get3A_832 : vector<1x1x16xf32> to vector<16xf32>
      %mul3A_834 = arith.mulf %get3A_833, %gather3A_827 : vector<16xf32>
      %swap3A_835 = arith.constant 1 : i32
      %swap3A_836 = arith.index_cast %swap3A_835 : i32 to index
      %swap3A_837 = arith.index_cast %add3A_822 : i32 to index
      %swap3A_838 = arith.constant 0 : index
      %swap3A_839 = tpu.vector_load %arg10[%swap3A_836, %swap3A_837, %swap3A_838] {strides = array<i32>} : memref<3x128x128xf32, #tpu.memory_space<vmem>>, vector<1x1x16xf32>,
      %swap3A_840 = vector.shape_cast %swap3A_839 : vector<1x1x16xf32> to vector<16xf32>
      %swap3A_841 = vector.shape_cast %mul3A_834 : vector<16xf32> to vector<1x1x16xf32>
      tpu.vector_store %arg10[%swap3A_836, %swap3A_837, %swap3A_838], %swap3A_841 {add = true, strides = array<i32>} : memref<3x128x128xf32, #tpu.memory_space<vmem>>, vector<1x1x16xf32>,
      %get3A_842 = arith.constant 1 : i32
      %get3A_843 = arith.index_cast %get3A_842 : i32 to index
      %get3A_844 = arith.index_cast %add3A_822 : i32 to index
      %get3A_845 = arith.constant 16 : index
      %get3A_846 = tpu.vector_load %arg9[%get3A_843, %get3A_844, %get3A_845] {strides = array<i32>} : memref<3x128x128xf32, #tpu.memory_space<vmem>>, vector<1x1x16xf32>,
      %get3A_847 = vector.shape_cast %get3A_846 : vector<1x1x16xf32> to vector<16xf32>
      %mul3A_848 = arith.mulf %get3A_847, %gather3A_827 : vector<16xf32>
      %swap3A_849 = arith.constant 1 : i32
      %swap3A_850 = arith.index_cast %swap3A_849 : i32 to index
      %swap3A_851 = arith.index_cast %add3A_822 : i32 to index
      %swap3A_852 = arith.constant 16 : index
      %swap3A_853 = tpu.vector_load %arg10[%swap3A_850, %swap3A_851, %swap3A_852] {strides = array<i32>} : memref<3x128x128xf32, #tpu.memory_space<vmem>>, vector<1x1x16xf32>,
      %swap3A_854 = vector.shape_cast %swap3A_853 : vector<1x1x16xf32> to vector<16xf32>
      %swap3A_855 = vector.shape_cast %mul3A_848 : vector<16xf32> to vector<1x1x16xf32>
      tpu.vector_store %arg10[%swap3A_850, %swap3A_851, %swap3A_852], %swap3A_855 {add = true, strides = array<i32>} : memref<3x128x128xf32, #tpu.memory_space<vmem>>, vector<1x1x16xf32>,
      %get3A_856 = arith.constant 1 : i32
      %get3A_857 = arith.index_cast %get3A_856 : i32 to index
      %get3A_858 = arith.index_cast %add3A_822 : i32 to index
      %get3A_859 = arith.constant 32 : index
      %get3A_860 = tpu.vector_load %arg9[%get3A_857, %get3A_858, %get3A_859] {strides = array<i32>} : memref<3x128x128xf32, #tpu.memory_space<vmem>>, vector<1x1x16xf32>,
      %get3A_861 = vector.shape_cast %get3A_860 : vector<1x1x16xf32> to vector<16xf32>
      %mul3A_862 = arith.mulf %get3A_861, %gather3A_827 : vector<16xf32>
      %swap3A_863 = arith.constant 1 : i32
      %swap3A_864 = arith.index_cast %swap3A_863 : i32 to index
      %swap3A_865 = arith.index_cast %add3A_822 : i32 to index
      %swap3A_866 = arith.constant 32 : index
      %swap3A_867 = tpu.vector_load %arg10[%swap3A_864, %swap3A_865, %swap3A_866] {strides = array<i32>} : memref<3x128x128xf32, #tpu.memory_space<vmem>>, vector<1x1x16xf32>,
      %swap3A_868 = vector.shape_cast %swap3A_867 : vector<1x1x16xf32> to vector<16xf32>
      %swap3A_869 = vector.shape_cast %mul3A_862 : vector<16xf32> to vector<1x1x16xf32>
      tpu.vector_store %arg10[%swap3A_864, %swap3A_865, %swap3A_866], %swap3A_869 {add = true, strides = array<i32>} : memref<3x128x128xf32, #tpu.memory_space<vmem>>, vector<1x1x16xf32>,
      %get3A_870 = arith.constant 1 : i32
      %get3A_871 = arith.index_cast %get3A_870 : i32 to index
      %get3A_872 = arith.index_cast %add3A_822 : i32 to index
      %get3A_873 = arith.constant 48 : index
      %get3A_874 = tpu.vector_load %arg9[%get3A_871, %get3A_872, %get3A_873] {strides = array<i32>} : memref<3x128x128xf32, #tpu.memory_space<vmem>>, vector<1x1x16xf32>,
      %get3A_875 = vector.shape_cast %get3A_874 : vector<1x1x16xf32> to vector<16xf32>
      %mul3A_876 = arith.mulf %get3A_875, %gather3A_827 : vector<16xf32>
      %swap3A_877 = arith.constant 1 : i32
      %swap3A_878 = arith.index_cast %swap3A_877 : i32 to index
      %swap3A_879 = arith.index_cast %add3A_822 : i32 to index
      %swap3A_880 = arith.constant 48 : index
      %swap3A_881 = tpu.vector_load %arg10[%swap3A_878, %swap3A_879, %swap3A_880] {strides = array<i32>} : memref<3x128x128xf32, #tpu.memory_space<vmem>>, vector<1x1x16xf32>,
      %swap3A_882 = vector.shape_cast %swap3A_881 : vector<1x1x16xf32> to vector<16xf32>
      %swap3A_883 = vector.shape_cast %mul3A_876 : vector<16xf32> to vector<1x1x16xf32>
      tpu.vector_store %arg10[%swap3A_878, %swap3A_879, %swap3A_880], %swap3A_883 {add = true, strides = array<i32>} : memref<3x128x128xf32, #tpu.memory_space<vmem>>, vector<1x1x16xf32>,
      %get3A_884 = arith.constant 1 : i32
      %get3A_885 = arith.index_cast %get3A_884 : i32 to index
      %get3A_886 = arith.index_cast %add3A_822 : i32 to index
      %get3A_887 = arith.constant 64 : index
      %get3A_888 = tpu.vector_load %arg9[%get3A_885, %get3A_886, %get3A_887] {strides = array<i32>} : memref<3x128x128xf32, #tpu.memory_space<vmem>>, vector<1x1x16xf32>,
      %get3A_889 = vector.shape_cast %get3A_888 : vector<1x1x16xf32> to vector<16xf32>
      %mul3A_890 = arith.mulf %get3A_889, %gather3A_827 : vector<16xf32>
      %swap3A_891 = arith.constant 1 : i32
      %swap3A_892 = arith.index_cast %swap3A_891 : i32 to index
      %swap3A_893 = arith.index_cast %add3A_822 : i32 to index
      %swap3A_894 = arith.constant 64 : index
      %swap3A_895 = tpu.vector_load %arg10[%swap3A_892, %swap3A_893, %swap3A_894] {strides = array<i32>} : memref<3x128x128xf32, #tpu.memory_space<vmem>>, vector<1x1x16xf32>,
      %swap3A_896 = vector.shape_cast %swap3A_895 : vector<1x1x16xf32> to vector<16xf32>
      %swap3A_897 = vector.shape_cast %mul3A_890 : vector<16xf32> to vector<1x1x16xf32>
      tpu.vector_store %arg10[%swap3A_892, %swap3A_893, %swap3A_894], %swap3A_897 {add = true, strides = array<i32>} : memref<3x128x128xf32, #tpu.memory_space<vmem>>, vector<1x1x16xf32>,
      %get3A_898 = arith.constant 1 : i32
      %get3A_899 = arith.index_cast %get3A_898 : i32 to index
      %get3A_900 = arith.index_cast %add3A_822 : i32 to index
      %get3A_901 = arith.constant 80 : index
      %get3A_902 = tpu.vector_load %arg9[%get3A_899, %get3A_900, %get3A_901] {strides = array<i32>} : memref<3x128x128xf32, #tpu.memory_space<vmem>>, vector<1x1x16xf32>,
      %get3A_903 = vector.shape_cast %get3A_902 : vector<1x1x16xf32> to vector<16xf32>
      %mul3A_904 = arith.mulf %get3A_903, %gather3A_827 : vector<16xf32>
      %swap3A_905 = arith.constant 1 : i32
      %swap3A_906 = arith.index_cast %swap3A_905 : i32 to index
      %swap3A_907 = arith.index_cast %add3A_822 : i32 to index
      %swap3A_908 = arith.constant 80 : index
      %swap3A_909 = tpu.vector_load %arg10[%swap3A_906, %swap3A_907, %swap3A_908] {strides = array<i32>} : memref<3x128x128xf32, #tpu.memory_space<vmem>>, vector<1x1x16xf32>,
      %swap3A_910 = vector.shape_cast %swap3A_909 : vector<1x1x16xf32> to vector<16xf32>
      %swap3A_911 = vector.shape_cast %mul3A_904 : vector<16xf32> to vector<1x1x16xf32>
      tpu.vector_store %arg10[%swap3A_906, %swap3A_907, %swap3A_908], %swap3A_911 {add = true, strides = array<i32>} : memref<3x128x128xf32, #tpu.memory_space<vmem>>, vector<1x1x16xf32>,
      %get3A_912 = arith.constant 1 : i32
      %get3A_913 = arith.index_cast %get3A_912 : i32 to index
      %get3A_914 = arith.index_cast %add3A_822 : i32 to index
      %get3A_915 = arith.constant 96 : index
      %get3A_916 = tpu.vector_load %arg9[%get3A_913, %get3A_914, %get3A_915] {strides = array<i32>} : memref<3x128x128xf32, #tpu.memory_space<vmem>>, vector<1x1x16xf32>,
      %get3A_917 = vector.shape_cast %get3A_916 : vector<1x1x16xf32> to vector<16xf32>
      %mul3A_918 = arith.mulf %get3A_917, %gather3A_827 : vector<16xf32>
      %swap3A_919 = arith.constant 1 : i32
      %swap3A_920 = arith.index_cast %swap3A_919 : i32 to index
      %swap3A_921 = arith.index_cast %add3A_822 : i32 to index
      %swap3A_922 = arith.constant 96 : index
      %swap3A_923 = tpu.vector_load %arg10[%swap3A_920, %swap3A_921, %swap3A_922] {strides = array<i32>} : memref<3x128x128xf32, #tpu.memory_space<vmem>>, vector<1x1x16xf32>,
      %swap3A_924 = vector.shape_cast %swap3A_923 : vector<1x1x16xf32> to vector<16xf32>
      %swap3A_925 = vector.shape_cast %mul3A_918 : vector<16xf32> to vector<1x1x16xf32>
      tpu.vector_store %arg10[%swap3A_920, %swap3A_921, %swap3A_922], %swap3A_925 {add = true, strides = array<i32>} : memref<3x128x128xf32, #tpu.memory_space<vmem>>, vector<1x1x16xf32>,
      %get3A_926 = arith.constant 1 : i32
      %get3A_927 = arith.index_cast %get3A_926 : i32 to index
      %get3A_928 = arith.index_cast %add3A_822 : i32 to index
      %get3A_929 = arith.constant 112 : index
      %get3A_930 = tpu.vector_load %arg9[%get3A_927, %get3A_928, %get3A_929] {strides = array<i32>} : memref<3x128x128xf32, #tpu.memory_space<vmem>>, vector<1x1x16xf32>,
      %get3A_931 = vector.shape_cast %get3A_930 : vector<1x1x16xf32> to vector<16xf32>
      %mul3A_932 = arith.mulf %get3A_931, %gather3A_827 : vector<16xf32>
      %swap3A_933 = arith.constant 1 : i32
      %swap3A_934 = arith.index_cast %swap3A_933 : i32 to index
      %swap3A_935 = arith.index_cast %add3A_822 : i32 to index
      %swap3A_936 = arith.constant 112 : index
      %swap3A_937 = tpu.vector_load %arg10[%swap3A_934, %swap3A_935, %swap3A_936] {strides = array<i32>} : memref<3x128x128xf32, #tpu.memory_space<vmem>>, vector<1x1x16xf32>,
      %swap3A_938 = vector.shape_cast %swap3A_937 : vector<1x1x16xf32> to vector<16xf32>
      %swap3A_939 = vector.shape_cast %mul3A_932 : vector<16xf32> to vector<1x1x16xf32>
      tpu.vector_store %arg10[%swap3A_934, %swap3A_935, %swap3A_936], %swap3A_939 {add = true, strides = array<i32>} : memref<3x128x128xf32, #tpu.memory_space<vmem>>, vector<1x1x16xf32>,
    }
    %scan3A_542 = arith.constant 32 : i32
    %add3A_543 = arith.constant 384 : i32
    %add3A_544 = arith.addi %mul3A_2, %add3A_543 : i32
    %dma_start3A_545 = arith.constant 1 : i32
    %dma_start3A_546 = arith.constant 0 : i32
    %dma_start3A_547 = arith.constant 0 : i32
    %dma_start3A_548 = tpu.memref_slice %arg10[%dma_start3A_545, %dma_start3A_546, %dma_start3A_547] : memref<3x128x128xf32, #tpu.memory_space<vmem>> -> memref<1x128x128xf32, #tpu.memory_space<vmem>>
    %dma_start3A_549 = tpu.memref_squeeze %dma_start3A_548 : memref<1x128x128xf32, #tpu.memory_space<vmem>> -> memref<128x128xf32, #tpu.memory_space<vmem>>
    %dma_start3A_550 = arith.constant 0 : i32
    %dma_start3A_551 = arith.constant 0 : i32
    %dma_start3A_552 = tpu.memref_slice %dma_start3A_549[%dma_start3A_550, %dma_start3A_551] : memref<128x128xf32, #tpu.memory_space<vmem>> -> memref<64x128xf32, #tpu.memory_space<vmem>>
    %dma_start3A_553 = arith.constant 0 : i32
    %dma_start3A_554 = tpu.memref_slice %arg6[%add3A_544, %dma_start3A_553] : memref<16384x128xf32, #tpu.memory_space<hbm>> -> memref<64x128xf32, #tpu.memory_space<hbm>>
    %dma_start3A_555 = arith.constant 0 : i32
    %dma_start3A_556 = tpu.memref_slice %arg6[%add3A_544, %dma_start3A_555] : memref<16384x128xf32, #tpu.memory_space<hbm>> -> memref<64x128xf32, #tpu.memory_space<hbm>>
    %dma_start3A_557 = arith.constant 0 : i32
    %dma_start3A_558 = arith.constant 0 : i32
    %dma_start3A_559 = tpu.memref_slice %arg10[%dma_start3A_545, %dma_start3A_557, %dma_start3A_558] : memref<3x128x128xf32, #tpu.memory_space<vmem>> -> memref<1x128x128xf32, #tpu.memory_space<vmem>>
    %dma_start3A_560 = tpu.memref_squeeze %dma_start3A_559 : memref<1x128x128xf32, #tpu.memory_space<vmem>> -> memref<128x128xf32, #tpu.memory_space<vmem>>
    %dma_start3A_561 = arith.constant 0 : i32
    %dma_start3A_562 = arith.constant 0 : i32
    %dma_start3A_563 = tpu.memref_slice %dma_start3A_560[%dma_start3A_561, %dma_start3A_562] : memref<128x128xf32, #tpu.memory_space<vmem>> -> memref<64x128xf32, #tpu.memory_space<vmem>>
    tpu.enqueue_dma source(%dma_start3A_563 : memref<64x128xf32, #tpu.memory_space<vmem>>) target(%dma_start3A_556 : memref<64x128xf32, #tpu.memory_space<hbm>>) target_semaphore(%arg20 : memref<!tpu.dma_semaphore, #tpu.memory_space<semaphore_mem>>)
    %dma_wait3A_564 = arith.constant 2 : i32
    %dma_wait3A_565 = arith.constant 0 : i32
    %dma_wait3A_566 = arith.constant 0 : i32
    %dma_wait3A_567 = tpu.memref_slice %arg9[%dma_wait3A_564, %dma_wait3A_565, %dma_wait3A_566] : memref<3x128x128xf32, #tpu.memory_space<vmem>> -> memref<1x128x128xf32, #tpu.memory_space<vmem>>
    %dma_wait3A_568 = tpu.memref_squeeze %dma_wait3A_567 : memref<1x128x128xf32, #tpu.memory_space<vmem>> -> memref<128x128xf32, #tpu.memory_space<vmem>>
    %dma_wait3A_569 = arith.constant 0 : i32
    %dma_wait3A_570 = arith.constant 0 : i32
    %dma_wait3A_571 = tpu.memref_slice %dma_wait3A_568[%dma_wait3A_569, %dma_wait3A_570] : memref<128x128xf32, #tpu.memory_space<vmem>> -> memref<64x128xf32, #tpu.memory_space<vmem>>
    %dma_wait3A_572 = arith.constant 0 : i32
    %dma_wait3A_573 = tpu.memref_slice %arg2[%add3A_413, %dma_wait3A_572] : memref<16384x128xf32, #tpu.memory_space<hbm>> -> memref<64x128xf32, #tpu.memory_space<hbm>>
    %dma_wait3A_574 = arith.constant 0 : i32
    %dma_wait3A_575 = arith.constant 0 : i32
    %dma_wait3A_576 = tpu.memref_slice %arg9[%dma_wait3A_564, %dma_wait3A_574, %dma_wait3A_575] : memref<3x128x128xf32, #tpu.memory_space<vmem>> -> memref<1x128x128xf32, #tpu.memory_space<vmem>>
    %dma_wait3A_577 = tpu.memref_squeeze %dma_wait3A_576 : memref<1x128x128xf32, #tpu.memory_space<vmem>> -> memref<128x128xf32, #tpu.memory_space<vmem>>
    %dma_wait3A_578 = arith.constant 0 : i32
    %dma_wait3A_579 = arith.constant 0 : i32
    %dma_wait3A_580 = tpu.memref_slice %dma_wait3A_577[%dma_wait3A_578, %dma_wait3A_579] : memref<128x128xf32, #tpu.memory_space<vmem>> -> memref<64x128xf32, #tpu.memory_space<vmem>>
    %dma_wait3A_581 = arith.constant 0 : i32
    %dma_wait3A_582 = tpu.memref_slice %arg2[%add3A_413, %dma_wait3A_581] : memref<16384x128xf32, #tpu.memory_space<hbm>> -> memref<64x128xf32, #tpu.memory_space<hbm>>
    tpu.wait_dma2 semaphore(%arg15 : memref<!tpu.dma_semaphore, #tpu.memory_space<semaphore_mem>>) src(%dma_wait3A_582 : memref<64x128xf32, #tpu.memory_space<hbm>>) dst(%dma_wait3A_580 : memref<64x128xf32, #tpu.memory_space<vmem>>)
    %dma_wait3A_583 = arith.constant 2 : i32
    %dma_wait3A_584 = arith.constant 0 : i32
    %dma_wait3A_585 = arith.constant 0 : i32
    %dma_wait3A_586 = tpu.memref_slice %arg10[%dma_wait3A_583, %dma_wait3A_584, %dma_wait3A_585] : memref<3x128x128xf32, #tpu.memory_space<vmem>> -> memref<1x128x128xf32, #tpu.memory_space<vmem>>
    %dma_wait3A_587 = tpu.memref_squeeze %dma_wait3A_586 : memref<1x128x128xf32, #tpu.memory_space<vmem>> -> memref<128x128xf32, #tpu.memory_space<vmem>>
    %dma_wait3A_588 = arith.constant 0 : i32
    %dma_wait3A_589 = arith.constant 0 : i32
    %dma_wait3A_590 = tpu.memref_slice %dma_wait3A_587[%dma_wait3A_588, %dma_wait3A_589] : memref<128x128xf32, #tpu.memory_space<vmem>> -> memref<64x128xf32, #tpu.memory_space<vmem>>
    %dma_wait3A_591 = arith.constant 448 : i32
    %dma_wait3A_592 = tpu.memref_slice %arg7[%dma_wait3A_591] : memref<512xi32, #tpu.memory_space<vmem>> -> memref<64xi32, #tpu.memory_space<vmem>>
    %dma_wait3A_593 = arith.constant 0 : i32
    %dma_wait3A_594 = arith.constant 0 : i32
    %dma_wait3A_595 = tpu.memref_slice %arg5[%dma_wait3A_593, %dma_wait3A_594] : memref<100000x128xf32, #tpu.memory_space<hbm>> -> memref<100000x128xf32, #tpu.memory_space<hbm>>
    tpu.wait_indirect_dma semaphore(%arg18 : memref<!tpu.dma_semaphore, #tpu.memory_space<semaphore_mem>>) src(%dma_wait3A_595 : memref<100000x128xf32, #tpu.memory_space<hbm>>) dst(%dma_wait3A_590 : memref<64x128xf32, #tpu.memory_space<vmem>>)
    %scan3A_596 = arith.constant 0 : i32
    %scan3A_597 = arith.constant 0 : i32
    %scan3A_598 = arith.constant 32 : i32
    %scan3A_599 = arith.addi %scan3A_597, %scan3A_598 : i32
    %scan3A_600 = arith.constant 1 : i32
    scf.for %scan3A_680 = %scan3A_597 to %scan3A_599 step %scan3A_600  : i32 {
      %mul3A_681 = arith.constant 2 : i32
      %mul3A_682 = arith.muli %scan3A_680, %mul3A_681 : i32
      %jit3A = arith.constant 16 : i32
      %div3A = arith.divsi %mul3A_682, %jit3A : i32
      %sign3A = arith.constant 0 : i32
      %sign3A_683 = arith.cmpi sgt, %mul3A_682, %sign3A : i32
      %sign3A_684 = arith.extui %sign3A_683 : i1 to i32
      %sign3A_685 = arith.constant 0 : i32
      %sign3A_686 = arith.cmpi slt, %mul3A_682, %sign3A_685 : i32
      %sign3A_687 = arith.extui %sign3A_686 : i1 to i32
      %sign3A_688 = arith.subi %sign3A_684, %sign3A_687 : i32
      %sign3A_689 = arith.constant 0 : i32
      %sign3A_690 = arith.cmpi sgt, %jit3A, %sign3A_689 : i32
      %sign3A_691 = arith.extui %sign3A_690 : i1 to i32
      %sign3A_692 = arith.constant 0 : i32
      %sign3A_693 = arith.cmpi slt, %jit3A, %sign3A_692 : i32
      %sign3A_694 = arith.extui %sign3A_693 : i1 to i32
      %sign3A_695 = arith.subi %sign3A_691, %sign3A_694 : i32
      %ne3A = arith.cmpi ne, %sign3A_688, %sign3A_695 : i32
      %rem3A = arith.remsi %mul3A_682, %jit3A : i32
      %ne3A_696 = arith.constant 0 : i32
      %ne3A_697 = arith.cmpi ne, %rem3A, %ne3A_696 : i32
      %and3A = arith.andi %ne3A, %ne3A_697 : i1
      %sub3A = arith.constant 1 : i32
      %sub3A_698 = arith.subi %div3A, %sub3A : i32
      %select_n3A = arith.select %and3A, %sub3A_698, %div3A : i32
      %mul3A_699 = arith.constant 16 : i32
      %mul3A_700 = arith.muli %select_n3A, %mul3A_699 : i32
      %add3A_701 = arith.constant 448 : i32
      %add3A_702 = arith.addi %add3A_701, %mul3A_700 : i32
      %get3A = arith.index_cast %add3A_702 : i32 to index
      %get3A_703 = tpu.vector_load %arg8[%get3A] {strides = array<i32>} : memref<512xf32, #tpu.memory_space<vmem>>, vector<16xf32>,
      %get3A_704 = vector.shape_cast %get3A_703 : vector<16xf32> to vector<16xf32>
      %exp3A = math.exp %get3A_704 : vector<16xf32>
      %add3A_705 = arith.constant 0 : i32
      %add3A_706 = arith.addi %mul3A_682, %add3A_705 : i32
      %sub3A_707 = arith.subi %add3A_706, %mul3A_700 : i32
      %broadcast_in_dim3A = vector.broadcast %sub3A_707 : i32 to vector<16xi32>
      %broadcast_in_dim3A_708 = vector.shape_cast %broadcast_in_dim3A : vector<16xi32> to vector<16x1xi32>
      %gather3A = vector.shape_cast %broadcast_in_dim3A_708 : vector<16x1xi32> to vector<16xi32>
      %gather3A_709 = tpu.dynamic_gather %exp3A[%gather3A] in [0] : vector<16xf32>, vector<16xi32> -> vector<16xf32>
      %get3A_710 = arith.constant 2 : i32
      %get3A_711 = arith.index_cast %get3A_710 : i32 to index
      %get3A_712 = arith.index_cast %add3A_706 : i32 to index
      %get3A_713 = arith.constant 0 : index
      %get3A_714 = tpu.vector_load %arg9[%get3A_711, %get3A_712, %get3A_713] {strides = array<i32>} : memref<3x128x128xf32, #tpu.memory_space<vmem>>, vector<1x1x16xf32>,
      %get3A_715 = vector.shape_cast %get3A_714 : vector<1x1x16xf32> to vector<16xf32>
      %mul3A_716 = arith.mulf %get3A_715, %gather3A_709 : vector<16xf32>
      %swap3A = arith.constant 2 : i32
      %swap3A_717 = arith.index_cast %swap3A : i32 to index
      %swap3A_718 = arith.index_cast %add3A_706 : i32 to index
      %swap3A_719 = arith.constant 0 : index
      %swap3A_720 = tpu.vector_load %arg10[%swap3A_717, %swap3A_718, %swap3A_719] {strides = array<i32>} : memref<3x128x128xf32, #tpu.memory_space<vmem>>, vector<1x1x16xf32>,
      %swap3A_721 = vector.shape_cast %swap3A_720 : vector<1x1x16xf32> to vector<16xf32>
      %swap3A_722 = vector.shape_cast %mul3A_716 : vector<16xf32> to vector<1x1x16xf32>
      tpu.vector_store %arg10[%swap3A_717, %swap3A_718, %swap3A_719], %swap3A_722 {add = true, strides = array<i32>} : memref<3x128x128xf32, #tpu.memory_space<vmem>>, vector<1x1x16xf32>,
      %get3A_723 = arith.constant 2 : i32
      %get3A_724 = arith.index_cast %get3A_723 : i32 to index
      %get3A_725 = arith.index_cast %add3A_706 : i32 to index
      %get3A_726 = arith.constant 16 : index
      %get3A_727 = tpu.vector_load %arg9[%get3A_724, %get3A_725, %get3A_726] {strides = array<i32>} : memref<3x128x128xf32, #tpu.memory_space<vmem>>, vector<1x1x16xf32>,
      %get3A_728 = vector.shape_cast %get3A_727 : vector<1x1x16xf32> to vector<16xf32>
      %mul3A_729 = arith.mulf %get3A_728, %gather3A_709 : vector<16xf32>
      %swap3A_730 = arith.constant 2 : i32
      %swap3A_731 = arith.index_cast %swap3A_730 : i32 to index
      %swap3A_732 = arith.index_cast %add3A_706 : i32 to index
      %swap3A_733 = arith.constant 16 : index
      %swap3A_734 = tpu.vector_load %arg10[%swap3A_731, %swap3A_732, %swap3A_733] {strides = array<i32>} : memref<3x128x128xf32, #tpu.memory_space<vmem>>, vector<1x1x16xf32>,
      %swap3A_735 = vector.shape_cast %swap3A_734 : vector<1x1x16xf32> to vector<16xf32>
      %swap3A_736 = vector.shape_cast %mul3A_729 : vector<16xf32> to vector<1x1x16xf32>
      tpu.vector_store %arg10[%swap3A_731, %swap3A_732, %swap3A_733], %swap3A_736 {add = true, strides = array<i32>} : memref<3x128x128xf32, #tpu.memory_space<vmem>>, vector<1x1x16xf32>,
      %get3A_737 = arith.constant 2 : i32
      %get3A_738 = arith.index_cast %get3A_737 : i32 to index
      %get3A_739 = arith.index_cast %add3A_706 : i32 to index
      %get3A_740 = arith.constant 32 : index
      %get3A_741 = tpu.vector_load %arg9[%get3A_738, %get3A_739, %get3A_740] {strides = array<i32>} : memref<3x128x128xf32, #tpu.memory_space<vmem>>, vector<1x1x16xf32>,
      %get3A_742 = vector.shape_cast %get3A_741 : vector<1x1x16xf32> to vector<16xf32>
      %mul3A_743 = arith.mulf %get3A_742, %gather3A_709 : vector<16xf32>
      %swap3A_744 = arith.constant 2 : i32
      %swap3A_745 = arith.index_cast %swap3A_744 : i32 to index
      %swap3A_746 = arith.index_cast %add3A_706 : i32 to index
      %swap3A_747 = arith.constant 32 : index
      %swap3A_748 = tpu.vector_load %arg10[%swap3A_745, %swap3A_746, %swap3A_747] {strides = array<i32>} : memref<3x128x128xf32, #tpu.memory_space<vmem>>, vector<1x1x16xf32>,
      %swap3A_749 = vector.shape_cast %swap3A_748 : vector<1x1x16xf32> to vector<16xf32>
      %swap3A_750 = vector.shape_cast %mul3A_743 : vector<16xf32> to vector<1x1x16xf32>
      tpu.vector_store %arg10[%swap3A_745, %swap3A_746, %swap3A_747], %swap3A_750 {add = true, strides = array<i32>} : memref<3x128x128xf32, #tpu.memory_space<vmem>>, vector<1x1x16xf32>,
      %get3A_751 = arith.constant 2 : i32
      %get3A_752 = arith.index_cast %get3A_751 : i32 to index
      %get3A_753 = arith.index_cast %add3A_706 : i32 to index
      %get3A_754 = arith.constant 48 : index
      %get3A_755 = tpu.vector_load %arg9[%get3A_752, %get3A_753, %get3A_754] {strides = array<i32>} : memref<3x128x128xf32, #tpu.memory_space<vmem>>, vector<1x1x16xf32>,
      %get3A_756 = vector.shape_cast %get3A_755 : vector<1x1x16xf32> to vector<16xf32>
      %mul3A_757 = arith.mulf %get3A_756, %gather3A_709 : vector<16xf32>
      %swap3A_758 = arith.constant 2 : i32
      %swap3A_759 = arith.index_cast %swap3A_758 : i32 to index
      %swap3A_760 = arith.index_cast %add3A_706 : i32 to index
      %swap3A_761 = arith.constant 48 : index
      %swap3A_762 = tpu.vector_load %arg10[%swap3A_759, %swap3A_760, %swap3A_761] {strides = array<i32>} : memref<3x128x128xf32, #tpu.memory_space<vmem>>, vector<1x1x16xf32>,
      %swap3A_763 = vector.shape_cast %swap3A_762 : vector<1x1x16xf32> to vector<16xf32>
      %swap3A_764 = vector.shape_cast %mul3A_757 : vector<16xf32> to vector<1x1x16xf32>
      tpu.vector_store %arg10[%swap3A_759, %swap3A_760, %swap3A_761], %swap3A_764 {add = true, strides = array<i32>} : memref<3x128x128xf32, #tpu.memory_space<vmem>>, vector<1x1x16xf32>,
      %get3A_765 = arith.constant 2 : i32
      %get3A_766 = arith.index_cast %get3A_765 : i32 to index
      %get3A_767 = arith.index_cast %add3A_706 : i32 to index
      %get3A_768 = arith.constant 64 : index
      %get3A_769 = tpu.vector_load %arg9[%get3A_766, %get3A_767, %get3A_768] {strides = array<i32>} : memref<3x128x128xf32, #tpu.memory_space<vmem>>, vector<1x1x16xf32>,
      %get3A_770 = vector.shape_cast %get3A_769 : vector<1x1x16xf32> to vector<16xf32>
      %mul3A_771 = arith.mulf %get3A_770, %gather3A_709 : vector<16xf32>
      %swap3A_772 = arith.constant 2 : i32
      %swap3A_773 = arith.index_cast %swap3A_772 : i32 to index
      %swap3A_774 = arith.index_cast %add3A_706 : i32 to index
      %swap3A_775 = arith.constant 64 : index
      %swap3A_776 = tpu.vector_load %arg10[%swap3A_773, %swap3A_774, %swap3A_775] {strides = array<i32>} : memref<3x128x128xf32, #tpu.memory_space<vmem>>, vector<1x1x16xf32>,
      %swap3A_777 = vector.shape_cast %swap3A_776 : vector<1x1x16xf32> to vector<16xf32>
      %swap3A_778 = vector.shape_cast %mul3A_771 : vector<16xf32> to vector<1x1x16xf32>
      tpu.vector_store %arg10[%swap3A_773, %swap3A_774, %swap3A_775], %swap3A_778 {add = true, strides = array<i32>} : memref<3x128x128xf32, #tpu.memory_space<vmem>>, vector<1x1x16xf32>,
      %get3A_779 = arith.constant 2 : i32
      %get3A_780 = arith.index_cast %get3A_779 : i32 to index
      %get3A_781 = arith.index_cast %add3A_706 : i32 to index
      %get3A_782 = arith.constant 80 : index
      %get3A_783 = tpu.vector_load %arg9[%get3A_780, %get3A_781, %get3A_782] {strides = array<i32>} : memref<3x128x128xf32, #tpu.memory_space<vmem>>, vector<1x1x16xf32>,
      %get3A_784 = vector.shape_cast %get3A_783 : vector<1x1x16xf32> to vector<16xf32>
      %mul3A_785 = arith.mulf %get3A_784, %gather3A_709 : vector<16xf32>
      %swap3A_786 = arith.constant 2 : i32
      %swap3A_787 = arith.index_cast %swap3A_786 : i32 to index
      %swap3A_788 = arith.index_cast %add3A_706 : i32 to index
      %swap3A_789 = arith.constant 80 : index
      %swap3A_790 = tpu.vector_load %arg10[%swap3A_787, %swap3A_788, %swap3A_789] {strides = array<i32>} : memref<3x128x128xf32, #tpu.memory_space<vmem>>, vector<1x1x16xf32>,
      %swap3A_791 = vector.shape_cast %swap3A_790 : vector<1x1x16xf32> to vector<16xf32>
      %swap3A_792 = vector.shape_cast %mul3A_785 : vector<16xf32> to vector<1x1x16xf32>
      tpu.vector_store %arg10[%swap3A_787, %swap3A_788, %swap3A_789], %swap3A_792 {add = true, strides = array<i32>} : memref<3x128x128xf32, #tpu.memory_space<vmem>>, vector<1x1x16xf32>,
      %get3A_793 = arith.constant 2 : i32
      %get3A_794 = arith.index_cast %get3A_793 : i32 to index
      %get3A_795 = arith.index_cast %add3A_706 : i32 to index
      %get3A_796 = arith.constant 96 : index
      %get3A_797 = tpu.vector_load %arg9[%get3A_794, %get3A_795, %get3A_796] {strides = array<i32>} : memref<3x128x128xf32, #tpu.memory_space<vmem>>, vector<1x1x16xf32>,
      %get3A_798 = vector.shape_cast %get3A_797 : vector<1x1x16xf32> to vector<16xf32>
      %mul3A_799 = arith.mulf %get3A_798, %gather3A_709 : vector<16xf32>
      %swap3A_800 = arith.constant 2 : i32
      %swap3A_801 = arith.index_cast %swap3A_800 : i32 to index
      %swap3A_802 = arith.index_cast %add3A_706 : i32 to index
      %swap3A_803 = arith.constant 96 : index
      %swap3A_804 = tpu.vector_load %arg10[%swap3A_801, %swap3A_802, %swap3A_803] {strides = array<i32>} : memref<3x128x128xf32, #tpu.memory_space<vmem>>, vector<1x1x16xf32>,
      %swap3A_805 = vector.shape_cast %swap3A_804 : vector<1x1x16xf32> to vector<16xf32>
      %swap3A_806 = vector.shape_cast %mul3A_799 : vector<16xf32> to vector<1x1x16xf32>
      tpu.vector_store %arg10[%swap3A_801, %swap3A_802, %swap3A_803], %swap3A_806 {add = true, strides = array<i32>} : memref<3x128x128xf32, #tpu.memory_space<vmem>>, vector<1x1x16xf32>,
      %get3A_807 = arith.constant 2 : i32
      %get3A_808 = arith.index_cast %get3A_807 : i32 to index
      %get3A_809 = arith.index_cast %add3A_706 : i32 to index
      %get3A_810 = arith.constant 112 : index
      %get3A_811 = tpu.vector_load %arg9[%get3A_808, %get3A_809, %get3A_810] {strides = array<i32>} : memref<3x128x128xf32, #tpu.memory_space<vmem>>, vector<1x1x16xf32>,
      %get3A_812 = vector.shape_cast %get3A_811 : vector<1x1x16xf32> to vector<16xf32>
      %mul3A_813 = arith.mulf %get3A_812, %gather3A_709 : vector<16xf32>
      %swap3A_814 = arith.constant 2 : i32
      %swap3A_815 = arith.index_cast %swap3A_814 : i32 to index
      %swap3A_816 = arith.index_cast %add3A_706 : i32 to index
      %swap3A_817 = arith.constant 112 : index
      %swap3A_818 = tpu.vector_load %arg10[%swap3A_815, %swap3A_816, %swap3A_817] {strides = array<i32>} : memref<3x128x128xf32, #tpu.memory_space<vmem>>, vector<1x1x16xf32>,
      %swap3A_819 = vector.shape_cast %swap3A_818 : vector<1x1x16xf32> to vector<16xf32>
      %swap3A_820 = vector.shape_cast %mul3A_813 : vector<16xf32> to vector<1x1x16xf32>
      tpu.vector_store %arg10[%swap3A_815, %swap3A_816, %swap3A_817], %swap3A_820 {add = true, strides = array<i32>} : memref<3x128x128xf32, #tpu.memory_space<vmem>>, vector<1x1x16xf32>,
      %add3A_821 = arith.constant 1 : i32
      %add3A_822 = arith.addi %mul3A_682, %add3A_821 : i32
      %sub3A_823 = arith.subi %add3A_822, %mul3A_700 : i32
      %broadcast_in_dim3A_824 = vector.broadcast %sub3A_823 : i32 to vector<16xi32>
      %broadcast_in_dim3A_825 = vector.shape_cast %broadcast_in_dim3A_824 : vector<16xi32> to vector<16x1xi32>
      %gather3A_826 = vector.shape_cast %broadcast_in_dim3A_825 : vector<16x1xi32> to vector<16xi32>
      %gather3A_827 = tpu.dynamic_gather %exp3A[%gather3A_826] in [0] : vector<16xf32>, vector<16xi32> -> vector<16xf32>
      %get3A_828 = arith.constant 2 : i32
      %get3A_829 = arith.index_cast %get3A_828 : i32 to index
      %get3A_830 = arith.index_cast %add3A_822 : i32 to index
      %get3A_831 = arith.constant 0 : index
      %get3A_832 = tpu.vector_load %arg9[%get3A_829, %get3A_830, %get3A_831] {strides = array<i32>} : memref<3x128x128xf32, #tpu.memory_space<vmem>>, vector<1x1x16xf32>,
      %get3A_833 = vector.shape_cast %get3A_832 : vector<1x1x16xf32> to vector<16xf32>
      %mul3A_834 = arith.mulf %get3A_833, %gather3A_827 : vector<16xf32>
      %swap3A_835 = arith.constant 2 : i32
      %swap3A_836 = arith.index_cast %swap3A_835 : i32 to index
      %swap3A_837 = arith.index_cast %add3A_822 : i32 to index
      %swap3A_838 = arith.constant 0 : index
      %swap3A_839 = tpu.vector_load %arg10[%swap3A_836, %swap3A_837, %swap3A_838] {strides = array<i32>} : memref<3x128x128xf32, #tpu.memory_space<vmem>>, vector<1x1x16xf32>,
      %swap3A_840 = vector.shape_cast %swap3A_839 : vector<1x1x16xf32> to vector<16xf32>
      %swap3A_841 = vector.shape_cast %mul3A_834 : vector<16xf32> to vector<1x1x16xf32>
      tpu.vector_store %arg10[%swap3A_836, %swap3A_837, %swap3A_838], %swap3A_841 {add = true, strides = array<i32>} : memref<3x128x128xf32, #tpu.memory_space<vmem>>, vector<1x1x16xf32>,
      %get3A_842 = arith.constant 2 : i32
      %get3A_843 = arith.index_cast %get3A_842 : i32 to index
      %get3A_844 = arith.index_cast %add3A_822 : i32 to index
      %get3A_845 = arith.constant 16 : index
      %get3A_846 = tpu.vector_load %arg9[%get3A_843, %get3A_844, %get3A_845] {strides = array<i32>} : memref<3x128x128xf32, #tpu.memory_space<vmem>>, vector<1x1x16xf32>,
      %get3A_847 = vector.shape_cast %get3A_846 : vector<1x1x16xf32> to vector<16xf32>
      %mul3A_848 = arith.mulf %get3A_847, %gather3A_827 : vector<16xf32>
      %swap3A_849 = arith.constant 2 : i32
      %swap3A_850 = arith.index_cast %swap3A_849 : i32 to index
      %swap3A_851 = arith.index_cast %add3A_822 : i32 to index
      %swap3A_852 = arith.constant 16 : index
      %swap3A_853 = tpu.vector_load %arg10[%swap3A_850, %swap3A_851, %swap3A_852] {strides = array<i32>} : memref<3x128x128xf32, #tpu.memory_space<vmem>>, vector<1x1x16xf32>,
      %swap3A_854 = vector.shape_cast %swap3A_853 : vector<1x1x16xf32> to vector<16xf32>
      %swap3A_855 = vector.shape_cast %mul3A_848 : vector<16xf32> to vector<1x1x16xf32>
      tpu.vector_store %arg10[%swap3A_850, %swap3A_851, %swap3A_852], %swap3A_855 {add = true, strides = array<i32>} : memref<3x128x128xf32, #tpu.memory_space<vmem>>, vector<1x1x16xf32>,
      %get3A_856 = arith.constant 2 : i32
      %get3A_857 = arith.index_cast %get3A_856 : i32 to index
      %get3A_858 = arith.index_cast %add3A_822 : i32 to index
      %get3A_859 = arith.constant 32 : index
      %get3A_860 = tpu.vector_load %arg9[%get3A_857, %get3A_858, %get3A_859] {strides = array<i32>} : memref<3x128x128xf32, #tpu.memory_space<vmem>>, vector<1x1x16xf32>,
      %get3A_861 = vector.shape_cast %get3A_860 : vector<1x1x16xf32> to vector<16xf32>
      %mul3A_862 = arith.mulf %get3A_861, %gather3A_827 : vector<16xf32>
      %swap3A_863 = arith.constant 2 : i32
      %swap3A_864 = arith.index_cast %swap3A_863 : i32 to index
      %swap3A_865 = arith.index_cast %add3A_822 : i32 to index
      %swap3A_866 = arith.constant 32 : index
      %swap3A_867 = tpu.vector_load %arg10[%swap3A_864, %swap3A_865, %swap3A_866] {strides = array<i32>} : memref<3x128x128xf32, #tpu.memory_space<vmem>>, vector<1x1x16xf32>,
      %swap3A_868 = vector.shape_cast %swap3A_867 : vector<1x1x16xf32> to vector<16xf32>
      %swap3A_869 = vector.shape_cast %mul3A_862 : vector<16xf32> to vector<1x1x16xf32>
      tpu.vector_store %arg10[%swap3A_864, %swap3A_865, %swap3A_866], %swap3A_869 {add = true, strides = array<i32>} : memref<3x128x128xf32, #tpu.memory_space<vmem>>, vector<1x1x16xf32>,
      %get3A_870 = arith.constant 2 : i32
      %get3A_871 = arith.index_cast %get3A_870 : i32 to index
      %get3A_872 = arith.index_cast %add3A_822 : i32 to index
      %get3A_873 = arith.constant 48 : index
      %get3A_874 = tpu.vector_load %arg9[%get3A_871, %get3A_872, %get3A_873] {strides = array<i32>} : memref<3x128x128xf32, #tpu.memory_space<vmem>>, vector<1x1x16xf32>,
      %get3A_875 = vector.shape_cast %get3A_874 : vector<1x1x16xf32> to vector<16xf32>
      %mul3A_876 = arith.mulf %get3A_875, %gather3A_827 : vector<16xf32>
      %swap3A_877 = arith.constant 2 : i32
      %swap3A_878 = arith.index_cast %swap3A_877 : i32 to index
      %swap3A_879 = arith.index_cast %add3A_822 : i32 to index
      %swap3A_880 = arith.constant 48 : index
      %swap3A_881 = tpu.vector_load %arg10[%swap3A_878, %swap3A_879, %swap3A_880] {strides = array<i32>} : memref<3x128x128xf32, #tpu.memory_space<vmem>>, vector<1x1x16xf32>,
      %swap3A_882 = vector.shape_cast %swap3A_881 : vector<1x1x16xf32> to vector<16xf32>
      %swap3A_883 = vector.shape_cast %mul3A_876 : vector<16xf32> to vector<1x1x16xf32>
      tpu.vector_store %arg10[%swap3A_878, %swap3A_879, %swap3A_880], %swap3A_883 {add = true, strides = array<i32>} : memref<3x128x128xf32, #tpu.memory_space<vmem>>, vector<1x1x16xf32>,
      %get3A_884 = arith.constant 2 : i32
      %get3A_885 = arith.index_cast %get3A_884 : i32 to index
      %get3A_886 = arith.index_cast %add3A_822 : i32 to index
      %get3A_887 = arith.constant 64 : index
      %get3A_888 = tpu.vector_load %arg9[%get3A_885, %get3A_886, %get3A_887] {strides = array<i32>} : memref<3x128x128xf32, #tpu.memory_space<vmem>>, vector<1x1x16xf32>,
      %get3A_889 = vector.shape_cast %get3A_888 : vector<1x1x16xf32> to vector<16xf32>
      %mul3A_890 = arith.mulf %get3A_889, %gather3A_827 : vector<16xf32>
      %swap3A_891 = arith.constant 2 : i32
      %swap3A_892 = arith.index_cast %swap3A_891 : i32 to index
      %swap3A_893 = arith.index_cast %add3A_822 : i32 to index
      %swap3A_894 = arith.constant 64 : index
      %swap3A_895 = tpu.vector_load %arg10[%swap3A_892, %swap3A_893, %swap3A_894] {strides = array<i32>} : memref<3x128x128xf32, #tpu.memory_space<vmem>>, vector<1x1x16xf32>,
      %swap3A_896 = vector.shape_cast %swap3A_895 : vector<1x1x16xf32> to vector<16xf32>
      %swap3A_897 = vector.shape_cast %mul3A_890 : vector<16xf32> to vector<1x1x16xf32>
      tpu.vector_store %arg10[%swap3A_892, %swap3A_893, %swap3A_894], %swap3A_897 {add = true, strides = array<i32>} : memref<3x128x128xf32, #tpu.memory_space<vmem>>, vector<1x1x16xf32>,
      %get3A_898 = arith.constant 2 : i32
      %get3A_899 = arith.index_cast %get3A_898 : i32 to index
      %get3A_900 = arith.index_cast %add3A_822 : i32 to index
      %get3A_901 = arith.constant 80 : index
      %get3A_902 = tpu.vector_load %arg9[%get3A_899, %get3A_900, %get3A_901] {strides = array<i32>} : memref<3x128x128xf32, #tpu.memory_space<vmem>>, vector<1x1x16xf32>,
      %get3A_903 = vector.shape_cast %get3A_902 : vector<1x1x16xf32> to vector<16xf32>
      %mul3A_904 = arith.mulf %get3A_903, %gather3A_827 : vector<16xf32>
      %swap3A_905 = arith.constant 2 : i32
      %swap3A_906 = arith.index_cast %swap3A_905 : i32 to index
      %swap3A_907 = arith.index_cast %add3A_822 : i32 to index
      %swap3A_908 = arith.constant 80 : index
      %swap3A_909 = tpu.vector_load %arg10[%swap3A_906, %swap3A_907, %swap3A_908] {strides = array<i32>} : memref<3x128x128xf32, #tpu.memory_space<vmem>>, vector<1x1x16xf32>,
      %swap3A_910 = vector.shape_cast %swap3A_909 : vector<1x1x16xf32> to vector<16xf32>
      %swap3A_911 = vector.shape_cast %mul3A_904 : vector<16xf32> to vector<1x1x16xf32>
      tpu.vector_store %arg10[%swap3A_906, %swap3A_907, %swap3A_908], %swap3A_911 {add = true, strides = array<i32>} : memref<3x128x128xf32, #tpu.memory_space<vmem>>, vector<1x1x16xf32>,
      %get3A_912 = arith.constant 2 : i32
      %get3A_913 = arith.index_cast %get3A_912 : i32 to index
      %get3A_914 = arith.index_cast %add3A_822 : i32 to index
      %get3A_915 = arith.constant 96 : index
      %get3A_916 = tpu.vector_load %arg9[%get3A_913, %get3A_914, %get3A_915] {strides = array<i32>} : memref<3x128x128xf32, #tpu.memory_space<vmem>>, vector<1x1x16xf32>,
      %get3A_917 = vector.shape_cast %get3A_916 : vector<1x1x16xf32> to vector<16xf32>
      %mul3A_918 = arith.mulf %get3A_917, %gather3A_827 : vector<16xf32>
      %swap3A_919 = arith.constant 2 : i32
      %swap3A_920 = arith.index_cast %swap3A_919 : i32 to index
      %swap3A_921 = arith.index_cast %add3A_822 : i32 to index
      %swap3A_922 = arith.constant 96 : index
      %swap3A_923 = tpu.vector_load %arg10[%swap3A_920, %swap3A_921, %swap3A_922] {strides = array<i32>} : memref<3x128x128xf32, #tpu.memory_space<vmem>>, vector<1x1x16xf32>,
      %swap3A_924 = vector.shape_cast %swap3A_923 : vector<1x1x16xf32> to vector<16xf32>
      %swap3A_925 = vector.shape_cast %mul3A_918 : vector<16xf32> to vector<1x1x16xf32>
      tpu.vector_store %arg10[%swap3A_920, %swap3A_921, %swap3A_922], %swap3A_925 {add = true, strides = array<i32>} : memref<3x128x128xf32, #tpu.memory_space<vmem>>, vector<1x1x16xf32>,
      %get3A_926 = arith.constant 2 : i32
      %get3A_927 = arith.index_cast %get3A_926 : i32 to index
      %get3A_928 = arith.index_cast %add3A_822 : i32 to index
      %get3A_929 = arith.constant 112 : index
      %get3A_930 = tpu.vector_load %arg9[%get3A_927, %get3A_928, %get3A_929] {strides = array<i32>} : memref<3x128x128xf32, #tpu.memory_space<vmem>>, vector<1x1x16xf32>,
      %get3A_931 = vector.shape_cast %get3A_930 : vector<1x1x16xf32> to vector<16xf32>
      %mul3A_932 = arith.mulf %get3A_931, %gather3A_827 : vector<16xf32>
      %swap3A_933 = arith.constant 2 : i32
      %swap3A_934 = arith.index_cast %swap3A_933 : i32 to index
      %swap3A_935 = arith.index_cast %add3A_822 : i32 to index
      %swap3A_936 = arith.constant 112 : index
      %swap3A_937 = tpu.vector_load %arg10[%swap3A_934, %swap3A_935, %swap3A_936] {strides = array<i32>} : memref<3x128x128xf32, #tpu.memory_space<vmem>>, vector<1x1x16xf32>,
      %swap3A_938 = vector.shape_cast %swap3A_937 : vector<1x1x16xf32> to vector<16xf32>
      %swap3A_939 = vector.shape_cast %mul3A_932 : vector<16xf32> to vector<1x1x16xf32>
      tpu.vector_store %arg10[%swap3A_934, %swap3A_935, %swap3A_936], %swap3A_939 {add = true, strides = array<i32>} : memref<3x128x128xf32, #tpu.memory_space<vmem>>, vector<1x1x16xf32>,
    }
    %scan3A_601 = arith.constant 32 : i32
    %add3A_602 = arith.constant 448 : i32
    %add3A_603 = arith.addi %mul3A_2, %add3A_602 : i32
    %dma_start3A_604 = arith.constant 2 : i32
    %dma_start3A_605 = arith.constant 0 : i32
    %dma_start3A_606 = arith.constant 0 : i32
    %dma_start3A_607 = tpu.memref_slice %arg10[%dma_start3A_604, %dma_start3A_605, %dma_start3A_606] : memref<3x128x128xf32, #tpu.memory_space<vmem>> -> memref<1x128x128xf32, #tpu.memory_space<vmem>>
    %dma_start3A_608 = tpu.memref_squeeze %dma_start3A_607 : memref<1x128x128xf32, #tpu.memory_space<vmem>> -> memref<128x128xf32, #tpu.memory_space<vmem>>
    %dma_start3A_609 = arith.constant 0 : i32
    %dma_start3A_610 = arith.constant 0 : i32
    %dma_start3A_611 = tpu.memref_slice %dma_start3A_608[%dma_start3A_609, %dma_start3A_610] : memref<128x128xf32, #tpu.memory_space<vmem>> -> memref<64x128xf32, #tpu.memory_space<vmem>>
    %dma_start3A_612 = arith.constant 0 : i32
    %dma_start3A_613 = tpu.memref_slice %arg6[%add3A_603, %dma_start3A_612] : memref<16384x128xf32, #tpu.memory_space<hbm>> -> memref<64x128xf32, #tpu.memory_space<hbm>>
    %dma_start3A_614 = arith.constant 0 : i32
    %dma_start3A_615 = tpu.memref_slice %arg6[%add3A_603, %dma_start3A_614] : memref<16384x128xf32, #tpu.memory_space<hbm>> -> memref<64x128xf32, #tpu.memory_space<hbm>>
    %dma_start3A_616 = arith.constant 0 : i32
    %dma_start3A_617 = arith.constant 0 : i32
    %dma_start3A_618 = tpu.memref_slice %arg10[%dma_start3A_604, %dma_start3A_616, %dma_start3A_617] : memref<3x128x128xf32, #tpu.memory_space<vmem>> -> memref<1x128x128xf32, #tpu.memory_space<vmem>>
    %dma_start3A_619 = tpu.memref_squeeze %dma_start3A_618 : memref<1x128x128xf32, #tpu.memory_space<vmem>> -> memref<128x128xf32, #tpu.memory_space<vmem>>
    %dma_start3A_620 = arith.constant 0 : i32
    %dma_start3A_621 = arith.constant 0 : i32
    %dma_start3A_622 = tpu.memref_slice %dma_start3A_619[%dma_start3A_620, %dma_start3A_621] : memref<128x128xf32, #tpu.memory_space<vmem>> -> memref<64x128xf32, #tpu.memory_space<vmem>>
    tpu.enqueue_dma source(%dma_start3A_622 : memref<64x128xf32, #tpu.memory_space<vmem>>) target(%dma_start3A_615 : memref<64x128xf32, #tpu.memory_space<hbm>>) target_semaphore(%arg21 : memref<!tpu.dma_semaphore, #tpu.memory_space<semaphore_mem>>)
    %dma_wait3A_623 = arith.constant 0 : i32
    %dma_wait3A_624 = arith.constant 0 : i32
    %dma_wait3A_625 = arith.constant 0 : i32
    %dma_wait3A_626 = tpu.memref_slice %arg10[%dma_wait3A_623, %dma_wait3A_624, %dma_wait3A_625] : memref<3x128x128xf32, #tpu.memory_space<vmem>> -> memref<1x128x128xf32, #tpu.memory_space<vmem>>
    %dma_wait3A_627 = tpu.memref_squeeze %dma_wait3A_626 : memref<1x128x128xf32, #tpu.memory_space<vmem>> -> memref<128x128xf32, #tpu.memory_space<vmem>>
    %dma_wait3A_628 = arith.constant 0 : i32
    %dma_wait3A_629 = arith.constant 0 : i32
    %dma_wait3A_630 = tpu.memref_slice %dma_wait3A_627[%dma_wait3A_628, %dma_wait3A_629] : memref<128x128xf32, #tpu.memory_space<vmem>> -> memref<128x128xf32, #tpu.memory_space<vmem>>
    %dma_wait3A_631 = arith.constant 0 : i32
    %dma_wait3A_632 = tpu.memref_slice %arg6[%add3A_485, %dma_wait3A_631] : memref<16384x128xf32, #tpu.memory_space<hbm>> -> memref<128x128xf32, #tpu.memory_space<hbm>>
    %dma_wait3A_633 = arith.constant 0 : i32
    %dma_wait3A_634 = tpu.memref_slice %arg6[%add3A_485, %dma_wait3A_633] : memref<16384x128xf32, #tpu.memory_space<hbm>> -> memref<128x128xf32, #tpu.memory_space<hbm>>
    %dma_wait3A_635 = arith.constant 0 : i32
    %dma_wait3A_636 = arith.constant 0 : i32
    %dma_wait3A_637 = tpu.memref_slice %arg10[%dma_wait3A_623, %dma_wait3A_635, %dma_wait3A_636] : memref<3x128x128xf32, #tpu.memory_space<vmem>> -> memref<1x128x128xf32, #tpu.memory_space<vmem>>
    %dma_wait3A_638 = tpu.memref_squeeze %dma_wait3A_637 : memref<1x128x128xf32, #tpu.memory_space<vmem>> -> memref<128x128xf32, #tpu.memory_space<vmem>>
    %dma_wait3A_639 = arith.constant 0 : i32
    %dma_wait3A_640 = arith.constant 0 : i32
    %dma_wait3A_641 = tpu.memref_slice %dma_wait3A_638[%dma_wait3A_639, %dma_wait3A_640] : memref<128x128xf32, #tpu.memory_space<vmem>> -> memref<128x128xf32, #tpu.memory_space<vmem>>
    tpu.wait_dma2 semaphore(%arg19 : memref<!tpu.dma_semaphore, #tpu.memory_space<semaphore_mem>>) src(%dma_wait3A_641 : memref<128x128xf32, #tpu.memory_space<vmem>>) dst(%dma_wait3A_634 : memref<128x128xf32, #tpu.memory_space<hbm>>)
    %dma_wait3A_642 = arith.constant 1 : i32
    %dma_wait3A_643 = arith.constant 0 : i32
    %dma_wait3A_644 = arith.constant 0 : i32
    %dma_wait3A_645 = tpu.memref_slice %arg10[%dma_wait3A_642, %dma_wait3A_643, %dma_wait3A_644] : memref<3x128x128xf32, #tpu.memory_space<vmem>> -> memref<1x128x128xf32, #tpu.memory_space<vmem>>
    %dma_wait3A_646 = tpu.memref_squeeze %dma_wait3A_645 : memref<1x128x128xf32, #tpu.memory_space<vmem>> -> memref<128x128xf32, #tpu.memory_space<vmem>>
    %dma_wait3A_647 = arith.constant 0 : i32
    %dma_wait3A_648 = arith.constant 0 : i32
    %dma_wait3A_649 = tpu.memref_slice %dma_wait3A_646[%dma_wait3A_647, %dma_wait3A_648] : memref<128x128xf32, #tpu.memory_space<vmem>> -> memref<64x128xf32, #tpu.memory_space<vmem>>
    %dma_wait3A_650 = arith.constant 0 : i32
    %dma_wait3A_651 = tpu.memref_slice %arg6[%add3A_544, %dma_wait3A_650] : memref<16384x128xf32, #tpu.memory_space<hbm>> -> memref<64x128xf32, #tpu.memory_space<hbm>>
    %dma_wait3A_652 = arith.constant 0 : i32
    %dma_wait3A_653 = tpu.memref_slice %arg6[%add3A_544, %dma_wait3A_652] : memref<16384x128xf32, #tpu.memory_space<hbm>> -> memref<64x128xf32, #tpu.memory_space<hbm>>
    %dma_wait3A_654 = arith.constant 0 : i32
    %dma_wait3A_655 = arith.constant 0 : i32
    %dma_wait3A_656 = tpu.memref_slice %arg10[%dma_wait3A_642, %dma_wait3A_654, %dma_wait3A_655] : memref<3x128x128xf32, #tpu.memory_space<vmem>> -> memref<1x128x128xf32, #tpu.memory_space<vmem>>
    %dma_wait3A_657 = tpu.memref_squeeze %dma_wait3A_656 : memref<1x128x128xf32, #tpu.memory_space<vmem>> -> memref<128x128xf32, #tpu.memory_space<vmem>>
    %dma_wait3A_658 = arith.constant 0 : i32
    %dma_wait3A_659 = arith.constant 0 : i32
    %dma_wait3A_660 = tpu.memref_slice %dma_wait3A_657[%dma_wait3A_658, %dma_wait3A_659] : memref<128x128xf32, #tpu.memory_space<vmem>> -> memref<64x128xf32, #tpu.memory_space<vmem>>
    tpu.wait_dma2 semaphore(%arg20 : memref<!tpu.dma_semaphore, #tpu.memory_space<semaphore_mem>>) src(%dma_wait3A_660 : memref<64x128xf32, #tpu.memory_space<vmem>>) dst(%dma_wait3A_653 : memref<64x128xf32, #tpu.memory_space<hbm>>)
    %dma_wait3A_661 = arith.constant 2 : i32
    %dma_wait3A_662 = arith.constant 0 : i32
    %dma_wait3A_663 = arith.constant 0 : i32
    %dma_wait3A_664 = tpu.memref_slice %arg10[%dma_wait3A_661, %dma_wait3A_662, %dma_wait3A_663] : memref<3x128x128xf32, #tpu.memory_space<vmem>> -> memref<1x128x128xf32, #tpu.memory_space<vmem>>
    %dma_wait3A_665 = tpu.memref_squeeze %dma_wait3A_664 : memref<1x128x128xf32, #tpu.memory_space<vmem>> -> memref<128x128xf32, #tpu.memory_space<vmem>>
    %dma_wait3A_666 = arith.constant 0 : i32
    %dma_wait3A_667 = arith.constant 0 : i32
    %dma_wait3A_668 = tpu.memref_slice %dma_wait3A_665[%dma_wait3A_666, %dma_wait3A_667] : memref<128x128xf32, #tpu.memory_space<vmem>> -> memref<64x128xf32, #tpu.memory_space<vmem>>
    %dma_wait3A_669 = arith.constant 0 : i32
    %dma_wait3A_670 = tpu.memref_slice %arg6[%add3A_603, %dma_wait3A_669] : memref<16384x128xf32, #tpu.memory_space<hbm>> -> memref<64x128xf32, #tpu.memory_space<hbm>>
    %dma_wait3A_671 = arith.constant 0 : i32
    %dma_wait3A_672 = tpu.memref_slice %arg6[%add3A_603, %dma_wait3A_671] : memref<16384x128xf32, #tpu.memory_space<hbm>> -> memref<64x128xf32, #tpu.memory_space<hbm>>
    %dma_wait3A_673 = arith.constant 0 : i32
    %dma_wait3A_674 = arith.constant 0 : i32
    %dma_wait3A_675 = tpu.memref_slice %arg10[%dma_wait3A_661, %dma_wait3A_673, %dma_wait3A_674] : memref<3x128x128xf32, #tpu.memory_space<vmem>> -> memref<1x128x128xf32, #tpu.memory_space<vmem>>
    %dma_wait3A_676 = tpu.memref_squeeze %dma_wait3A_675 : memref<1x128x128xf32, #tpu.memory_space<vmem>> -> memref<128x128xf32, #tpu.memory_space<vmem>>
    %dma_wait3A_677 = arith.constant 0 : i32
    %dma_wait3A_678 = arith.constant 0 : i32
    %dma_wait3A_679 = tpu.memref_slice %dma_wait3A_676[%dma_wait3A_677, %dma_wait3A_678] : memref<128x128xf32, #tpu.memory_space<vmem>> -> memref<64x128xf32, #tpu.memory_space<vmem>>
    tpu.wait_dma2 semaphore(%arg21 : memref<!tpu.dma_semaphore, #tpu.memory_space<semaphore_mem>>) src(%dma_wait3A_679 : memref<64x128xf32, #tpu.memory_space<vmem>>) dst(%dma_wait3A_672 : memref<64x128xf32, #tpu.memory_space<hbm>>)
    return
  }
}

</mosaic_0001>

<sc_bundles>
// kernel: kernel.3.cloned.1.call-start
scs
__scs_entry_jumppad:
0x0: {  	(pc) =	sbr.rel $0x88, $3  }
0x1: {  	(tag) =	ssettag $0x0;
	lr =	simm.s32 $0x1  }
0x2: {  	[smem:$0x3F9D] =	sst lr;
	_ =	strace $0xD0000000  }
0x3: {  	_ = 	snop  }
0x4: {  	_ = 	snop  }
0x5: {  	_ = 	snop  }
0x6: {  	_ = 	snop  }
0x7: {  	_ = 	snop  }
__scs_overlays_trampoline_lowered:
0x8: {  	[smem:$0x3FAC] =	sst s0  }
0x9: {  	[smem:$0x3FAD] =	sst s1  }
0xa: {  	[smem:$0x3FAE] =	sst s2  }
0xb: {  	[smem:$0x3FAF] =	sst s3  }
0xc: {  	[smem:$0x3FB0] =	sst s4  }
0xd: {  	[smem:$0x3FB1] =	sst s5  }
0xe: {  	[smem:$0x3FB2] =	sst s6  }
0xf: {  	[smem:$0x3FB3] =	sst s7  }
0x10: {  	[smem:$0x3FB4] =	sst s8  }
0x11: {  	[smem:$0x3FB5] =	sst s9;
	s0 =	simm.s32 @!p0 $0x0  }
0x12: {  	s1 =	sld [smem:$0x3F9B];
	s0 =	simm.s32 @p0 $0x1  }
0x13: {  	[smem:$0x3FB6] =	sst s0;
	s0 =	simm.s32 @!p1 $0x0  }
0x14: {  	s2 =	sld [smem:$0x3F9A];
	s0 =	simm.s32 @p1 $0x1  }
0x15: {  	[smem:$0x3FB7] =	sst s0;
	s0 =	simm.s32 @!p2 $0x0  }
0x16: {  	s3 =	sld [smem:$0x3FDB];
	s0 =	simm.s32 @p2 $0x1  }
0x17: {  	s4 =	simm.s32 $0x1BF5;
	[smem:$0x3FB9] =	sst s0  }
0x18: {  	s0 =	sld [smem:$0x3F9C];
	_ =	swait.ge [sflag:s4], $0x0  }
0x19: {  	s7 =	sld [smem:$0x3F9D]  }
0x1a: {  	s8 =	sadd.s32 $0xFFFFE003, lr  }
0x1b: {  	s9 =	sadd.s32 $0xFFFFFEF7, lr;
	s5 =	simm.s32 $0xFFFFFFFF;
	p2 =	slt.u32 s8, $0xFFFFF086  }
0x1c: {  	p1 =	slt.u32 s9, $0xF7A;
	s5 =	simm.s32 @!p2 $0x0  }
0x1d: {  	s5 =	simm.s32 @p1 $0x1;
	p0 =	seq.s32 s7, s2  }
0x1e: {  	s7 =	smul.u32 @!p0 $0xF7A, s2;
	p2 =	seq.s32 @!p0 s5, $0x0  }
0x1f: {  	s9 =	smul.u32 $0xF7A, s1;
	s8 =	simm.s32 @!p0 $0x1BF5;
	p2 =	por !p2, p0  }
0x20: {  	[sflag:s8] =	ssyncset.s32 @!p0 $0xFFFFF086;
	s6 =	sadd.s32 @!p0 s3, s7;
	s7 =	simm.s32 @!p0 $0x108  }
0x21: {  	s3 =	sadd.s32 s3, s9;
	s6 =	sadd.s32 @!p0 $0x88, s6;
	s7 =	simm.s32 @p2 $0x1082  }
0x22: {  	[simem:s7], [sflag:s8] =	dma.local @!p0 [hbm:s6], $0xF7A  }
0x23: {  	s9 =	sor.u32 $0xD0000000, s2;
	s6 =	simm.s32 $0x108;
	_ =	swait.ge @!p0 [sflag:s8], $0x0  }
0x24: {  	s3 =	sadd.s32 $0x88, s3;
	s6 =	simm.s32 @!p1 $0x1082;
	[sflag:s4] =	ssyncset.s32 $0xFFFFF086  }
0x25: {  	[simem:s6], [sflag:s4] =	dma.local [hbm:s3], $0xF7A  }
0x26: {  	[smem:$0x3F9D] =	sst s1;
	(tag) =	ssettag s2;
	_ =	strace s9  }
0x27: {  	s1 =	sld [smem:$0x3FAD]  }
0x28: {  	s2 =	sld [smem:$0x3FAE]  }
0x29: {  	s4 =	sld [smem:$0x3FB0]  }
0x2a: {  	p0 =	seq.s32 s5, $0x0;
	s5 =	sld [smem:$0x3FB1]  }
0x2b: {  	s6 =	sld [smem:$0x3FB2]  }
0x2c: {  	s7 =	sld [smem:$0x3FB3]  }
0x2d: {  	s3 =	simm.s32 $0x108;
	s8 =	sld [smem:$0x3FB4]  }
0x2e: {  	s3 =	simm.s32 @!p0 $0x1082;
	s9 =	sld [smem:$0x3FB5]  }
0x2f: {  	lr =	sadd.s32 s0, s3;
	s0 =	sld [smem:$0x3FAC]  }
0x30: {  	s3 =	sld [smem:$0x3FAF]  }
0x31: {  	[smem:$0x3FB8] =	sst s10  }
0x32: {  	s10 =	sld [smem:$0x3FB6];
	_ =	sdelay $0x3  }
0x33: {  	p0 =	seq.s32 s10, $0x1;
	s10 =	sld [smem:$0x3FB8];
	_ =	sdelay $0x3  }
0x34: {  	[smem:$0x3FB8] =	sst s10  }
0x35: {  	s10 =	sld [smem:$0x3FB7];
	_ =	sdelay $0x3  }
0x36: {  	p1 =	seq.s32 s10, $0x1;
	s10 =	sld [smem:$0x3FB8];
	_ =	sdelay $0x3  }
0x37: {  	[smem:$0x3FB8] =	sst s10  }
0x38: {  	s10 =	sld [smem:$0x3FB9]  }
0x39: {  	_ = 	snop;
	(pc) =	sbr.ind lr, $3  }
0x3a: {  	_ = 	snop  }
0x3b: {  	_ = 	snop  }
0x3c: {  	p2 =	seq.s32 s10, $0x1;
	s10 =	sld [smem:$0x3FB8]  }
0x3d: {  	_ =	shalt  }
0x3e: {  	_ =	shalt  }
0x3f: {  	_ =	shalt  }
0x40: {  	_ =	shalt  }
0x41: {  	_ =	shalt  }
0x42: {  	_ =	shalt  }
0x43: {  	_ =	shalt  }
0x44: {  	_ =	shalt  }
0x45: {  	_ =	shalt  }
0x46: {  	_ =	shalt  }
0x47: {  	_ =	shalt  }
0x48: {  	_ =	shalt  }
0x49: {  	_ =	shalt  }
0x4a: {  	_ =	shalt  }
0x4b: {  	_ =	shalt  }
0x4c: {  	_ =	shalt  }
0x4d: {  	_ =	shalt  }
0x4e: {  	_ =	shalt  }
0x4f: {  	_ =	shalt  }
0x50: {  	_ =	shalt  }
0x51: {  	_ =	shalt  }
0x52: {  	_ =	shalt  }
0x53: {  	_ =	shalt  }
0x54: {  	_ =	shalt  }
0x55: {  	_ =	shalt  }
0x56: {  	_ =	shalt  }
0x57: {  	_ =	shalt  }
0x58: {  	_ =	shalt  }
0x59: {  	_ =	shalt  }
0x5a: {  	_ =	shalt  }
0x5b: {  	_ =	shalt  }
0x5c: {  	_ =	shalt  }
0x5d: {  	_ =	shalt  }
0x5e: {  	_ =	shalt  }
0x5f: {  	_ =	shalt  }
0x60: {  	_ =	shalt  }
0x61: {  	_ =	shalt  }
0x62: {  	_ =	shalt  }
0x63: {  	_ =	shalt  }
0x64: {  	_ =	shalt  }
0x65: {  	_ =	shalt  }
0x66: {  	_ =	shalt  }
0x67: {  	_ =	shalt  }
0x68: {  	_ =	shalt  }
0x69: {  	_ =	shalt  }
0x6a: {  	_ =	shalt  }
0x6b: {  	_ =	shalt  }
0x6c: {  	_ =	shalt  }
0x6d: {  	_ =	shalt  }
0x6e: {  	_ =	shalt  }
0x6f: {  	_ =	shalt  }
0x70: {  	_ =	shalt  }
0x71: {  	_ =	shalt  }
0x72: {  	_ =	shalt  }
0x73: {  	_ =	shalt  }
0x74: {  	_ =	shalt  }
0x75: {  	_ =	shalt  }
0x76: {  	_ =	shalt  }
0x77: {  	_ =	shalt  }
0x78: {  	_ =	shalt  }
0x79: {  	_ =	shalt  }
0x7a: {  	_ =	shalt  }
0x7b: {  	_ =	shalt  }
0x7c: {  	_ =	shalt  }
0x7d: {  	_ =	shalt  }
0x7e: {  	_ =	shalt  }
0x7f: {  	_ =	shalt  }
0x80: {  	_ =	shalt  }
0x81: {  	_ =	shalt  }
0x82: {  	_ =	shalt  }
0x83: {  	_ =	shalt  }
0x84: {  	_ =	shalt  }
0x85: {  	_ =	shalt  }
0x86: {  	_ =	shalt  }
0x87: {  	_ =	shalt  }
.Lfunc_end0:
.L_simem_size_0:
called_computation_lowered:
.L_overlay_start_0:
0x88: {  	s2 =	sld [smem:$0x3FD9]  }
0x89: {  	s3 =	sld [smem:$0x3FFE];
	_ =	sdelay $0x1  }
0x8a: {  	s1 =	srdreg.scid  }
0x8b: {  	s0 =	sand.u32 $0x1, s1  }
0x8c: {  	s18 =	sshll.u32 s0, $0xA;
	s2 =	sadd.s32 s3, s2  }
0x8d: {  	s2 =	sadd.s32 s2, s18  }
0x8e: {  	[smem:$0x3FC4] =	sst s2  }
0x8f: {  	_ = 	snop  }
0x90: {  	s2 =	sld [smem:$0x3FC9]  }
0x91: {  	s19 =	sld [smem:$0x3FC8]  }
0x92: {  	s4 =	sld [smem:$0x3FC7]  }
0x93: {  	s5 =	sld [smem:$0x3FC6]  }
0x94: {  	s6 =	sld [smem:$0x3FD0];
	(tm) =	ssettm $0x1  }
0x95: {  	s7 =	sld [smem:$0x3FFB];
	_ =	sdelay $0x3  }
0x96: {  	_ =	strace s7  }
0x97: {  	s7 =	sld [smem:$0x3FFC];
	_ =	sdelay $0x3  }
0x98: {  	_ =	strace s7  }
0x99: {  	s7 =	sld [smem:$0x3FFD];
	_ =	sdelay $0x3  }
0x9a: {  	_ =	strace s7  }
0x9b: {  	_ =	strace $0x8FFFFFFF  }
0x9c: {  	s20 =	sld [smem:$0x3FDB];
	_ =	sdelay $0x1  }
0x9d: {  	s8 =	simm.s32 $_scs_section_size  }
0x9e: {  	s9 =	simm.s32 $_size__tile_overlayer_lowered;
	s10 =	simm.s32 $_tile_overlayer_lowered  }
0x9f: {  	s23 =	simm.s32 $0x1BFF;
	s22 =	sshll.u32 s10, $0x1;
	s7 =	sadd.s32 s8, s20  }
0xa0: {  	s11 =	simm.s32 $0x0;
	s21 =	sshll.u32 s9, $0x1;
	s9 =	sadd.s32 s22, s7  }
0xa1: {  	[timem:s11], [sflag:s23] =	dma.local [hbm:s9], s21  }
0xa2: {  	_ =	swait.ge [sflag:s23], s21  }
0xa3: {  	s8 =	ssub.s32 $0x0, s21;
	[sflag:s23] =	ssyncset.done $0x0  }
0xa4: {  	[sflag:s23] =	ssyncadd.s32 s8;
	_ =	sdelay $0x1  }
0xa5: {  	s24 =	simm.s32 $0x1B8B  }
0xa6: {  	_ =	swait.ge [sflag:s24], $0x1  }
0xa7: {  	[sflag:s24] =	ssyncset.done $0x0  }
0xa8: {  	s25 =	simm.s32 $0x1B8E;
	[sflag:s24] =	ssyncadd.s32 $0xFFFFFFFF  }
0xa9: {  	s26 =	simm.s32 $execute0_lowered;
	[smem:$0x3FD2] =	sst s25  }
0xaa: {  	s8 =	sshll.u32 s26, $0x1;
	_ =	strace $0x80000046;
	[dreg:$0x1] =	wrdreg $0xFFFFFFFF  }
0xab: {  	s28 =	simm.s32 $_size_execute0_lowered;
	s7 =	sadd.s32 s7, s8;
	[dreg:$0x0] =	wrdreg $0x0  }
0xac: {  	s8 =	sshll.u32 s28, $0x1;
	[dreg:$0x2] =	wrdreg s7  }
0xad: {  	[dreg:$0x3] =	wrdreg s8  }
0xae: {  	[dreg:$0x4] =	wrdreg $0xC0  }
0xaf: {  	_ =	task [dreg:s11], $0x5FFFF  }
0xb0: {  	[dreg:$0x1] =	wrdreg $0xFFFFFFFF  }
0xb1: {  	[dreg:$0x0] =	wrdreg $0x60  }
0xb2: {  	[dreg:$0x2] =	wrdreg s2  }
0xb3: {  	[dreg:$0x3] =	wrdreg s19  }
0xb4: {  	[dreg:$0x4] =	wrdreg s4  }
0xb5: {  	[dreg:$0x5] =	wrdreg s5  }
0xb6: {  	[dreg:$0x6] =	wrdreg s6  }
0xb7: {  	[dreg:$0x7] =	wrdreg $0x9  }
0xb8: {  	_ =	task.clear_ibuf [dreg:s11], $0x8FFFF;
	_ =	strace $0x90000046  }
0xb9: {  	s29 =	simm.s32 $0x9;
	_ =	strace $0x80000048  }
0xba: {  	_ =	swait.ge [sflag:s29], $0x1  }
0xbb: {  	[sflag:s29] =	ssyncadd.s32 $0xFFFFFFFF  }
0xbc: {  	_ =	strace $0x90000048  }
0xbd: {  	_ =	sfence  }
0xbe: {  	s30 =	sld [smem:$0x0];
	_ =	sdelay $0x2  }
0xbf: {  	s31 =	sshll.u32 s1, $0xD;
	s1 =	sshrl.u32 s1, $0x2  }
0xc0: {  	s3 =	sand.u32 $0x4000, s31;
	s1 =	sadd.s32 s1, s30  }
0xc1: {  	s0 =	sor.u32 s3, s0;
	s1 =	sshll.u32 s1, $0x11  }
0xc2: {  	s0 =	sor.u32 s1, s0  }
0xc3: {  	s0 =	sadd.s32 $0x8F2B, s0  }
0xc4: {  	[sflag:s0] =	ssyncadd.remote.s32 $0x1  }
0xc5: {  	_ =	sfence.sel $0xFFFF  }
0xc6: {  	[dreg:$0x0] =	wrdreg $0xFFFFFFFF;
	(pc) =	sbr.abs _section_cstart, $3  }
0xc7: {  	[dreg:$0x1] =	wrdreg $0xFFFFFFFF  }
0xc8: {  	_ =	task.clear_ibuf [dreg:s11], $0x2FFFF;
	_ =	strace $0x9FFFFFFF  }
0xc9: {  	(tm) =	ssettm $0x7FFFFFFF  }
tec
execute0_lowered:
.L_overlay_start_1:
0x0: {  	(tag) =	ssettag $0x1  }
0x1: {  	s0 =	rddreg [dreg:$0x0]  }
0x2: {  	s1 =	rddreg [dreg:$0x1]  }
0x3: {  	s2 =	rddreg [dreg:$0x3]  }
0x4: {  	s3 =	rddreg [dreg:$0x4];
	s4 =	simm.s32 $0x0  }
0x5: {  	s5 =	srdreg.scid;
	s7 =	stileid.u32;
	s29 =	simm.s32 $0x14400  }
0x6: {  	s30 =	simm.s32 $0x3;
	s31 =	simm.s32 $0x6;
	s5 =	sand.u32 $0x1, s5  }
0x7: {  	s7 =	sshll.u32 s7, $0xA;
	s6 =	ssub.s32 $0x2, s5;
	s5 =	sshll.u32 s5, $0x9  }
0x8: {  	s19 =	simm.s32 $0x5;
	[smem:$0x7FF] =	sst s4;
	s5 =	sor.u32 s5, s7  }
0x9: {  	_ =	strace $0x80000047;
	s8 =	sshrl.u32 s6, $0x1;
	s7 =	sshrl.u32 s5, $0x3  }
0xa: {  	s6 =	ssub.s32 s6, s8;
	s5 =	sshll.u32 s5, $0x4;
	s1 =	sadd.s32 s1, s7  }
0xb: {  	s20 =	sadd.s32 s0, s5;
	s21 =	sor.u32 $0x400, s5;
	s23 =	sor.u32 $0x800, s5  }
0xc: {  	s24 =	sor.u32 $0x1000, s5;
	s25 =	sadd.s32 s3, s5;
	s28 =	sor.u32 $0x1800, s5  }
0xd: {  	s5 =	sor.u32 $0x1C00, s5;
	s18 =	smax.u32 s6, $0x1;
	[dreg:$0x6] =	wrdreg s1  }
0xe: {  	s6 =	simm.s32 $0x0;
	[dreg:$0x7] =	wrdreg s20;
	s22 =	sadd.s32 s0, s21  }
0xf: {  	s9 =	sadd.s32 s0, s23;
	[dreg:$0xa] =	wrdreg s25;
	s26 =	sadd.s32 s0, s24  }
0x10: {  	s1 =	sadd.s32 s3, s21;
	s12 =	sadd.s32 s0, s28;
	s13 =	sadd.s32 s3, s23  }
0x11: {  	s14 =	sadd.s32 s0, s5;
	s15 =	sadd.s32 s3, s24;
	s16 =	sadd.s32 s3, s28  }
0x12: {  	s17 =	sadd.s32 s3, s5;
	s23 =	simm.s32 $0xC400;
	s24 =	simm.s32 $0x10400  }
0x13: {  	s25 =	simm.s32 $0x2;
	s0 =	simm.s32 $0x9;
	[dreg:$0x8] =	wrdreg s22  }
0x14: {  	s21 =	simm.s32 $0x7;
	s3 =	simm.s32 $0xA;
	[dreg:$0x9] =	wrdreg s9  }
0x15: {  	s5 =	simm.s32 $0x8;
	s20 =	simm.s32 $0xB;
	[dreg:$0xb] =	wrdreg s26  }
0x16: {  	[dreg:$0xc] =	wrdreg s1;
	s22 =	simm.s32 $0x40;
	s1 =	simm.s32 $0x4  }
.LBB2_1:
0x17: {  	s7 =	rddreg [dreg:$0x6]  }
0x18: {  	[tilespmem:s4], [sflag:$0x1] =	stream.linear.gather [hbm4b:s7+s4], $0x200, $0x38;
	[tilespmem:$0x18400] =	vst v63  }
0x19: {  	s28 =	rddreg [dreg:$0x7];
	s8 =	simm.s32 $0x400  }
0x1a: {  	[tilespmem:s8], [sflag:$0x3] =	stream.linear.gather [hbm4b:s28+s4], $0x2000, $0x38;
	[tilespmem:$0x18400] =	vst v63  }
0x1b: {  	s9 =	rddreg [dreg:$0x8];
	s10 =	simm.s32 $0x4400;
	s7 =	simm.s32 $0x1  }
0x1c: {  	[tilespmem:s10], [sflag:$0x4] =	stream.linear.gather [hbm4b:s9+s4], $0x2000, $0x38;
	[tilespmem:$0x18400] =	vst v63  }
0x1d: {  	_ =	swait.ge [sflag:s7], $0x200  }
0x1e: {  	[sflag:s7] =	ssyncset.done $0x0  }
0x1f: {  	[sflag:s7] =	ssyncadd.s32 $0xFFFFFE00  }
0x20: {  	s9 =	simm.s32 $0x200;
	s11 =	rddreg [dreg:$0x2]  }
0x21: {  	[tilespmem:s9], [sflag:$0x2] =	stream.indirect.gather [hbm4b:s11+s9], $0x1, s4, s9, $0xb8;
	[tilespmem:$0x18400] =	vst v63  }
0x22: {  	_ = 	snop  }
0x23: {  	[tilespmem:s23], [sflag:$0x6] =	stream.indirect.gather [hbm4b:s2+s22], $0x80, s4, s22, $0xb8;
	[tilespmem:$0x18400] =	vst v63  }
0x24: {  	_ = 	snop  }
0x25: {  	[tilespmem:s24], [sflag:$0x7] =	stream.indirect.gather [hbm4b:s2+s22], $0x80, s22, s22, $0xb8;
	[tilespmem:$0x18400] =	vst v63  }
0x26: {  	_ =	swait.ge [sflag:s25], $0x200  }
0x27: {  	[sflag:s25] =	ssyncset.done $0x0  }
0x28: {  	s28 =	simm.s32 $0x8400;
	s26 =	rddreg [dreg:$0x9];
	[sflag:s25] =	ssyncadd.s32 $0xFFFFFE00  }
0x29: {  	[tilespmem:s28], [sflag:$0x5] =	stream.linear.gather [hbm4b:s26+s4], $0x4000, $0x38;
	[tilespmem:$0x18400] =	vst v63  }
0x2a: {  	s9 =	simm.s32 $0x80  }
0x2b: {  	[tilespmem:s29], [sflag:$0x8] =	stream.indirect.gather [hbm4b:s2+s9], $0x80, s9, s9, $0xb8;
	[tilespmem:$0x18400] =	vst v63  }
0x2c: {  	_ =	swait.ge [sflag:s30], $0x2000  }
0x2d: {  	[sflag:s30] =	ssyncset.done $0x0  }
0x2e: {  	[sflag:s30] =	ssyncadd.s32 $0xFFFFE000  }
0x2f: {  	_ =	swait.ge [sflag:s31], $0x2000  }
0x30: {  	[sflag:s31] =	ssyncset.done $0x0  }
0x31: {  	s10 =	sand.u32 $0x30, s4;
	[sflag:s31] =	ssyncadd.s32 $0xFFFFE000  }
0x32: {  	v0 =	vld [tilespmem:s10+$0x200];
	_ =	sdelay $0x3  }
0x33: {  	s28 =	simm.s32 $0x0  }
0x34: {  	v1 =	vld [tilespmem:s28+$0x400];
	v0 =	vmul.f32 $1.442695020e+00, v0  }
0x35: {  	v2 =	vld [tilespmem:s28+$0x410]  }
0x36: {  	v3 =	vld [tilespmem:s28+$0x420];
	(erf) = vpow2.f32 v0  }
0x37: {  	v50 =	vld [tilespmem:s28+$0x430]  }
0x38: {  	v4 =	vld [tilespmem:s28+$0x440]  }
0x39: {  	v5 =	vld [tilespmem:s28+$0x450]  }
0x3a: {  	v6 =	vld [tilespmem:s28+$0x460]  }
0x3b: {  	v7 =	vld [tilespmem:s28+$0x470]  }
0x3c: {  	v8 =	vld [tilespmem:s28+$0x480]  }
0x3d: {  	v9 =	vld [tilespmem:s28+$0x490]  }
0x3e: {  	s11 =	sand.u32 $0xE, s4;
	v10 =	vld [tilespmem:s28+$0x4A0]  }
0x3f: {  	v11 =	vmov s11;
	v12 =	vld [tilespmem:s28+$0x4B0];
	v13 =	vpop (erf)  }
0x40: {  	v14 =	vld [tilespmem:s28+$0x4C0];
	v11 =	vperm.xlane v13, v11  }
0x41: {  	v15 =	vld [tilespmem:s28+$0x4D0]  }
0x42: {  	v16 =	vld [tilespmem:s28+$0x4E0];
	v1 =	vmul.f32 v1, v11  }
0x43: {  	v17 =	vld [tilespmem:s28+$0x4F0];
	v2 =	vmul.f32 v2, v11  }
0x44: {  	v3 =	vmul.f32 v3, v11;
	[tilespmem:s28+$0xC400] =	vst.add.f32.msk $0xffff, v1  }
0x45: {  	s26 =	sand.u32 $0xFFFFFFF0, s4;
	v0 =	vmul.f32 v50, v11;
	[tilespmem:s28+$0xC410] =	vst.add.f32.msk $0xffff, v2  }
0x46: {  	s8 =	ssub.s32 $0x1, s26;
	v51 =	vmul.f32 v4, v11;
	[tilespmem:s28+$0xC420] =	vst.add.f32.msk $0xffff, v3  }
0x47: {  	v52 =	vmov s8;
	v53 =	vmul.f32 v5, v11;
	[tilespmem:s28+$0xC430] =	vst.add.f32.msk $0xffff, v0  }
0x48: {  	v54 =	vperm.xlane v13, v52;
	v55 =	vmul.f32 v6, v11;
	[tilespmem:s28+$0xC440] =	vst.add.f32.msk $0xffff, v51  }
0x49: {  	v56 =	vmul.f32 v7, v11;
	[tilespmem:s28+$0xC450] =	vst.add.f32.msk $0xffff, v53  }
0x4a: {  	v57 =	vmul.f32 v8, v54;
	[tilespmem:s28+$0xC460] =	vst.add.f32.msk $0xffff, v55  }
0x4b: {  	v58 =	vmul.f32 v9, v54;
	[tilespmem:s28+$0xC470] =	vst.add.f32.msk $0xffff, v56  }
0x4c: {  	v59 =	vmul.f32 v10, v54;
	[tilespmem:s28+$0xC480] =	vst.add.f32.msk $0xffff, v57  }
0x4d: {  	v60 =	vmul.f32 v12, v54;
	[tilespmem:s28+$0xC490] =	vst.add.f32.msk $0xffff, v58  }
0x4e: {  	v61 =	vmul.f32 v14, v54;
	[tilespmem:s28+$0xC4A0] =	vst.add.f32.msk $0xffff, v59  }
0x4f: {  	v62 =	vmul.f32 v15, v54;
	[tilespmem:s28+$0xC4B0] =	vst.add.f32.msk $0xffff, v60  }
0x50: {  	v63 =	vmul.f32 v16, v54;
	[tilespmem:s28+$0xC4C0] =	vst.add.f32.msk $0xffff, v61  }
0x51: {  	v0 =	vmul.f32 v17, v54;
	[tilespmem:s28+$0xC4D0] =	vst.add.f32.msk $0xffff, v62  }
0x52: {  	s8 =	simm.s32 $0x2;
	[tilespmem:s28+$0xC4E0] =	vst.add.f32.msk $0xffff, v63  }
0x53: {  	s26 =	simm.s32 $0x400;
	s9 =	simm.s32 $0x800;
	s10 =	sand.u32 $0x30, s8;
	[tilespmem:s28+$0xC4F0] =	vst.add.f32.msk $0xffff, v0  }
.LBB2_2:
0x54: {  	p0 =	sne.s32 s9, $0x7C00;
	v0 =	vld [tilespmem:s10+$0x200];
	_ =	sdelay $0x3  }
0x55: {  	s28 =	sshra.s32 s26, $0x2;
	s26 =	smov.u32 s9  }
0x56: {  	v0 =	vmul.f32 $1.442695020e+00, v0;
	v1 =	vld [tilespmem:s28+$0x400]  }
0x57: {  	v2 =	vld [tilespmem:s28+$0x410]  }
0x58: {  	v3 =	vld [tilespmem:s28+$0x420];
	(erf) = vpow2.f32 v0  }
0x59: {  	v0 =	vld [tilespmem:s28+$0x430]  }
0x5a: {  	v4 =	vld [tilespmem:s28+$0x440]  }
0x5b: {  	v5 =	vld [tilespmem:s28+$0x450]  }
0x5c: {  	v6 =	vld [tilespmem:s28+$0x460]  }
0x5d: {  	v7 =	vld [tilespmem:s28+$0x470]  }
0x5e: {  	v8 =	vld [tilespmem:s28+$0x480]  }
0x5f: {  	s10 =	sand.u32 $0xFFFFFFF0, s8;
	s7 =	sadd.s32 $0x2, s7;
	v9 =	vld [tilespmem:s28+$0x490]  }
0x60: {  	s11 =	sand.u32 $0xE, s8;
	s10 =	ssub.s32 s7, s10;
	v10 =	vld [tilespmem:s28+$0x4A0]  }
0x61: {  	v11 =	vmov s11;
	v12 =	vmov s10;
	v13 =	vld [tilespmem:s28+$0x4B0];
	v14 =	vpop (erf)  }
0x62: {  	v11 =	vperm.xlane v14, v11;
	v12 =	vperm.xlane v14, v12;
	v14 =	vld [tilespmem:s28+$0x4C0]  }
0x63: {  	v15 =	vld [tilespmem:s28+$0x4D0]  }
0x64: {  	v1 =	vmul.f32 v1, v11;
	v2 =	vmul.f32 v2, v11;
	v16 =	vld [tilespmem:s28+$0x4E0]  }
0x65: {  	v3 =	vmul.f32 v3, v11;
	v0 =	vmul.f32 v0, v11;
	v17 =	vld [tilespmem:s28+$0x4F0]  }
0x66: {  	[tilespmem:s28+$0xC400] =	vst.add.f32.msk $0xffff, v1;
	v1 =	vmul.f32 v4, v11;
	v4 =	vmul.f32 v5, v11  }
0x67: {  	v5 =	vmul.f32 v7, v11;
	[tilespmem:s28+$0xC410] =	vst.add.f32.msk $0xffff, v2;
	v2 =	vmul.f32 v6, v11  }
0x68: {  	v6 =	vmul.f32 v9, v12;
	[tilespmem:s28+$0xC420] =	vst.add.f32.msk $0xffff, v3;
	v3 =	vmul.f32 v8, v12  }
0x69: {  	v7 =	vmul.f32 v13, v12;
	[tilespmem:s28+$0xC430] =	vst.add.f32.msk $0xffff, v0;
	v0 =	vmul.f32 v10, v12  }
0x6a: {  	v8 =	vmul.f32 v15, v12;
	[tilespmem:s28+$0xC440] =	vst.add.f32.msk $0xffff, v1;
	v1 =	vmul.f32 v14, v12  }
0x6b: {  	v9 =	vmul.f32 v17, v12;
	[tilespmem:s28+$0xC450] =	vst.add.f32.msk $0xffff, v4;
	v4 =	vmul.f32 v16, v12  }
0x6c: {  	[tilespmem:s28+$0xC460] =	vst.add.f32.msk $0xffff, v2  }
0x6d: {  	[tilespmem:s28+$0xC470] =	vst.add.f32.msk $0xffff, v5  }
0x6e: {  	[tilespmem:s28+$0xC480] =	vst.add.f32.msk $0xffff, v3  }
0x6f: {  	[tilespmem:s28+$0xC490] =	vst.add.f32.msk $0xffff, v6  }
0x70: {  	[tilespmem:s28+$0xC4A0] =	vst.add.f32.msk $0xffff, v0  }
.Ltmp0:
0x71: {  	[tilespmem:s28+$0xC4B0] =	vst.add.f32.msk $0xffff, v7;
	(pc) =	sbr.rel @p0 .LBB2_2-.Ltmp0, $4  }
0x72: {  	[tilespmem:s28+$0xC4C0] =	vst.add.f32.msk $0xffff, v1  }
0x73: {  	[tilespmem:s28+$0xC4D0] =	vst.add.f32.msk $0xffff, v8  }
0x74: {  	s8 =	sadd.s32 $0x2, s8;
	[tilespmem:s28+$0xC4E0] =	vst.add.f32.msk $0xffff, v4  }
0x75: {  	s9 =	sadd.s32 $0x400, s9;
	s10 =	sand.u32 $0x30, s8;
	[tilespmem:s28+$0xC4F0] =	vst.add.f32.msk $0xffff, v9  }
0x76: {  	v0 =	vld [tilespmem:s10+$0x200];
	_ =	sdelay $0x3  }
0x77: {  	s9 =	sshra.s32 s26, $0x2  }
0x78: {  	v1 =	vld [tilespmem:s9+$0x400];
	v0 =	vmul.f32 $1.442695020e+00, v0  }
0x79: {  	v2 =	vld [tilespmem:s9+$0x410]  }
0x7a: {  	v3 =	vld [tilespmem:s9+$0x420];
	(erf) = vpow2.f32 v0  }
0x7b: {  	v50 =	vld [tilespmem:s9+$0x430]  }
0x7c: {  	v4 =	vld [tilespmem:s9+$0x440]  }
0x7d: {  	v5 =	vld [tilespmem:s9+$0x450]  }
0x7e: {  	v6 =	vld [tilespmem:s9+$0x460]  }
0x7f: {  	v7 =	vld [tilespmem:s9+$0x470]  }
0x80: {  	v8 =	vld [tilespmem:s9+$0x480]  }
0x81: {  	v9 =	vld [tilespmem:s9+$0x490]  }
0x82: {  	s26 =	sand.u32 $0xE, s8;
	v10 =	vld [tilespmem:s9+$0x4A0]  }
0x83: {  	v11 =	vmov s26;
	v12 =	vld [tilespmem:s9+$0x4B0];
	v13 =	vpop (erf)  }
0x84: {  	v14 =	vld [tilespmem:s9+$0x4C0];
	v11 =	vperm.xlane v13, v11  }
0x85: {  	v15 =	vld [tilespmem:s9+$0x4D0]  }
0x86: {  	v16 =	vld [tilespmem:s9+$0x4E0];
	v1 =	vmul.f32 v1, v11  }
0x87: {  	v17 =	vld [tilespmem:s9+$0x4F0];
	v2 =	vmul.f32 v2, v11  }
0x88: {  	v3 =	vmul.f32 v3, v11;
	[tilespmem:s9+$0xC400] =	vst.add.f32.msk $0xffff, v1  }
0x89: {  	s28 =	sand.u32 $0xFFFFFFF0, s8;
	s7 =	sadd.s32 $0x2, s7;
	v0 =	vmul.f32 v50, v11;
	[tilespmem:s9+$0xC410] =	vst.add.f32.msk $0xffff, v2  }
0x8a: {  	s7 =	ssub.s32 s7, s28;
	v51 =	vmul.f32 v4, v11;
	[tilespmem:s9+$0xC420] =	vst.add.f32.msk $0xffff, v3  }
0x8b: {  	v52 =	vmov s7;
	v53 =	vmul.f32 v5, v11;
	[tilespmem:s9+$0xC430] =	vst.add.f32.msk $0xffff, v0  }
0x8c: {  	v54 =	vperm.xlane v13, v52;
	v55 =	vmul.f32 v6, v11;
	[tilespmem:s9+$0xC440] =	vst.add.f32.msk $0xffff, v51  }
0x8d: {  	v56 =	vmul.f32 v7, v11;
	[tilespmem:s9+$0xC450] =	vst.add.f32.msk $0xffff, v53  }
0x8e: {  	v57 =	vmul.f32 v8, v54;
	[tilespmem:s9+$0xC460] =	vst.add.f32.msk $0xffff, v55  }
0x8f: {  	v58 =	vmul.f32 v9, v54;
	[tilespmem:s9+$0xC470] =	vst.add.f32.msk $0xffff, v56  }
0x90: {  	v59 =	vmul.f32 v10, v54;
	[tilespmem:s9+$0xC480] =	vst.add.f32.msk $0xffff, v57  }
0x91: {  	v60 =	vmul.f32 v12, v54;
	[tilespmem:s9+$0xC490] =	vst.add.f32.msk $0xffff, v58  }
0x92: {  	v61 =	vmul.f32 v14, v54;
	[tilespmem:s9+$0xC4A0] =	vst.add.f32.msk $0xffff, v59  }
0x93: {  	v62 =	vmul.f32 v15, v54;
	[tilespmem:s9+$0xC4B0] =	vst.add.f32.msk $0xffff, v60  }
0x94: {  	v63 =	vmul.f32 v16, v54;
	[tilespmem:s9+$0xC4C0] =	vst.add.f32.msk $0xffff, v61  }
0x95: {  	v0 =	vmul.f32 v17, v54;
	[tilespmem:s9+$0xC4D0] =	vst.add.f32.msk $0xffff, v62  }
0x96: {  	[tilespmem:s9+$0xC4E0] =	vst.add.f32.msk $0xffff, v63  }
0x97: {  	s8 =	simm.s32 $0x0;
	[tilespmem:s9+$0xC4F0] =	vst.add.f32.msk $0xffff, v0;
	s9 =	rddreg [dreg:$0xa]  }
0x98: {  	[hbm4b:s9+s8] =	stream.linear.scatter [tilespmem:s23], [sflag:$0x9], $0x2000, $0x38;
	[tilespmem:$0x18400] =	vst v63  }
0x99: {  	_ =	swait.ge [sflag:s0], $0x2000  }
0x9a: {  	[sflag:s0] =	ssyncset.done $0x0  }
0x9b: {  	s11 =	simm.s32 $0x400;
	s10 =	rddreg [dreg:$0xb];
	[sflag:s0] =	ssyncadd.s32 $0xFFFFE000  }
0x9c: {  	[tilespmem:s11], [sflag:$0x3] =	stream.linear.gather [hbm4b:s10+s8], $0x4000, $0x38;
	[tilespmem:$0x18400] =	vst v63  }
0x9d: {  	s26 =	simm.s32 $0x80;
	s28 =	simm.s32 $0x100  }
0x9e: {  	[tilespmem:s23], [sflag:$0x6] =	stream.indirect.gather [hbm4b:s2+s26], $0x80, s28, s26, $0xb8;
	[tilespmem:$0x18400] =	vst v63  }
0x9f: {  	_ =	swait.ge [sflag:s1], $0x2000  }
0xa0: {  	[sflag:s1] =	ssyncset.done $0x0  }
0xa1: {  	[sflag:s1] =	ssyncadd.s32 $0xFFFFE000  }
0xa2: {  	_ =	swait.ge [sflag:s21], $0x2000  }
0xa3: {  	s7 =	simm.s32 $0x0;
	[sflag:s21] =	ssyncset.done $0x0  }
0xa4: {  	s9 =	simm.s32 $0x400;
	s10 =	sand.u32 $0x30, s8;
	[sflag:s21] =	ssyncadd.s32 $0xFFFFE000  }
.LBB2_4:
0xa5: {  	p0 =	sne.s32 s9, $0x7C00;
	v0 =	vld [tilespmem:s10+$0x240];
	_ =	sdelay $0x3  }
0xa6: {  	s26 =	sshra.s32 s8, $0x2;
	s8 =	smov.u32 s9  }
0xa7: {  	v0 =	vmul.f32 $1.442695020e+00, v0;
	v1 =	vld [tilespmem:s26+$0x4400]  }
0xa8: {  	v2 =	vld [tilespmem:s26+$0x4410]  }
0xa9: {  	v3 =	vld [tilespmem:s26+$0x4420];
	(erf) = vpow2.f32 v0  }
0xaa: {  	v0 =	vld [tilespmem:s26+$0x4430]  }
0xab: {  	v4 =	vld [tilespmem:s26+$0x4440]  }
0xac: {  	v5 =	vld [tilespmem:s26+$0x4450]  }
0xad: {  	v6 =	vld [tilespmem:s26+$0x4460]  }
0xae: {  	v7 =	vld [tilespmem:s26+$0x4470]  }
0xaf: {  	v8 =	vld [tilespmem:s26+$0x4480]  }
0xb0: {  	s10 =	sand.u32 $0xF, s7;
	v9 =	vld [tilespmem:s26+$0x4490]  }
0xb1: {  	s11 =	sand.u32 $0xE, s7;
	s10 =	sadd.s32 $0x1, s10;
	v10 =	vld [tilespmem:s26+$0x44A0]  }
0xb2: {  	v11 =	vmov s11;
	v12 =	vmov s10;
	v13 =	vld [tilespmem:s26+$0x44B0];
	v14 =	vpop (erf)  }
0xb3: {  	v11 =	vperm.xlane v14, v11;
	v12 =	vperm.xlane v14, v12;
	v14 =	vld [tilespmem:s26+$0x44C0]  }
0xb4: {  	v15 =	vld [tilespmem:s26+$0x44D0]  }
0xb5: {  	v1 =	vmul.f32 v1, v11;
	v2 =	vmul.f32 v2, v11;
	v16 =	vld [tilespmem:s26+$0x44E0]  }
0xb6: {  	v3 =	vmul.f32 v3, v11;
	v0 =	vmul.f32 v0, v11;
	v17 =	vld [tilespmem:s26+$0x44F0]  }
0xb7: {  	[tilespmem:s26+$0x10400] =	vst.add.f32.msk $0xffff, v1;
	v1 =	vmul.f32 v4, v11;
	v4 =	vmul.f32 v5, v11  }
0xb8: {  	v5 =	vmul.f32 v7, v11;
	[tilespmem:s26+$0x10410] =	vst.add.f32.msk $0xffff, v2;
	v2 =	vmul.f32 v6, v11  }
0xb9: {  	v6 =	vmul.f32 v9, v12;
	[tilespmem:s26+$0x10420] =	vst.add.f32.msk $0xffff, v3;
	v3 =	vmul.f32 v8, v12  }
0xba: {  	v7 =	vmul.f32 v13, v12;
	[tilespmem:s26+$0x10430] =	vst.add.f32.msk $0xffff, v0;
	v0 =	vmul.f32 v10, v12  }
0xbb: {  	v8 =	vmul.f32 v15, v12;
	[tilespmem:s26+$0x10440] =	vst.add.f32.msk $0xffff, v1;
	v1 =	vmul.f32 v14, v12  }
0xbc: {  	v9 =	vmul.f32 v17, v12;
	[tilespmem:s26+$0x10450] =	vst.add.f32.msk $0xffff, v4;
	v4 =	vmul.f32 v16, v12  }
0xbd: {  	[tilespmem:s26+$0x10460] =	vst.add.f32.msk $0xffff, v2  }
0xbe: {  	[tilespmem:s26+$0x10470] =	vst.add.f32.msk $0xffff, v5  }
0xbf: {  	[tilespmem:s26+$0x10480] =	vst.add.f32.msk $0xffff, v3  }
0xc0: {  	[tilespmem:s26+$0x10490] =	vst.add.f32.msk $0xffff, v6  }
0xc1: {  	[tilespmem:s26+$0x104A0] =	vst.add.f32.msk $0xffff, v0  }
.Ltmp1:
0xc2: {  	[tilespmem:s26+$0x104B0] =	vst.add.f32.msk $0xffff, v7;
	(pc) =	sbr.rel @p0 .LBB2_4-.Ltmp1, $4  }
0xc3: {  	[tilespmem:s26+$0x104C0] =	vst.add.f32.msk $0xffff, v1  }
0xc4: {  	[tilespmem:s26+$0x104D0] =	vst.add.f32.msk $0xffff, v8  }
0xc5: {  	s7 =	sadd.s32 $0x2, s7;
	[tilespmem:s26+$0x104E0] =	vst.add.f32.msk $0xffff, v4  }
0xc6: {  	s9 =	sadd.s32 $0x400, s9;
	s10 =	sand.u32 $0x30, s7;
	[tilespmem:s26+$0x104F0] =	vst.add.f32.msk $0xffff, v9  }
0xc7: {  	v0 =	vld [tilespmem:s10+$0x240];
	_ =	sdelay $0x3  }
0xc8: {  	s8 =	sshra.s32 s8, $0x2  }
0xc9: {  	v1 =	vld [tilespmem:s8+$0x4400];
	v0 =	vmul.f32 $1.442695020e+00, v0  }
0xca: {  	v2 =	vld [tilespmem:s8+$0x4410]  }
0xcb: {  	v3 =	vld [tilespmem:s8+$0x4420];
	(erf) = vpow2.f32 v0  }
0xcc: {  	v50 =	vld [tilespmem:s8+$0x4430]  }
0xcd: {  	v4 =	vld [tilespmem:s8+$0x4440]  }
0xce: {  	v5 =	vld [tilespmem:s8+$0x4450]  }
0xcf: {  	v6 =	vld [tilespmem:s8+$0x4460]  }
0xd0: {  	v7 =	vld [tilespmem:s8+$0x4470]  }
0xd1: {  	v8 =	vld [tilespmem:s8+$0x4480]  }
0xd2: {  	v9 =	vld [tilespmem:s8+$0x4490]  }
0xd3: {  	s9 =	sand.u32 $0xE, s7;
	v10 =	vld [tilespmem:s8+$0x44A0]  }
0xd4: {  	v11 =	vmov s9;
	v12 =	vld [tilespmem:s8+$0x44B0];
	v13 =	vpop (erf)  }
0xd5: {  	v14 =	vld [tilespmem:s8+$0x44C0];
	v11 =	vperm.xlane v13, v11  }
0xd6: {  	v15 =	vld [tilespmem:s8+$0x44D0]  }
0xd7: {  	v16 =	vld [tilespmem:s8+$0x44E0];
	v1 =	vmul.f32 v1, v11  }
0xd8: {  	v17 =	vld [tilespmem:s8+$0x44F0];
	v2 =	vmul.f32 v2, v11  }
0xd9: {  	v3 =	vmul.f32 v3, v11;
	[tilespmem:s8+$0x10400] =	vst.add.f32.msk $0xffff, v1  }
0xda: {  	s10 =	sand.u32 $0xF, s7;
	v0 =	vmul.f32 v50, v11;
	[tilespmem:s8+$0x10410] =	vst.add.f32.msk $0xffff, v2  }
0xdb: {  	s7 =	sadd.s32 $0x1, s10;
	v51 =	vmul.f32 v4, v11;
	[tilespmem:s8+$0x10420] =	vst.add.f32.msk $0xffff, v3  }
0xdc: {  	v52 =	vmov s7;
	v53 =	vmul.f32 v5, v11;
	[tilespmem:s8+$0x10430] =	vst.add.f32.msk $0xffff, v0  }
0xdd: {  	v54 =	vperm.xlane v13, v52;
	v55 =	vmul.f32 v6, v11;
	[tilespmem:s8+$0x10440] =	vst.add.f32.msk $0xffff, v51  }
0xde: {  	v56 =	vmul.f32 v7, v11;
	[tilespmem:s8+$0x10450] =	vst.add.f32.msk $0xffff, v53  }
0xdf: {  	v57 =	vmul.f32 v8, v54;
	[tilespmem:s8+$0x10460] =	vst.add.f32.msk $0xffff, v55  }
0xe0: {  	v58 =	vmul.f32 v9, v54;
	[tilespmem:s8+$0x10470] =	vst.add.f32.msk $0xffff, v56  }
0xe1: {  	v59 =	vmul.f32 v10, v54;
	[tilespmem:s8+$0x10480] =	vst.add.f32.msk $0xffff, v57  }
0xe2: {  	v60 =	vmul.f32 v12, v54;
	[tilespmem:s8+$0x10490] =	vst.add.f32.msk $0xffff, v58  }
0xe3: {  	v61 =	vmul.f32 v14, v54;
	[tilespmem:s8+$0x104A0] =	vst.add.f32.msk $0xffff, v59  }
0xe4: {  	v62 =	vmul.f32 v15, v54;
	[tilespmem:s8+$0x104B0] =	vst.add.f32.msk $0xffff, v60  }
0xe5: {  	v63 =	vmul.f32 v16, v54;
	[tilespmem:s8+$0x104C0] =	vst.add.f32.msk $0xffff, v61  }
0xe6: {  	v0 =	vmul.f32 v17, v54;
	[tilespmem:s8+$0x104D0] =	vst.add.f32.msk $0xffff, v62  }
0xe7: {  	[tilespmem:s8+$0x104E0] =	vst.add.f32.msk $0xffff, v63  }
0xe8: {  	s11 =	rddreg [dreg:$0xc];
	[tilespmem:s8+$0x104F0] =	vst.add.f32.msk $0xffff, v0;
	s8 =	simm.s32 $0x0  }
0xe9: {  	[hbm4b:s11+s8] =	stream.linear.scatter [tilespmem:s24], [sflag:$0xA], $0x2000, $0x38;
	[tilespmem:$0x18400] =	vst v63  }
0xea: {  	_ =	swait.ge [sflag:s3], $0x2000  }
0xeb: {  	[sflag:s3] =	ssyncset.done $0x0  }
0xec: {  	s26 =	simm.s32 $0x4400;
	[sflag:s3] =	ssyncadd.s32 $0xFFFFE000  }
0xed: {  	[tilespmem:s26], [sflag:$0x4] =	stream.linear.gather [hbm4b:s12+s8], $0x2000, $0x38;
	[tilespmem:$0x18400] =	vst v63  }
0xee: {  	s28 =	simm.s32 $0x180  }
0xef: {  	[tilespmem:s24], [sflag:$0x7] =	stream.indirect.gather [hbm4b:s2+s22], $0x80, s28, s22, $0xb8;
	[tilespmem:$0x18400] =	vst v63  }
0xf0: {  	_ =	swait.ge [sflag:s19], $0x4000  }
0xf1: {  	[sflag:s19] =	ssyncset.done $0x0  }
0xf2: {  	[sflag:s19] =	ssyncadd.s32 $0xFFFFC000  }
0xf3: {  	_ =	swait.ge [sflag:s5], $0x4000  }
0xf4: {  	s9 =	simm.s32 $0x400;
	[sflag:s5] =	ssyncset.done $0x0  }
0xf5: {  	s7 =	simm.s32 $0x0;
	s10 =	sand.u32 $0x70, s8;
	[sflag:s5] =	ssyncadd.s32 $0xFFFFC000  }
.LBB2_6:
0xf6: {  	p0 =	sne.s32 s9, $0xFC00;
	v0 =	vld [tilespmem:s10+$0x280];
	_ =	sdelay $0x3  }
0xf7: {  	s26 =	sshra.s32 s8, $0x2;
	s8 =	smov.u32 s9  }
0xf8: {  	v0 =	vmul.f32 $1.442695020e+00, v0;
	v1 =	vld [tilespmem:s26+$0x8400]  }
0xf9: {  	v2 =	vld [tilespmem:s26+$0x8410]  }
0xfa: {  	v3 =	vld [tilespmem:s26+$0x8420];
	(erf) = vpow2.f32 v0  }
0xfb: {  	v0 =	vld [tilespmem:s26+$0x8430]  }
0xfc: {  	v4 =	vld [tilespmem:s26+$0x8440]  }
0xfd: {  	v5 =	vld [tilespmem:s26+$0x8450]  }
0xfe: {  	v6 =	vld [tilespmem:s26+$0x8460]  }
0xff: {  	v7 =	vld [tilespmem:s26+$0x8470]  }
0x100: {  	v8 =	vld [tilespmem:s26+$0x8480]  }
0x101: {  	s10 =	sand.u32 $0xF, s7;
	v9 =	vld [tilespmem:s26+$0x8490]  }
0x102: {  	s11 =	sand.u32 $0xE, s7;
	s10 =	sadd.s32 $0x1, s10;
	v10 =	vld [tilespmem:s26+$0x84A0]  }
0x103: {  	v11 =	vmov s11;
	v12 =	vmov s10;
	v13 =	vld [tilespmem:s26+$0x84B0];
	v14 =	vpop (erf)  }
0x104: {  	v11 =	vperm.xlane v14, v11;
	v12 =	vperm.xlane v14, v12;
	v14 =	vld [tilespmem:s26+$0x84C0]  }
0x105: {  	v15 =	vld [tilespmem:s26+$0x84D0]  }
0x106: {  	v1 =	vmul.f32 v1, v11;
	v2 =	vmul.f32 v2, v11;
	v16 =	vld [tilespmem:s26+$0x84E0]  }
0x107: {  	v3 =	vmul.f32 v3, v11;
	v0 =	vmul.f32 v0, v11;
	v17 =	vld [tilespmem:s26+$0x84F0]  }
0x108: {  	[tilespmem:s26+$0x14400] =	vst.add.f32.msk $0xffff, v1;
	v1 =	vmul.f32 v4, v11;
	v4 =	vmul.f32 v5, v11  }
0x109: {  	v5 =	vmul.f32 v7, v11;
	[tilespmem:s26+$0x14410] =	vst.add.f32.msk $0xffff, v2;
	v2 =	vmul.f32 v6, v11  }
0x10a: {  	v6 =	vmul.f32 v9, v12;
	[tilespmem:s26+$0x14420] =	vst.add.f32.msk $0xffff, v3;
	v3 =	vmul.f32 v8, v12  }
0x10b: {  	v7 =	vmul.f32 v13, v12;
	[tilespmem:s26+$0x14430] =	vst.add.f32.msk $0xffff, v0;
	v0 =	vmul.f32 v10, v12  }
0x10c: {  	v8 =	vmul.f32 v15, v12;
	[tilespmem:s26+$0x14440] =	vst.add.f32.msk $0xffff, v1;
	v1 =	vmul.f32 v14, v12  }
0x10d: {  	v9 =	vmul.f32 v17, v12;
	[tilespmem:s26+$0x14450] =	vst.add.f32.msk $0xffff, v4;
	v4 =	vmul.f32 v16, v12  }
0x10e: {  	[tilespmem:s26+$0x14460] =	vst.add.f32.msk $0xffff, v2  }
0x10f: {  	[tilespmem:s26+$0x14470] =	vst.add.f32.msk $0xffff, v5  }
0x110: {  	[tilespmem:s26+$0x14480] =	vst.add.f32.msk $0xffff, v3  }
0x111: {  	[tilespmem:s26+$0x14490] =	vst.add.f32.msk $0xffff, v6  }
0x112: {  	[tilespmem:s26+$0x144A0] =	vst.add.f32.msk $0xffff, v0  }
.Ltmp2:
0x113: {  	[tilespmem:s26+$0x144B0] =	vst.add.f32.msk $0xffff, v7;
	(pc) =	sbr.rel @p0 .LBB2_6-.Ltmp2, $4  }
0x114: {  	[tilespmem:s26+$0x144C0] =	vst.add.f32.msk $0xffff, v1  }
0x115: {  	[tilespmem:s26+$0x144D0] =	vst.add.f32.msk $0xffff, v8  }
0x116: {  	s7 =	sadd.s32 $0x2, s7;
	[tilespmem:s26+$0x144E0] =	vst.add.f32.msk $0xffff, v4  }
0x117: {  	s9 =	sadd.s32 $0x400, s9;
	s10 =	sand.u32 $0x70, s7;
	[tilespmem:s26+$0x144F0] =	vst.add.f32.msk $0xffff, v9  }
0x118: {  	v0 =	vld [tilespmem:s10+$0x280];
	_ =	sdelay $0x3  }
0x119: {  	s8 =	sshra.s32 s8, $0x2  }
0x11a: {  	v1 =	vld [tilespmem:s8+$0x8400];
	v0 =	vmul.f32 $1.442695020e+00, v0  }
0x11b: {  	v2 =	vld [tilespmem:s8+$0x8410]  }
0x11c: {  	v3 =	vld [tilespmem:s8+$0x8420];
	(erf) = vpow2.f32 v0  }
0x11d: {  	v63 =	vld [tilespmem:s8+$0x8430]  }
0x11e: {  	v4 =	vld [tilespmem:s8+$0x8440]  }
0x11f: {  	v5 =	vld [tilespmem:s8+$0x8450]  }
0x120: {  	v6 =	vld [tilespmem:s8+$0x8460]  }
0x121: {  	v7 =	vld [tilespmem:s8+$0x8470]  }
0x122: {  	v8 =	vld [tilespmem:s8+$0x8480]  }
0x123: {  	v9 =	vld [tilespmem:s8+$0x8490]  }
0x124: {  	s9 =	sand.u32 $0xE, s7;
	v10 =	vld [tilespmem:s8+$0x84A0]  }
0x125: {  	v11 =	vmov s9;
	v12 =	vld [tilespmem:s8+$0x84B0];
	v13 =	vpop (erf)  }
0x126: {  	v14 =	vld [tilespmem:s8+$0x84C0];
	v11 =	vperm.xlane v13, v11  }
0x127: {  	v15 =	vld [tilespmem:s8+$0x84D0]  }
0x128: {  	v16 =	vld [tilespmem:s8+$0x84E0];
	v1 =	vmul.f32 v1, v11  }
0x129: {  	v17 =	vld [tilespmem:s8+$0x84F0];
	v2 =	vmul.f32 v2, v11  }
0x12a: {  	v3 =	vmul.f32 v3, v11;
	[tilespmem:s8+$0x14400] =	vst.add.f32.msk $0xffff, v1  }
0x12b: {  	s28 =	sand.u32 $0xF, s7;
	v0 =	vmul.f32 v63, v11;
	[tilespmem:s8+$0x14410] =	vst.add.f32.msk $0xffff, v2  }
0x12c: {  	s7 =	sadd.s32 $0x1, s28;
	v19 =	vmul.f32 v4, v11;
	[tilespmem:s8+$0x14420] =	vst.add.f32.msk $0xffff, v3  }
0x12d: {  	v20 =	vmov s7;
	v21 =	vmul.f32 v5, v11;
	[tilespmem:s8+$0x14430] =	vst.add.f32.msk $0xffff, v0  }
0x12e: {  	v22 =	vperm.xlane v13, v20;
	v23 =	vmul.f32 v6, v11;
	[tilespmem:s8+$0x14440] =	vst.add.f32.msk $0xffff, v19  }
0x12f: {  	v24 =	vmul.f32 v7, v11;
	[tilespmem:s8+$0x14450] =	vst.add.f32.msk $0xffff, v21  }
0x130: {  	v25 =	vmul.f32 v8, v22;
	[tilespmem:s8+$0x14460] =	vst.add.f32.msk $0xffff, v23  }
0x131: {  	v26 =	vmul.f32 v9, v22;
	[tilespmem:s8+$0x14470] =	vst.add.f32.msk $0xffff, v24  }
0x132: {  	v27 =	vmul.f32 v10, v22;
	[tilespmem:s8+$0x14480] =	vst.add.f32.msk $0xffff, v25  }
0x133: {  	v28 =	vmul.f32 v12, v22;
	[tilespmem:s8+$0x14490] =	vst.add.f32.msk $0xffff, v26  }
0x134: {  	v29 =	vmul.f32 v14, v22;
	[tilespmem:s8+$0x144A0] =	vst.add.f32.msk $0xffff, v27  }
0x135: {  	v30 =	vmul.f32 v15, v22;
	[tilespmem:s8+$0x144B0] =	vst.add.f32.msk $0xffff, v28  }
0x136: {  	v31 =	vmul.f32 v16, v22;
	[tilespmem:s8+$0x144C0] =	vst.add.f32.msk $0xffff, v29  }
0x137: {  	v0 =	vmul.f32 v17, v22;
	[tilespmem:s8+$0x144D0] =	vst.add.f32.msk $0xffff, v30  }
0x138: {  	[tilespmem:s8+$0x144E0] =	vst.add.f32.msk $0xffff, v31  }
0x139: {  	s7 =	simm.s32 $0x0;
	[tilespmem:s8+$0x144F0] =	vst.add.f32.msk $0xffff, v0  }
0x13a: {  	[hbm4b:s13+s7] =	stream.linear.scatter [tilespmem:s29], [sflag:$0xB], $0x4000, $0x38;
	[tilespmem:$0x18400] =	vst v63  }
0x13b: {  	_ =	swait.ge [sflag:s20], $0x4000  }
0x13c: {  	[sflag:s20] =	ssyncset.done $0x0  }
0x13d: {  	s9 =	simm.s32 $0x8400;
	[sflag:s20] =	ssyncadd.s32 $0xFFFFC000  }
0x13e: {  	[tilespmem:s9], [sflag:$0x5] =	stream.linear.gather [hbm4b:s14+s7], $0x2000, $0x38;
	[tilespmem:$0x18400] =	vst v63  }
0x13f: {  	s10 =	simm.s32 $0x1C0  }
0x140: {  	[tilespmem:s29], [sflag:$0x8] =	stream.indirect.gather [hbm4b:s2+s22], $0x80, s10, s22, $0xb8;
	[tilespmem:$0x18400] =	vst v63  }
0x141: {  	_ =	swait.ge [sflag:s30], $0x4000  }
0x142: {  	[sflag:s30] =	ssyncset.done $0x0  }
0x143: {  	[sflag:s30] =	ssyncadd.s32 $0xFFFFC000  }
0x144: {  	_ =	swait.ge [sflag:s31], $0x4000  }
0x145: {  	[sflag:s31] =	ssyncset.done $0x0  }
0x146: {  	s11 =	sand.u32 $0x70, s7;
	[sflag:s31] =	ssyncadd.s32 $0xFFFFC000  }
0x147: {  	v32 =	vld [tilespmem:s11+$0x300];
	_ =	sdelay $0x3  }
0x148: {  	s28 =	simm.s32 $0x0  }
0x149: {  	v33 =	vld [tilespmem:s28+$0x400];
	v0 =	vmul.f32 $1.442695020e+00, v32  }
0x14a: {  	v34 =	vld [tilespmem:s28+$0x410]  }
0x14b: {  	v35 =	vld [tilespmem:s28+$0x420];
	(erf) = vpow2.f32 v0  }
0x14c: {  	v36 =	vld [tilespmem:s28+$0x430]  }
0x14d: {  	v37 =	vld [tilespmem:s28+$0x440]  }
0x14e: {  	v38 =	vld [tilespmem:s28+$0x450]  }
0x14f: {  	v39 =	vld [tilespmem:s28+$0x460]  }
0x150: {  	v40 =	vld [tilespmem:s28+$0x470]  }
0x151: {  	v41 =	vld [tilespmem:s28+$0x480]  }
0x152: {  	v42 =	vld [tilespmem:s28+$0x490]  }
0x153: {  	s26 =	sand.u32 $0xE, s7;
	v43 =	vld [tilespmem:s28+$0x4A0]  }
0x154: {  	v44 =	vmov s26;
	v45 =	vld [tilespmem:s28+$0x4B0];
	v46 =	vpop (erf)  }
0x155: {  	v47 =	vld [tilespmem:s28+$0x4C0];
	v11 =	vperm.xlane v46, v44  }
0x156: {  	v48 =	vld [tilespmem:s28+$0x4D0]  }
0x157: {  	v49 =	vld [tilespmem:s28+$0x4E0];
	v1 =	vmul.f32 v33, v11  }
0x158: {  	v50 =	vld [tilespmem:s28+$0x4F0];
	v2 =	vmul.f32 v34, v11  }
0x159: {  	v3 =	vmul.f32 v35, v11;
	[tilespmem:s28+$0xC400] =	vst.add.f32.msk $0xffff, v1  }
0x15a: {  	s7 =	sand.u32 $0xFFFFFFF0, s7;
	v0 =	vmul.f32 v36, v11;
	[tilespmem:s28+$0xC410] =	vst.add.f32.msk $0xffff, v2  }
0x15b: {  	s7 =	ssub.s32 $0x1, s7;
	v51 =	vmul.f32 v37, v11;
	[tilespmem:s28+$0xC420] =	vst.add.f32.msk $0xffff, v3  }
0x15c: {  	v52 =	vmov s7;
	v53 =	vmul.f32 v38, v11;
	[tilespmem:s28+$0xC430] =	vst.add.f32.msk $0xffff, v0  }
0x15d: {  	v54 =	vperm.xlane v46, v52;
	v55 =	vmul.f32 v39, v11;
	[tilespmem:s28+$0xC440] =	vst.add.f32.msk $0xffff, v51  }
0x15e: {  	v56 =	vmul.f32 v40, v11;
	[tilespmem:s28+$0xC450] =	vst.add.f32.msk $0xffff, v53  }
0x15f: {  	v57 =	vmul.f32 v41, v54;
	[tilespmem:s28+$0xC460] =	vst.add.f32.msk $0xffff, v55  }
0x160: {  	v58 =	vmul.f32 v42, v54;
	[tilespmem:s28+$0xC470] =	vst.add.f32.msk $0xffff, v56  }
0x161: {  	v59 =	vmul.f32 v43, v54;
	[tilespmem:s28+$0xC480] =	vst.add.f32.msk $0xffff, v57  }
0x162: {  	v60 =	vmul.f32 v45, v54;
	[tilespmem:s28+$0xC490] =	vst.add.f32.msk $0xffff, v58  }
0x163: {  	v61 =	vmul.f32 v47, v54;
	[tilespmem:s28+$0xC4A0] =	vst.add.f32.msk $0xffff, v59  }
0x164: {  	v62 =	vmul.f32 v48, v54;
	[tilespmem:s28+$0xC4B0] =	vst.add.f32.msk $0xffff, v60  }
0x165: {  	v63 =	vmul.f32 v49, v54;
	[tilespmem:s28+$0xC4C0] =	vst.add.f32.msk $0xffff, v61  }
0x166: {  	v0 =	vmul.f32 v50, v54;
	[tilespmem:s28+$0xC4D0] =	vst.add.f32.msk $0xffff, v62  }
0x167: {  	s26 =	simm.s32 $0x400;
	s8 =	simm.s32 $0x2;
	[tilespmem:s28+$0xC4E0] =	vst.add.f32.msk $0xffff, v63  }
0x168: {  	s9 =	simm.s32 $0x800;
	s7 =	simm.s32 $0x1;
	s10 =	sand.u32 $0x70, s8;
	[tilespmem:s28+$0xC4F0] =	vst.add.f32.msk $0xffff, v0  }
.LBB2_8:
0x169: {  	p0 =	sne.s32 s9, $0xFC00;
	v0 =	vld [tilespmem:s10+$0x300];
	_ =	sdelay $0x3  }
0x16a: {  	s28 =	sshra.s32 s26, $0x2;
	s26 =	smov.u32 s9  }
0x16b: {  	v0 =	vmul.f32 $1.442695020e+00, v0;
	v1 =	vld [tilespmem:s28+$0x400]  }
0x16c: {  	v2 =	vld [tilespmem:s28+$0x410]  }
0x16d: {  	v3 =	vld [tilespmem:s28+$0x420];
	(erf) = vpow2.f32 v0  }
0x16e: {  	v0 =	vld [tilespmem:s28+$0x430]  }
0x16f: {  	v4 =	vld [tilespmem:s28+$0x440]  }
0x170: {  	v5 =	vld [tilespmem:s28+$0x450]  }
0x171: {  	v6 =	vld [tilespmem:s28+$0x460]  }
0x172: {  	v7 =	vld [tilespmem:s28+$0x470]  }
0x173: {  	v8 =	vld [tilespmem:s28+$0x480]  }
0x174: {  	s10 =	sand.u32 $0xFFFFFFF0, s8;
	s7 =	sadd.s32 $0x2, s7;
	v9 =	vld [tilespmem:s28+$0x490]  }
0x175: {  	s11 =	sand.u32 $0xE, s8;
	s10 =	ssub.s32 s7, s10;
	v10 =	vld [tilespmem:s28+$0x4A0]  }
0x176: {  	v11 =	vmov s11;
	v12 =	vmov s10;
	v13 =	vld [tilespmem:s28+$0x4B0];
	v14 =	vpop (erf)  }
0x177: {  	v11 =	vperm.xlane v14, v11;
	v12 =	vperm.xlane v14, v12;
	v14 =	vld [tilespmem:s28+$0x4C0]  }
0x178: {  	v15 =	vld [tilespmem:s28+$0x4D0]  }
0x179: {  	v1 =	vmul.f32 v1, v11;
	v2 =	vmul.f32 v2, v11;
	v16 =	vld [tilespmem:s28+$0x4E0]  }
0x17a: {  	v3 =	vmul.f32 v3, v11;
	v0 =	vmul.f32 v0, v11;
	v17 =	vld [tilespmem:s28+$0x4F0]  }
0x17b: {  	[tilespmem:s28+$0xC400] =	vst.add.f32.msk $0xffff, v1;
	v1 =	vmul.f32 v4, v11;
	v4 =	vmul.f32 v5, v11  }
0x17c: {  	v5 =	vmul.f32 v7, v11;
	[tilespmem:s28+$0xC410] =	vst.add.f32.msk $0xffff, v2;
	v2 =	vmul.f32 v6, v11  }
0x17d: {  	v6 =	vmul.f32 v9, v12;
	[tilespmem:s28+$0xC420] =	vst.add.f32.msk $0xffff, v3;
	v3 =	vmul.f32 v8, v12  }
0x17e: {  	v7 =	vmul.f32 v13, v12;
	[tilespmem:s28+$0xC430] =	vst.add.f32.msk $0xffff, v0;
	v0 =	vmul.f32 v10, v12  }
0x17f: {  	v8 =	vmul.f32 v15, v12;
	[tilespmem:s28+$0xC440] =	vst.add.f32.msk $0xffff, v1;
	v1 =	vmul.f32 v14, v12  }
0x180: {  	v9 =	vmul.f32 v17, v12;
	[tilespmem:s28+$0xC450] =	vst.add.f32.msk $0xffff, v4;
	v4 =	vmul.f32 v16, v12  }
0x181: {  	[tilespmem:s28+$0xC460] =	vst.add.f32.msk $0xffff, v2  }
0x182: {  	[tilespmem:s28+$0xC470] =	vst.add.f32.msk $0xffff, v5  }
0x183: {  	[tilespmem:s28+$0xC480] =	vst.add.f32.msk $0xffff, v3  }
0x184: {  	[tilespmem:s28+$0xC490] =	vst.add.f32.msk $0xffff, v6  }
0x185: {  	[tilespmem:s28+$0xC4A0] =	vst.add.f32.msk $0xffff, v0  }
.Ltmp3:
0x186: {  	[tilespmem:s28+$0xC4B0] =	vst.add.f32.msk $0xffff, v7;
	(pc) =	sbr.rel @p0 .LBB2_8-.Ltmp3, $4  }
0x187: {  	[tilespmem:s28+$0xC4C0] =	vst.add.f32.msk $0xffff, v1  }
0x188: {  	[tilespmem:s28+$0xC4D0] =	vst.add.f32.msk $0xffff, v8  }
0x189: {  	s8 =	sadd.s32 $0x2, s8;
	[tilespmem:s28+$0xC4E0] =	vst.add.f32.msk $0xffff, v4  }
0x18a: {  	s9 =	sadd.s32 $0x400, s9;
	s10 =	sand.u32 $0x70, s8;
	[tilespmem:s28+$0xC4F0] =	vst.add.f32.msk $0xffff, v9  }
0x18b: {  	v0 =	vld [tilespmem:s10+$0x300];
	_ =	sdelay $0x3  }
0x18c: {  	s9 =	sshra.s32 s26, $0x2  }
0x18d: {  	v1 =	vld [tilespmem:s9+$0x400];
	v0 =	vmul.f32 $1.442695020e+00, v0  }
0x18e: {  	v2 =	vld [tilespmem:s9+$0x410]  }
0x18f: {  	v3 =	vld [tilespmem:s9+$0x420];
	(erf) = vpow2.f32 v0  }
0x190: {  	v50 =	vld [tilespmem:s9+$0x430]  }
0x191: {  	v4 =	vld [tilespmem:s9+$0x440]  }
0x192: {  	v5 =	vld [tilespmem:s9+$0x450]  }
0x193: {  	v6 =	vld [tilespmem:s9+$0x460]  }
0x194: {  	v7 =	vld [tilespmem:s9+$0x470]  }
0x195: {  	v8 =	vld [tilespmem:s9+$0x480]  }
0x196: {  	v9 =	vld [tilespmem:s9+$0x490]  }
0x197: {  	s26 =	sand.u32 $0xE, s8;
	v10 =	vld [tilespmem:s9+$0x4A0]  }
0x198: {  	v11 =	vmov s26;
	v12 =	vld [tilespmem:s9+$0x4B0];
	v13 =	vpop (erf)  }
0x199: {  	v14 =	vld [tilespmem:s9+$0x4C0];
	v11 =	vperm.xlane v13, v11  }
0x19a: {  	v15 =	vld [tilespmem:s9+$0x4D0]  }
0x19b: {  	v16 =	vld [tilespmem:s9+$0x4E0];
	v1 =	vmul.f32 v1, v11  }
0x19c: {  	v17 =	vld [tilespmem:s9+$0x4F0];
	v2 =	vmul.f32 v2, v11  }
0x19d: {  	v3 =	vmul.f32 v3, v11;
	[tilespmem:s9+$0xC400] =	vst.add.f32.msk $0xffff, v1  }
0x19e: {  	s28 =	sand.u32 $0xFFFFFFF0, s8;
	s7 =	sadd.s32 $0x2, s7;
	v0 =	vmul.f32 v50, v11;
	[tilespmem:s9+$0xC410] =	vst.add.f32.msk $0xffff, v2  }
0x19f: {  	s7 =	ssub.s32 s7, s28;
	v51 =	vmul.f32 v4, v11;
	[tilespmem:s9+$0xC420] =	vst.add.f32.msk $0xffff, v3  }
0x1a0: {  	v52 =	vmov s7;
	v53 =	vmul.f32 v5, v11;
	[tilespmem:s9+$0xC430] =	vst.add.f32.msk $0xffff, v0  }
0x1a1: {  	v54 =	vperm.xlane v13, v52;
	v55 =	vmul.f32 v6, v11;
	[tilespmem:s9+$0xC440] =	vst.add.f32.msk $0xffff, v51  }
0x1a2: {  	v56 =	vmul.f32 v7, v11;
	[tilespmem:s9+$0xC450] =	vst.add.f32.msk $0xffff, v53  }
0x1a3: {  	v57 =	vmul.f32 v8, v54;
	[tilespmem:s9+$0xC460] =	vst.add.f32.msk $0xffff, v55  }
0x1a4: {  	v58 =	vmul.f32 v9, v54;
	[tilespmem:s9+$0xC470] =	vst.add.f32.msk $0xffff, v56  }
0x1a5: {  	v59 =	vmul.f32 v10, v54;
	[tilespmem:s9+$0xC480] =	vst.add.f32.msk $0xffff, v57  }
0x1a6: {  	v60 =	vmul.f32 v12, v54;
	[tilespmem:s9+$0xC490] =	vst.add.f32.msk $0xffff, v58  }
0x1a7: {  	v61 =	vmul.f32 v14, v54;
	[tilespmem:s9+$0xC4A0] =	vst.add.f32.msk $0xffff, v59  }
0x1a8: {  	v62 =	vmul.f32 v15, v54;
	[tilespmem:s9+$0xC4B0] =	vst.add.f32.msk $0xffff, v60  }
0x1a9: {  	v63 =	vmul.f32 v16, v54;
	[tilespmem:s9+$0xC4C0] =	vst.add.f32.msk $0xffff, v61  }
0x1aa: {  	v0 =	vmul.f32 v17, v54;
	[tilespmem:s9+$0xC4D0] =	vst.add.f32.msk $0xffff, v62  }
0x1ab: {  	[tilespmem:s9+$0xC4E0] =	vst.add.f32.msk $0xffff, v63  }
0x1ac: {  	s8 =	simm.s32 $0x0;
	[tilespmem:s9+$0xC4F0] =	vst.add.f32.msk $0xffff, v0  }
0x1ad: {  	[hbm4b:s15+s8] =	stream.linear.scatter [tilespmem:s23], [sflag:$0x9], $0x4000, $0x38;
	[tilespmem:$0x18400] =	vst v63  }
0x1ae: {  	_ =	swait.ge [sflag:s1], $0x2000  }
0x1af: {  	[sflag:s1] =	ssyncset.done $0x0  }
0x1b0: {  	[sflag:s1] =	ssyncadd.s32 $0xFFFFE000  }
0x1b1: {  	_ =	swait.ge [sflag:s21], $0x2000  }
0x1b2: {  	s10 =	sand.u32 $0x30, s8;
	[sflag:s21] =	ssyncset.done $0x0  }
0x1b3: {  	s7 =	simm.s32 $0x0;
	s9 =	simm.s32 $0x400;
	[sflag:s21] =	ssyncadd.s32 $0xFFFFE000  }
.LBB2_10:
0x1b4: {  	p0 =	sne.s32 s9, $0x7C00;
	v0 =	vld [tilespmem:s10+$0x380];
	_ =	sdelay $0x3  }
0x1b5: {  	s26 =	sshra.s32 s8, $0x2;
	s8 =	smov.u32 s9  }
0x1b6: {  	v0 =	vmul.f32 $1.442695020e+00, v0;
	v1 =	vld [tilespmem:s26+$0x4400]  }
0x1b7: {  	v2 =	vld [tilespmem:s26+$0x4410]  }
0x1b8: {  	v3 =	vld [tilespmem:s26+$0x4420];
	(erf) = vpow2.f32 v0  }
0x1b9: {  	v0 =	vld [tilespmem:s26+$0x4430]  }
0x1ba: {  	v4 =	vld [tilespmem:s26+$0x4440]  }
0x1bb: {  	v5 =	vld [tilespmem:s26+$0x4450]  }
0x1bc: {  	v6 =	vld [tilespmem:s26+$0x4460]  }
0x1bd: {  	v7 =	vld [tilespmem:s26+$0x4470]  }
0x1be: {  	v8 =	vld [tilespmem:s26+$0x4480]  }
0x1bf: {  	s10 =	sand.u32 $0xF, s7;
	v9 =	vld [tilespmem:s26+$0x4490]  }
0x1c0: {  	s11 =	sand.u32 $0xE, s7;
	s10 =	sadd.s32 $0x1, s10;
	v10 =	vld [tilespmem:s26+$0x44A0]  }
0x1c1: {  	v11 =	vmov s11;
	v12 =	vmov s10;
	v13 =	vld [tilespmem:s26+$0x44B0];
	v14 =	vpop (erf)  }
0x1c2: {  	v11 =	vperm.xlane v14, v11;
	v12 =	vperm.xlane v14, v12;
	v14 =	vld [tilespmem:s26+$0x44C0]  }
0x1c3: {  	v15 =	vld [tilespmem:s26+$0x44D0]  }
0x1c4: {  	v1 =	vmul.f32 v1, v11;
	v2 =	vmul.f32 v2, v11;
	v16 =	vld [tilespmem:s26+$0x44E0]  }
0x1c5: {  	v3 =	vmul.f32 v3, v11;
	v0 =	vmul.f32 v0, v11;
	v17 =	vld [tilespmem:s26+$0x44F0]  }
0x1c6: {  	[tilespmem:s26+$0x10400] =	vst.add.f32.msk $0xffff, v1;
	v1 =	vmul.f32 v4, v11;
	v4 =	vmul.f32 v5, v11  }
0x1c7: {  	v5 =	vmul.f32 v7, v11;
	[tilespmem:s26+$0x10410] =	vst.add.f32.msk $0xffff, v2;
	v2 =	vmul.f32 v6, v11  }
0x1c8: {  	v6 =	vmul.f32 v9, v12;
	[tilespmem:s26+$0x10420] =	vst.add.f32.msk $0xffff, v3;
	v3 =	vmul.f32 v8, v12  }
0x1c9: {  	v7 =	vmul.f32 v13, v12;
	[tilespmem:s26+$0x10430] =	vst.add.f32.msk $0xffff, v0;
	v0 =	vmul.f32 v10, v12  }
0x1ca: {  	v8 =	vmul.f32 v15, v12;
	[tilespmem:s26+$0x10440] =	vst.add.f32.msk $0xffff, v1;
	v1 =	vmul.f32 v14, v12  }
0x1cb: {  	v9 =	vmul.f32 v17, v12;
	[tilespmem:s26+$0x10450] =	vst.add.f32.msk $0xffff, v4;
	v4 =	vmul.f32 v16, v12  }
0x1cc: {  	[tilespmem:s26+$0x10460] =	vst.add.f32.msk $0xffff, v2  }
0x1cd: {  	[tilespmem:s26+$0x10470] =	vst.add.f32.msk $0xffff, v5  }
0x1ce: {  	[tilespmem:s26+$0x10480] =	vst.add.f32.msk $0xffff, v3  }
0x1cf: {  	[tilespmem:s26+$0x10490] =	vst.add.f32.msk $0xffff, v6  }
0x1d0: {  	[tilespmem:s26+$0x104A0] =	vst.add.f32.msk $0xffff, v0  }
.Ltmp4:
0x1d1: {  	[tilespmem:s26+$0x104B0] =	vst.add.f32.msk $0xffff, v7;
	(pc) =	sbr.rel @p0 .LBB2_10-.Ltmp4, $4  }
0x1d2: {  	[tilespmem:s26+$0x104C0] =	vst.add.f32.msk $0xffff, v1  }
0x1d3: {  	[tilespmem:s26+$0x104D0] =	vst.add.f32.msk $0xffff, v8  }
0x1d4: {  	s7 =	sadd.s32 $0x2, s7;
	[tilespmem:s26+$0x104E0] =	vst.add.f32.msk $0xffff, v4  }
0x1d5: {  	s9 =	sadd.s32 $0x400, s9;
	s10 =	sand.u32 $0x30, s7;
	[tilespmem:s26+$0x104F0] =	vst.add.f32.msk $0xffff, v9  }
0x1d6: {  	v0 =	vld [tilespmem:s10+$0x380];
	_ =	sdelay $0x3  }
0x1d7: {  	s8 =	sshra.s32 s8, $0x2  }
0x1d8: {  	v1 =	vld [tilespmem:s8+$0x4400];
	v0 =	vmul.f32 $1.442695020e+00, v0  }
0x1d9: {  	v2 =	vld [tilespmem:s8+$0x4410]  }
0x1da: {  	v3 =	vld [tilespmem:s8+$0x4420];
	(erf) = vpow2.f32 v0  }
0x1db: {  	v50 =	vld [tilespmem:s8+$0x4430]  }
0x1dc: {  	v4 =	vld [tilespmem:s8+$0x4440]  }
0x1dd: {  	v5 =	vld [tilespmem:s8+$0x4450]  }
0x1de: {  	v6 =	vld [tilespmem:s8+$0x4460]  }
0x1df: {  	v7 =	vld [tilespmem:s8+$0x4470]  }
0x1e0: {  	v8 =	vld [tilespmem:s8+$0x4480]  }
0x1e1: {  	v9 =	vld [tilespmem:s8+$0x4490]  }
0x1e2: {  	s9 =	sand.u32 $0xE, s7;
	v10 =	vld [tilespmem:s8+$0x44A0]  }
0x1e3: {  	v11 =	vmov s9;
	v12 =	vld [tilespmem:s8+$0x44B0];
	v13 =	vpop (erf)  }
0x1e4: {  	v14 =	vld [tilespmem:s8+$0x44C0];
	v11 =	vperm.xlane v13, v11  }
0x1e5: {  	v15 =	vld [tilespmem:s8+$0x44D0]  }
0x1e6: {  	v16 =	vld [tilespmem:s8+$0x44E0];
	v1 =	vmul.f32 v1, v11  }
0x1e7: {  	v17 =	vld [tilespmem:s8+$0x44F0];
	v2 =	vmul.f32 v2, v11  }
0x1e8: {  	v3 =	vmul.f32 v3, v11;
	[tilespmem:s8+$0x10400] =	vst.add.f32.msk $0xffff, v1  }
0x1e9: {  	s28 =	sand.u32 $0xF, s7;
	v0 =	vmul.f32 v50, v11;
	[tilespmem:s8+$0x10410] =	vst.add.f32.msk $0xffff, v2  }
0x1ea: {  	s7 =	sadd.s32 $0x1, s28;
	v51 =	vmul.f32 v4, v11;
	[tilespmem:s8+$0x10420] =	vst.add.f32.msk $0xffff, v3  }
0x1eb: {  	v52 =	vmov s7;
	v53 =	vmul.f32 v5, v11;
	[tilespmem:s8+$0x10430] =	vst.add.f32.msk $0xffff, v0  }
0x1ec: {  	v54 =	vperm.xlane v13, v52;
	v55 =	vmul.f32 v6, v11;
	[tilespmem:s8+$0x10440] =	vst.add.f32.msk $0xffff, v51  }
0x1ed: {  	v56 =	vmul.f32 v7, v11;
	[tilespmem:s8+$0x10450] =	vst.add.f32.msk $0xffff, v53  }
0x1ee: {  	v57 =	vmul.f32 v8, v54;
	[tilespmem:s8+$0x10460] =	vst.add.f32.msk $0xffff, v55  }
0x1ef: {  	v58 =	vmul.f32 v9, v54;
	[tilespmem:s8+$0x10470] =	vst.add.f32.msk $0xffff, v56  }
0x1f0: {  	v59 =	vmul.f32 v10, v54;
	[tilespmem:s8+$0x10480] =	vst.add.f32.msk $0xffff, v57  }
0x1f1: {  	v60 =	vmul.f32 v12, v54;
	[tilespmem:s8+$0x10490] =	vst.add.f32.msk $0xffff, v58  }
0x1f2: {  	v61 =	vmul.f32 v14, v54;
	[tilespmem:s8+$0x104A0] =	vst.add.f32.msk $0xffff, v59  }
0x1f3: {  	v62 =	vmul.f32 v15, v54;
	[tilespmem:s8+$0x104B0] =	vst.add.f32.msk $0xffff, v60  }
0x1f4: {  	v63 =	vmul.f32 v16, v54;
	[tilespmem:s8+$0x104C0] =	vst.add.f32.msk $0xffff, v61  }
0x1f5: {  	v0 =	vmul.f32 v17, v54;
	[tilespmem:s8+$0x104D0] =	vst.add.f32.msk $0xffff, v62  }
0x1f6: {  	[tilespmem:s8+$0x104E0] =	vst.add.f32.msk $0xffff, v63  }
0x1f7: {  	[tilespmem:s8+$0x104F0] =	vst.add.f32.msk $0xffff, v0;
	s8 =	simm.s32 $0x0  }
0x1f8: {  	[hbm4b:s16+s8] =	stream.linear.scatter [tilespmem:s24], [sflag:$0xA], $0x2000, $0x38;
	[tilespmem:$0x18400] =	vst v63  }
0x1f9: {  	_ =	swait.ge [sflag:s19], $0x2000  }
0x1fa: {  	[sflag:s19] =	ssyncset.done $0x0  }
0x1fb: {  	[sflag:s19] =	ssyncadd.s32 $0xFFFFE000  }
0x1fc: {  	_ =	swait.ge [sflag:s5], $0x2000  }
0x1fd: {  	s9 =	simm.s32 $0x400;
	[sflag:s5] =	ssyncset.done $0x0  }
0x1fe: {  	s7 =	simm.s32 $0x0;
	s10 =	sand.u32 $0x30, s8;
	[sflag:s5] =	ssyncadd.s32 $0xFFFFE000  }
.LBB2_12:
0x1ff: {  	p0 =	sne.s32 s9, $0x7C00;
	v0 =	vld [tilespmem:s10+$0x3C0];
	_ =	sdelay $0x3  }
0x200: {  	s26 =	sshra.s32 s8, $0x2;
	s8 =	smov.u32 s9  }
0x201: {  	v0 =	vmul.f32 $1.442695020e+00, v0;
	v1 =	vld [tilespmem:s26+$0x8400]  }
0x202: {  	v2 =	vld [tilespmem:s26+$0x8410]  }
0x203: {  	v3 =	vld [tilespmem:s26+$0x8420];
	(erf) = vpow2.f32 v0  }
0x204: {  	v0 =	vld [tilespmem:s26+$0x8430]  }
0x205: {  	v4 =	vld [tilespmem:s26+$0x8440]  }
0x206: {  	v5 =	vld [tilespmem:s26+$0x8450]  }
0x207: {  	v6 =	vld [tilespmem:s26+$0x8460]  }
0x208: {  	v7 =	vld [tilespmem:s26+$0x8470]  }
0x209: {  	v8 =	vld [tilespmem:s26+$0x8480]  }
0x20a: {  	s10 =	sand.u32 $0xF, s7;
	v9 =	vld [tilespmem:s26+$0x8490]  }
0x20b: {  	s11 =	sand.u32 $0xE, s7;
	s10 =	sadd.s32 $0x1, s10;
	v10 =	vld [tilespmem:s26+$0x84A0]  }
0x20c: {  	v11 =	vmov s11;
	v12 =	vmov s10;
	v13 =	vld [tilespmem:s26+$0x84B0];
	v14 =	vpop (erf)  }
0x20d: {  	v11 =	vperm.xlane v14, v11;
	v12 =	vperm.xlane v14, v12;
	v14 =	vld [tilespmem:s26+$0x84C0]  }
0x20e: {  	v15 =	vld [tilespmem:s26+$0x84D0]  }
0x20f: {  	v1 =	vmul.f32 v1, v11;
	v2 =	vmul.f32 v2, v11;
	v16 =	vld [tilespmem:s26+$0x84E0]  }
0x210: {  	v3 =	vmul.f32 v3, v11;
	v0 =	vmul.f32 v0, v11;
	v17 =	vld [tilespmem:s26+$0x84F0]  }
0x211: {  	[tilespmem:s26+$0x14400] =	vst.add.f32.msk $0xffff, v1;
	v1 =	vmul.f32 v4, v11;
	v4 =	vmul.f32 v5, v11  }
0x212: {  	v5 =	vmul.f32 v7, v11;
	[tilespmem:s26+$0x14410] =	vst.add.f32.msk $0xffff, v2;
	v2 =	vmul.f32 v6, v11  }
0x213: {  	v6 =	vmul.f32 v9, v12;
	[tilespmem:s26+$0x14420] =	vst.add.f32.msk $0xffff, v3;
	v3 =	vmul.f32 v8, v12  }
0x214: {  	v7 =	vmul.f32 v13, v12;
	[tilespmem:s26+$0x14430] =	vst.add.f32.msk $0xffff, v0;
	v0 =	vmul.f32 v10, v12  }
0x215: {  	v8 =	vmul.f32 v15, v12;
	[tilespmem:s26+$0x14440] =	vst.add.f32.msk $0xffff, v1;
	v1 =	vmul.f32 v14, v12  }
0x216: {  	v9 =	vmul.f32 v17, v12;
	[tilespmem:s26+$0x14450] =	vst.add.f32.msk $0xffff, v4;
	v4 =	vmul.f32 v16, v12  }
0x217: {  	[tilespmem:s26+$0x14460] =	vst.add.f32.msk $0xffff, v2  }
0x218: {  	[tilespmem:s26+$0x14470] =	vst.add.f32.msk $0xffff, v5  }
0x219: {  	[tilespmem:s26+$0x14480] =	vst.add.f32.msk $0xffff, v3  }
0x21a: {  	[tilespmem:s26+$0x14490] =	vst.add.f32.msk $0xffff, v6  }
0x21b: {  	[tilespmem:s26+$0x144A0] =	vst.add.f32.msk $0xffff, v0  }
.Ltmp5:
0x21c: {  	[tilespmem:s26+$0x144B0] =	vst.add.f32.msk $0xffff, v7;
	(pc) =	sbr.rel @p0 .LBB2_12-.Ltmp5, $4  }
0x21d: {  	[tilespmem:s26+$0x144C0] =	vst.add.f32.msk $0xffff, v1  }
0x21e: {  	[tilespmem:s26+$0x144D0] =	vst.add.f32.msk $0xffff, v8  }
0x21f: {  	s7 =	sadd.s32 $0x2, s7;
	[tilespmem:s26+$0x144E0] =	vst.add.f32.msk $0xffff, v4  }
0x220: {  	s9 =	sadd.s32 $0x400, s9;
	s10 =	sand.u32 $0x30, s7;
	[tilespmem:s26+$0x144F0] =	vst.add.f32.msk $0xffff, v9  }
0x221: {  	v0 =	vld [tilespmem:s10+$0x3C0];
	_ =	sdelay $0x3  }
0x222: {  	s8 =	sshra.s32 s8, $0x2  }
0x223: {  	v1 =	vld [tilespmem:s8+$0x8400];
	v0 =	vmul.f32 $1.442695020e+00, v0  }
0x224: {  	v2 =	vld [tilespmem:s8+$0x8410]  }
0x225: {  	v3 =	vld [tilespmem:s8+$0x8420];
	(erf) = vpow2.f32 v0  }
0x226: {  	v50 =	vld [tilespmem:s8+$0x8430]  }
0x227: {  	v4 =	vld [tilespmem:s8+$0x8440]  }
0x228: {  	v5 =	vld [tilespmem:s8+$0x8450]  }
0x229: {  	v6 =	vld [tilespmem:s8+$0x8460]  }
0x22a: {  	v7 =	vld [tilespmem:s8+$0x8470]  }
0x22b: {  	v8 =	vld [tilespmem:s8+$0x8480]  }
0x22c: {  	v9 =	vld [tilespmem:s8+$0x8490]  }
0x22d: {  	s9 =	sand.u32 $0xE, s7;
	v10 =	vld [tilespmem:s8+$0x84A0]  }
0x22e: {  	v11 =	vmov s9;
	v12 =	vld [tilespmem:s8+$0x84B0];
	v13 =	vpop (erf)  }
0x22f: {  	v14 =	vld [tilespmem:s8+$0x84C0];
	v11 =	vperm.xlane v13, v11  }
0x230: {  	v15 =	vld [tilespmem:s8+$0x84D0]  }
0x231: {  	v16 =	vld [tilespmem:s8+$0x84E0];
	v1 =	vmul.f32 v1, v11  }
0x232: {  	v17 =	vld [tilespmem:s8+$0x84F0];
	v2 =	vmul.f32 v2, v11  }
0x233: {  	v3 =	vmul.f32 v3, v11;
	[tilespmem:s8+$0x14400] =	vst.add.f32.msk $0xffff, v1  }
0x234: {  	s28 =	sand.u32 $0xF, s7;
	v0 =	vmul.f32 v50, v11;
	[tilespmem:s8+$0x14410] =	vst.add.f32.msk $0xffff, v2  }
0x235: {  	s7 =	sadd.s32 $0x1, s28;
	v51 =	vmul.f32 v4, v11;
	[tilespmem:s8+$0x14420] =	vst.add.f32.msk $0xffff, v3  }
0x236: {  	v52 =	vmov s7;
	v53 =	vmul.f32 v5, v11;
	[tilespmem:s8+$0x14430] =	vst.add.f32.msk $0xffff, v0  }
0x237: {  	v54 =	vperm.xlane v13, v52;
	v55 =	vmul.f32 v6, v11;
	[tilespmem:s8+$0x14440] =	vst.add.f32.msk $0xffff, v51  }
0x238: {  	v56 =	vmul.f32 v7, v11;
	[tilespmem:s8+$0x14450] =	vst.add.f32.msk $0xffff, v53  }
0x239: {  	v57 =	vmul.f32 v8, v54;
	[tilespmem:s8+$0x14460] =	vst.add.f32.msk $0xffff, v55  }
0x23a: {  	v58 =	vmul.f32 v9, v54;
	[tilespmem:s8+$0x14470] =	vst.add.f32.msk $0xffff, v56  }
0x23b: {  	v59 =	vmul.f32 v10, v54;
	[tilespmem:s8+$0x14480] =	vst.add.f32.msk $0xffff, v57  }
0x23c: {  	v60 =	vmul.f32 v12, v54;
	[tilespmem:s8+$0x14490] =	vst.add.f32.msk $0xffff, v58  }
0x23d: {  	v61 =	vmul.f32 v14, v54;
	[tilespmem:s8+$0x144A0] =	vst.add.f32.msk $0xffff, v59  }
0x23e: {  	v62 =	vmul.f32 v15, v54;
	[tilespmem:s8+$0x144B0] =	vst.add.f32.msk $0xffff, v60  }
0x23f: {  	v63 =	vmul.f32 v16, v54;
	[tilespmem:s8+$0x144C0] =	vst.add.f32.msk $0xffff, v61  }
0x240: {  	v0 =	vmul.f32 v17, v54;
	[tilespmem:s8+$0x144D0] =	vst.add.f32.msk $0xffff, v62  }
0x241: {  	[tilespmem:s8+$0x144E0] =	vst.add.f32.msk $0xffff, v63  }
0x242: {  	[tilespmem:s8+$0x144F0] =	vst.add.f32.msk $0xffff, v0  }
0x243: {  	[hbm4b:s17+s4] =	stream.linear.scatter [tilespmem:s29], [sflag:$0xB], $0x2000, $0x38;
	[tilespmem:$0x18400] =	vst v63  }
0x244: {  	_ =	swait.ge [sflag:s0], $0x4000  }
0x245: {  	[sflag:s0] =	ssyncset.done $0x0  }
0x246: {  	s6 =	sadd.s32 $0x1, s6;
	[sflag:s0] =	ssyncadd.s32 $0xFFFFC000  }
0x247: {  	p0 =	sne.s32 s6, s18;
	_ =	swait.ge [sflag:s3], $0x2000  }
.Ltmp6:
0x248: {  	[sflag:s3] =	ssyncset.done $0x0;
	(pc) =	sbr.rel @p0 .LBB2_1-.Ltmp6, $4  }
0x249: {  	[sflag:s3] =	ssyncadd.s32 $0xFFFFE000  }
0x24a: {  	_ =	swait.ge [sflag:s20], $0x2000  }
0x24b: {  	[sflag:s20] =	ssyncset.done $0x0  }
0x24c: {  	[sflag:s20] =	ssyncadd.s32 $0xFFFFE000  }
0x24d: {  	_ =	sfence.sel $0x180000  }
0x24e: {  	[bflag:$0x0] =	sbarrier.arrive $0xFFFF  }
0x24f: {  	_ =	strace $0x90000047  }
0x250: {  	s0 =	stileid.u32;
	[bflag:$0x2] =	sbarrier.arrive $0xFFFF  }
0x251: {  	p0 =	sne.s32 s0, $0x0;
	s0 =	rddreg [dreg:$0x5]  }
0x252: {  	s0 =	sadd.s32 @!p0 $0x100000, s0  }
0x253: {  	[sflag:s0] =	ssyncadd.tile.s32 @!p0 $0x1;
	_ =	shalt  }
.Lfunc_end2:
_tile_overlayer_lowered:
.L_overlay_start_2:
0x254: {  	(tag) =	ssettag $0x2  }
0x255: {  	s0 =	rddreg [dreg:$0x0];
	s2 =	stileid.u32  }
0x256: {  	s1 =	rddreg [dreg:$0x1];
	p0 =	sne.s32 s2, $0x0  }
0x257: {  	s3 =	rddreg [dreg:$0x2];
	[bflag:$0x3] =	sbarrier.arrive $0xFFFF;
	s2 =	simm.s32 @!p0 $0x1C0C  }
0x258: {  	[timem:s3], [sflag:s2] =	dma.local @!p0 [hbm:s0], s1  }
0x259: {  	s0 =	simm.s32 @!p0 $0xC  }
0x25a: {  	_ =	swait.ge @!p0 [sflag:s0], s1  }
0x25b: {  	s1 =	ssub.s32 @!p0 $0x0, s1;
	[sflag:s0] =	ssyncset.done @!p0 $0x0  }
0x25c: {  	[sflag:s0] =	ssyncadd.s32 @!p0 s1  }
0x25d: {  	[bflag:$0x3] =	sbarrier.arrive $0xFFFF  }
0x25e: {  	_ =	shalt  }

</sc_bundles>
